<compile_context>
chip_gen: v7x
topology: tpu7x:2x2x1
jax: 0.10.2.dev20260603
libtpu: 0.0.44.dev20260713+nightly
codegen_flags: <defaults>
</compile_context>

<pallas_src>
import dataclasses
import functools

import jax
import jax.numpy as jnp
from jax import lax
from jax.experimental import pallas as pl
from jax.experimental.pallas import tpu as pltpu
from jax.experimental.pallas import tpu_sc as plsc

N = 4096
E = 16384
D = 1024
BLK = 256
NC = 2
NS = 16
NW = NC * NS
EA = E // NW
COLS_PER_TILE = D // NW
SLAB = 8
NPASS = COLS_PER_TILE // SLAB
EW = 2048

_MESH = plsc.VectorSubcoreMesh(core_axis_name="c", subcore_axis_name="s")

_SC_PARAMS = pltpu.CompilerParams()
if "needs_layout_passes" in pltpu.CompilerParams.__dataclass_fields__:
    _SC_PARAMS = dataclasses.replace(_SC_PARAMS, needs_layout_passes=False)


def _mm_body(x_ref, w_ref, att_ref, ht_ref, sl_ref, sr_ref,
             xh_ref, xl_ref, wh_ref, wl_ref):
    i = pl.program_id(0)
    j = pl.program_id(1)

    @pl.when(jnp.logical_and(i == 0, j == 0))
    def _():
        wf = w_ref[...]
        wh = wf.astype(jnp.bfloat16)
        wh_ref[...] = wh
        wl_ref[...] = (wf - wh.astype(jnp.float32)).astype(jnp.bfloat16)

    @pl.when(j == 0)
    def _():
        xf = x_ref[...]
        xh = xf.astype(jnp.bfloat16)
        xh_ref[...] = xh
        xl_ref[...] = (xf - xh.astype(jnp.float32)).astype(jnp.bfloat16)

    xh = xh_ref[...]
    xl = xl_ref[...]
    wh = wh_ref[pl.ds(j * BLK, BLK), :]
    wl = wl_ref[pl.ds(j * BLK, BLK), :]
    dn = (((1,), (1,)), ((), ()))
    ht = (lax.dot_general(wh, xh, dn, preferred_element_type=jnp.float32)
          + lax.dot_general(wh, xl, dn, preferred_element_type=jnp.float32)
          + lax.dot_general(wl, xh, dn, preferred_element_type=jnp.float32))
    ht_ref[...] = ht
    al = att_ref[0, pl.ds(j * BLK, BLK)]
    ar = att_ref[0, pl.ds(D + j * BLK, BLK)]
    psl = jnp.sum(ht * al[:, None], axis=0)
    psr = jnp.sum(ht * ar[:, None], axis=0)

    @pl.when(j == 0)
    def _():
        sl_ref[...] = psl
        sr_ref[...] = psr

    @pl.when(j != 0)
    def _():
        sl_ref[...] += psl
        sr_ref[...] += psr


_mm_call = pl.pallas_call(
    _mm_body,
    grid=(N // BLK, D // BLK),
    in_specs=[
        pl.BlockSpec((BLK, D), lambda i, j: (i, 0)),
        pl.BlockSpec((D, D), lambda i, j: (0, 0)),
        pl.BlockSpec((1, 2 * D), lambda i, j: (0, 0)),
    ],
    out_specs=[
        pl.BlockSpec((BLK, BLK), lambda i, j: (j, i)),
        pl.BlockSpec((BLK,), lambda i, j: (i,)),
        pl.BlockSpec((BLK,), lambda i, j: (i,)),
    ],
    out_shape=[
        jax.ShapeDtypeStruct((D, N), jnp.float32),
        jax.ShapeDtypeStruct((N,), jnp.float32),
        jax.ShapeDtypeStruct((N,), jnp.float32),
    ],
    scratch_shapes=[
        pltpu.VMEM((BLK, D), jnp.bfloat16),
        pltpu.VMEM((BLK, D), jnp.bfloat16),
        pltpu.VMEM((D, D), jnp.bfloat16),
        pltpu.VMEM((D, D), jnp.bfloat16),
    ],
)


def _agg_body(ht_hbm, sl_hbm, sr_hbm, src_hbm, dst_hbm, agg_hbm, dp_hbm,
              slab, agg, src_v, dst_v, p_v, sl_v, sr_v, part, sem, sem2):
    c = lax.axis_index("c")
    s = lax.axis_index("s")
    w = c * NS + s
    col0 = w * COLS_PER_TILE

    z16 = jnp.zeros((16,), jnp.float32)
    jfull = [jnp.full((16,), j, jnp.int32) for j in range(SLAB)]

    cp = pltpu.async_copy(ht_hbm.at[pl.ds(col0, SLAB)], slab, sem2)
    pltpu.async_copy(sl_hbm, sl_v, sem).wait()
    pltpu.async_copy(sr_hbm, sr_v, sem).wait()
    pltpu.async_copy(src_hbm, src_v, sem).wait()
    pltpu.async_copy(dst_hbm, dst_v, sem).wait()

    @plsc.parallel_loop(0, E // 16, 1, unroll=4)
    def _(g):
        sv = src_v[pl.ds(g * 16, 16)]
        dv = dst_v[pl.ds(g * 16, 16)]
        a = plsc.load_gather(sl_v, [sv]) + plsc.load_gather(sr_v, [dv])
        alpha = jnp.where(a > 0, a, 0.2 * a)
        p_v[pl.ds(g * 16, 16)] = jnp.exp(alpha)

    @pl.loop(0, N // 16)
    def _(i):
        part[pl.ds(i * 16, 16)] = z16

    e0 = w * EA
    lane0 = lax.iota(jnp.int32, 16) == 0

    @pl.loop(0, EA)
    def _(i):
        ev = jnp.full((16,), e0 + i, jnp.int32)
        dsp = plsc.load_gather(dst_v, [ev])
        qv = plsc.load_gather(p_v, [ev]) - 1.0
        plsc.addupdate_scatter(part, [dsp], qv, mask=lane0)

    pltpu.sync_copy(part, dp_hbm.at[w])

    for t in range(NPASS):
        @pl.loop(0, N // 16)
        def _(i):
            for j in range(SLAB):
                agg[j, pl.ds(i * 16, 16)] = z16

        cp.wait()

        @plsc.parallel_loop(0, E // 16, 1, unroll=4)
        def _(g):
            sv = src_v[pl.ds(g * 16, 16)]
            dv = dst_v[pl.ds(g * 16, 16)]
            pv = p_v[pl.ds(g * 16, 16)]
            for j in range(SLAB):
                vals = plsc.load_gather(slab, [jfull[j], sv]) * pv
                plsc.addupdate_scatter(agg, [jfull[j], dv], vals)

        if t + 1 < NPASS:
            cp = pltpu.async_copy(
                ht_hbm.at[pl.ds(col0 + (t + 1) * SLAB, SLAB)], slab, sem2)
        pltpu.sync_copy(agg, agg_hbm.at[pl.ds(col0 + t * SLAB, SLAB)])


_agg_call = functools.partial(
    pl.kernel,
    out_type=[
        jax.ShapeDtypeStruct((D, N), jnp.float32),
        jax.ShapeDtypeStruct((NW, N), jnp.float32),
    ],
    mesh=_MESH,
    compiler_params=_SC_PARAMS,
    scratch_types=[
        pltpu.VMEM((SLAB, N), jnp.float32),
        pltpu.VMEM((SLAB, N), jnp.float32),
        pltpu.VMEM((E,), jnp.int32),
        pltpu.VMEM((E,), jnp.int32),
        pltpu.VMEM((E,), jnp.float32),
        pltpu.VMEM((N,), jnp.float32),
        pltpu.VMEM((N,), jnp.float32),
        pltpu.VMEM((N,), jnp.float32),
        pltpu.SemaphoreType.DMA,
        pltpu.SemaphoreType.DMA,
    ],
)(_agg_body)


def _fin_body(aggt_ref, dp_ref, out_ref):
    den = float(E) + jnp.sum(dp_ref[...], axis=0)
    a = aggt_ref[...].T / den[:, None]
    out_ref[...] = jnp.where(a > 0, a, jnp.exp(a) - 1.0)


_fin_call = pl.pallas_call(
    _fin_body,
    grid=(N // BLK, D // BLK),
    in_specs=[
        pl.BlockSpec((BLK, BLK), lambda i, j: (j, i)),
        pl.BlockSpec((NW, BLK), lambda i, j: (0, i)),
    ],
    out_specs=pl.BlockSpec((BLK, BLK), lambda i, j: (i, j)),
    out_shape=jax.ShapeDtypeStruct((N, D), jnp.float32),
)


def kernel(x, edge_index, W, att):
    src = edge_index[0]
    dst = edge_index[1]
    hT, s_l, s_r = _mm_call(x, W, att)
    aggT, dp = _agg_call(hT, s_l, s_r, src, dst)
    return _fin_call(aggT, dp)

# --- scband reference (transcript-rebuilt; emitter-appended) ---
"""Pipeline reference for scband-handwritten-gatconv-81149112090940 (READ-ONLY COPY).

The authoritative reference and input builder live on the scoring server;
editing this copy changes nothing except your own understanding.
"""

import jax, jax.numpy as jnp
import numpy as np

N = 4096
E = 16384
D_IN = 1024
D_OUT = 1024


def setup_inputs(seed: int = 0) -> dict:
    key = jax.random.key(seed)
    k1, k2, k3, k4 = jax.random.split(key, 4)
    x = jax.random.normal(k1, (N, D_IN), dtype=jnp.float32)
    edge_index = jax.random.randint(k2, (2, E), 0, N, dtype=jnp.int32)
    # nn.Linear(in_dim, out_dim, bias=False) weight: [out_dim, in_dim]
    W = jax.random.normal(k3, (D_OUT, D_IN), dtype=jnp.float32) * (1.0 / np.sqrt(D_IN))
    # nn.Linear(2*out_dim, 1, bias=False) weight: [1, 2*out_dim]
    att = jax.random.normal(k4, (1, 2 * D_OUT), dtype=jnp.float32) * (1.0 / np.sqrt(2 * D_OUT))
    return {"x": x, "edge_index": edge_index, "W": W, "att": att}


def reference(x, edge_index, W, att):
    # h = self.W(x)
    h = x @ W.T
    src = edge_index[0]
    dst = edge_index[1]
    num_edges = src.shape[0]
    # alpha = cat([h[src], h[dst]]) -> att -> leaky_relu(0.2)
    e_feat = jnp.concatenate([h[src], h[dst]], axis=-1)
    alpha = jax.nn.leaky_relu(e_feat @ att.T, negative_slope=0.2)
    alpha = jnp.squeeze(alpha, axis=-1)  # [E]
    # dense [N, E] scatter: entry (dst[e], e) = alpha[e], zeros elsewhere
    col = jnp.arange(num_edges)
    dense = jnp.zeros((h.shape[0], num_edges), dtype=h.dtype).at[dst, col].set(alpha)
    # softmax over edge dimension (includes the zero entries, faithful to original)
    dense = jax.nn.softmax(dense, axis=-1)
    # agg[dst[e]] += dense[dst[e], e] * h[src[e]]
    coeff = dense[dst, col]
    agg = jnp.zeros_like(h).at[dst].add(coeff[:, None] * h[src])
    return jax.nn.elu(agg)

if __name__ == "__main__":
    import jax
    _d = setup_inputs()
    print(jax.jit(kernel)(*tuple(_d.values())))

</pallas_src>

<mosaic_0001>
#map = affine_map<(d0, d1) -> (0, 0)>
#map1 = affine_map<(d0, d1) -> (0)>
module attributes {stable_mosaic.version = 14 : i64} {
  func.func @_agg_body(%arg0: i32, %arg1: i32, %arg2: memref<1024x4096xf32, #tpu.memory_space<hbm>>, %arg3: memref<4096xf32, #tpu.memory_space<hbm>>, %arg4: memref<4096xf32, #tpu.memory_space<hbm>>, %arg5: memref<16384xi32, #tpu.memory_space<hbm>>, %arg6: memref<16384xi32, #tpu.memory_space<hbm>>, %arg7: memref<1024x4096xf32, #tpu.memory_space<hbm>>, %arg8: memref<32x4096xf32, #tpu.memory_space<hbm>>, %arg9: memref<8x4096xf32, #tpu.memory_space<vmem>>, %arg10: memref<8x4096xf32, #tpu.memory_space<vmem>>, %arg11: memref<16384xi32, #tpu.memory_space<vmem>>, %arg12: memref<16384xi32, #tpu.memory_space<vmem>>, %arg13: memref<16384xf32, #tpu.memory_space<vmem>>, %arg14: memref<4096xf32, #tpu.memory_space<vmem>>, %arg15: memref<4096xf32, #tpu.memory_space<vmem>>, %arg16: memref<4096xf32, #tpu.memory_space<vmem>>, %arg17: memref<!tpu.dma_semaphore, #tpu.memory_space<semaphore_mem>>, %arg18: memref<!tpu.dma_semaphore, #tpu.memory_space<semaphore_mem>>) attributes {dimension_semantics = [#tpu.dimension_semantics<core_parallel>, #tpu.dimension_semantics<subcore_parallel>], iteration_bounds = array<i64: 2, 16>, scalar_prefetch = 0 : i64, scratch_operands = 10 : i64, tpu.core_type = #tpu.core_type<sc_vector_subcore>, window_params = [{transform_indices = #map}, {transform_indices = #map1}, {transform_indices = #map1}, {transform_indices = #map1}, {transform_indices = #map1}, {transform_indices = #map}, {transform_indices = #map}]} {
    %mul3A = arith.constant 16 : i32
    %mul3A_0 = arith.muli %arg0, %mul3A : i32
    %add3A = arith.addi %mul3A_0, %arg1 : i32
    %mul3A_1 = arith.constant 32 : i32
    %mul3A_2 = arith.muli %add3A, %mul3A_1 : i32
    %broadcast_in_dim3A = arith.constant 0.000000e+00 : f32
    %broadcast_in_dim3A_3 = vector.broadcast %broadcast_in_dim3A : f32 to vector<16xf32>
    %broadcast_in_dim3A_4 = arith.constant 0 : i32
    %broadcast_in_dim3A_5 = vector.broadcast %broadcast_in_dim3A_4 : i32 to vector<16xi32>
    %broadcast_in_dim3A_6 = arith.constant 1 : i32
    %broadcast_in_dim3A_7 = vector.broadcast %broadcast_in_dim3A_6 : i32 to vector<16xi32>
    %broadcast_in_dim3A_8 = arith.constant 2 : i32
    %broadcast_in_dim3A_9 = vector.broadcast %broadcast_in_dim3A_8 : i32 to vector<16xi32>
    %broadcast_in_dim3A_10 = arith.constant 3 : i32
    %broadcast_in_dim3A_11 = vector.broadcast %broadcast_in_dim3A_10 : i32 to vector<16xi32>
    %broadcast_in_dim3A_12 = arith.constant 4 : i32
    %broadcast_in_dim3A_13 = vector.broadcast %broadcast_in_dim3A_12 : i32 to vector<16xi32>
    %broadcast_in_dim3A_14 = arith.constant 5 : i32
    %broadcast_in_dim3A_15 = vector.broadcast %broadcast_in_dim3A_14 : i32 to vector<16xi32>
    %broadcast_in_dim3A_16 = arith.constant 6 : i32
    %broadcast_in_dim3A_17 = vector.broadcast %broadcast_in_dim3A_16 : i32 to vector<16xi32>
    %broadcast_in_dim3A_18 = arith.constant 7 : i32
    %broadcast_in_dim3A_19 = vector.broadcast %broadcast_in_dim3A_18 : i32 to vector<16xi32>
    %dma_start3A = arith.constant 0 : i32
    %dma_start3A_20 = tpu.memref_slice %arg2[%mul3A_2, %dma_start3A] : memref<1024x4096xf32, #tpu.memory_space<hbm>> -> memref<8x4096xf32, #tpu.memory_space<hbm>>
    %dma_start3A_21 = arith.constant 0 : i32
    %dma_start3A_22 = tpu.memref_slice %arg2[%mul3A_2, %dma_start3A_21] : memref<1024x4096xf32, #tpu.memory_space<hbm>> -> memref<8x4096xf32, #tpu.memory_space<hbm>>
    tpu.enqueue_dma source(%dma_start3A_22 : memref<8x4096xf32, #tpu.memory_space<hbm>>) target(%arg9 : memref<8x4096xf32, #tpu.memory_space<vmem>>) target_semaphore(%arg18 : memref<!tpu.dma_semaphore, #tpu.memory_space<semaphore_mem>>)
    tpu.enqueue_dma source(%arg3 : memref<4096xf32, #tpu.memory_space<hbm>>) target(%arg14 : memref<4096xf32, #tpu.memory_space<vmem>>) target_semaphore(%arg17 : memref<!tpu.dma_semaphore, #tpu.memory_space<semaphore_mem>>)
    tpu.wait_dma2 semaphore(%arg17 : memref<!tpu.dma_semaphore, #tpu.memory_space<semaphore_mem>>) src(%arg3 : memref<4096xf32, #tpu.memory_space<hbm>>) dst(%arg14 : memref<4096xf32, #tpu.memory_space<vmem>>)
    tpu.enqueue_dma source(%arg4 : memref<4096xf32, #tpu.memory_space<hbm>>) target(%arg15 : memref<4096xf32, #tpu.memory_space<vmem>>) target_semaphore(%arg17 : memref<!tpu.dma_semaphore, #tpu.memory_space<semaphore_mem>>)
    tpu.wait_dma2 semaphore(%arg17 : memref<!tpu.dma_semaphore, #tpu.memory_space<semaphore_mem>>) src(%arg4 : memref<4096xf32, #tpu.memory_space<hbm>>) dst(%arg15 : memref<4096xf32, #tpu.memory_space<vmem>>)
    tpu.enqueue_dma source(%arg5 : memref<16384xi32, #tpu.memory_space<hbm>>) target(%arg11 : memref<16384xi32, #tpu.memory_space<vmem>>) target_semaphore(%arg17 : memref<!tpu.dma_semaphore, #tpu.memory_space<semaphore_mem>>)
    tpu.wait_dma2 semaphore(%arg17 : memref<!tpu.dma_semaphore, #tpu.memory_space<semaphore_mem>>) src(%arg5 : memref<16384xi32, #tpu.memory_space<hbm>>) dst(%arg11 : memref<16384xi32, #tpu.memory_space<vmem>>)
    tpu.enqueue_dma source(%arg6 : memref<16384xi32, #tpu.memory_space<hbm>>) target(%arg12 : memref<16384xi32, #tpu.memory_space<vmem>>) target_semaphore(%arg17 : memref<!tpu.dma_semaphore, #tpu.memory_space<semaphore_mem>>)
    tpu.wait_dma2 semaphore(%arg17 : memref<!tpu.dma_semaphore, #tpu.memory_space<semaphore_mem>>) src(%arg6 : memref<16384xi32, #tpu.memory_space<hbm>>) dst(%arg12 : memref<16384xi32, #tpu.memory_space<vmem>>)
    %parallel_loop3A = arith.constant 0 : i32
    %parallel_loop3A_23 = arith.constant 1024 : i32
    %parallel_loop3A_24 = arith.constant 1 : i32
    scf.for %parallel_loop3A_111 = %parallel_loop3A to %parallel_loop3A_23 step %parallel_loop3A_24  : i32 {
      %parallel_loop3A_112 = arith.constant 16 : i32
      %parallel_loop3A_113 = arith.muli %parallel_loop3A_111, %parallel_loop3A_112 : i32
      %parallel_loop3A_114 = arith.index_cast %parallel_loop3A_113 : i32 to index
      %parallel_loop3A_115 = tpu.vector_load %arg11[%parallel_loop3A_114] {strides = array<i32>} : memref<16384xi32, #tpu.memory_space<vmem>>, vector<16xi32>,
      %parallel_loop3A_116 = arith.constant 16 : i32
      %parallel_loop3A_117 = arith.muli %parallel_loop3A_111, %parallel_loop3A_116 : i32
      %parallel_loop3A_118 = arith.index_cast %parallel_loop3A_117 : i32 to index
      %parallel_loop3A_119 = tpu.vector_load %arg12[%parallel_loop3A_118] {strides = array<i32>} : memref<16384xi32, #tpu.memory_space<vmem>>, vector<16xi32>,
      %parallel_loop3A_120 = tpu.vector_load_idx %arg14[%parallel_loop3A_115] : memref<4096xf32, #tpu.memory_space<vmem>>[vector<16xi32>], vector<16xf32>,
      %parallel_loop3A_121 = tpu.vector_load_idx %arg15[%parallel_loop3A_119] : memref<4096xf32, #tpu.memory_space<vmem>>[vector<16xi32>], vector<16xf32>,
      %parallel_loop3A_122 = arith.addf %parallel_loop3A_120, %parallel_loop3A_121 : vector<16xf32>
      %parallel_loop3A_123 = arith.constant 0.000000e+00 : f32
      %parallel_loop3A_124 = vector.broadcast %parallel_loop3A_123 : f32 to vector<16xf32>
      %parallel_loop3A_125 = arith.cmpf ogt, %parallel_loop3A_122, %parallel_loop3A_124 : vector<16xf32>
      %parallel_loop3A_126 = arith.constant 2.000000e-01 : f32
      %parallel_loop3A_127 = vector.broadcast %parallel_loop3A_126 : f32 to vector<16xf32>
      %parallel_loop3A_128 = arith.mulf %parallel_loop3A_127, %parallel_loop3A_122 : vector<16xf32>
      %parallel_loop3A_129 = arith.select %parallel_loop3A_125, %parallel_loop3A_122, %parallel_loop3A_128 : vector<16xi1>, vector<16xf32>
      %parallel_loop3A_130 = math.exp %parallel_loop3A_129 : vector<16xf32>
      %parallel_loop3A_131 = arith.constant 16 : i32
      %parallel_loop3A_132 = arith.muli %parallel_loop3A_111, %parallel_loop3A_131 : i32
      %parallel_loop3A_133 = arith.index_cast %parallel_loop3A_132 : i32 to index
      %parallel_loop3A_134 = tpu.vector_load %arg13[%parallel_loop3A_133] {strides = array<i32>} : memref<16384xf32, #tpu.memory_space<vmem>>, vector<16xf32>,
      tpu.vector_store %arg13[%parallel_loop3A_133], %parallel_loop3A_130 {strides = array<i32>} : memref<16384xf32, #tpu.memory_space<vmem>>, vector<16xf32>,
    } {sc.loop_unroll_factor = 4 : i64, sc.parallel_access}
    %scan3A = arith.constant 0 : i32
    %scan3A_25 = arith.constant 256 : i32
    %scan3A_26 = arith.addi %scan3A, %scan3A_25 : i32
    %scan3A_27 = arith.constant 1 : i32
    scf.for %scan3A_111 = %scan3A to %scan3A_26 step %scan3A_27  : i32 {
      %mul3A_112 = arith.constant 1 : i32
      %mul3A_113 = arith.muli %scan3A_111, %mul3A_112 : i32
      %add3A_114 = arith.constant 0 : i32
      %add3A_115 = arith.addi %add3A_114, %mul3A_113 : i32
      %mul3A_116 = arith.constant 16 : i32
      %mul3A_117 = arith.muli %add3A_115, %mul3A_116 : i32
      %swap3A = arith.index_cast %mul3A_117 : i32 to index
      %swap3A_118 = tpu.vector_load %arg16[%swap3A] {strides = array<i32>} : memref<4096xf32, #tpu.memory_space<vmem>>, vector<16xf32>,
      tpu.vector_store %arg16[%swap3A], %broadcast_in_dim3A_3 {strides = array<i32>} : memref<4096xf32, #tpu.memory_space<vmem>>, vector<16xf32>,
    }
    %scan3A_28 = arith.constant 256 : i32
    %mul3A_29 = arith.constant 512 : i32
    %mul3A_30 = arith.muli %add3A, %mul3A_29 : i32
    %iota3A = tpu.iota {dimensions = array<i32: 0>} : vector<16xi32>
    %eq3A = arith.constant 0 : i32
    %eq3A_31 = vector.broadcast %eq3A : i32 to vector<16xi32>
    %eq3A_32 = arith.cmpi eq, %iota3A, %eq3A_31 : vector<16xi32>
    %scan3A_33 = arith.constant 0 : i32
    %scan3A_34 = arith.constant 512 : i32
    %scan3A_35 = arith.addi %scan3A_33, %scan3A_34 : i32
    %scan3A_36 = arith.constant 1 : i32
    scf.for %scan3A_111 = %scan3A_33 to %scan3A_35 step %scan3A_36  : i32 {
      %mul3A_112 = arith.constant 1 : i32
      %mul3A_113 = arith.muli %scan3A_111, %mul3A_112 : i32
      %add3A_114 = arith.constant 0 : i32
      %add3A_115 = arith.addi %add3A_114, %mul3A_113 : i32
      %add3A_116 = arith.addi %mul3A_30, %add3A_115 : i32
      %broadcast_in_dim3A_117 = vector.broadcast %add3A_116 : i32 to vector<16xi32>
      %gather3A = tpu.vector_load_idx %arg12[%broadcast_in_dim3A_117] : memref<16384xi32, #tpu.memory_space<vmem>>[vector<16xi32>], vector<16xi32>,
      %gather3A_118 = tpu.vector_load_idx %arg13[%broadcast_in_dim3A_117] : memref<16384xf32, #tpu.memory_space<vmem>>[vector<16xi32>], vector<16xf32>,
      %sub3A = arith.constant 1.000000e+00 : f32
      %sub3A_119 = vector.broadcast %sub3A : f32 to vector<16xf32>
      %sub3A_120 = arith.subf %gather3A_118, %sub3A_119 : vector<16xf32>
      tpu.vector_store_idx %arg16[%gather3A], %sub3A_120 masked %eq3A_32 {add = true} : memref<4096xf32, #tpu.memory_space<vmem>>[vector<16xi32>], vector<16xf32>, vector<16xi1>
    }
    %scan3A_37 = arith.constant 512 : i32
    "tpu.region"() ({
      %run_scoped3A = tpu.sem_alloc : memref<!tpu.dma_semaphore, #tpu.memory_space<semaphore_mem>>
      %dma_start3A_111 = arith.constant 0 : i32
      %dma_start3A_112 = tpu.memref_slice %arg8[%add3A, %dma_start3A_111] : memref<32x4096xf32, #tpu.memory_space<hbm>> -> memref<1x4096xf32, #tpu.memory_space<hbm>>
      %dma_start3A_113 = tpu.memref_squeeze %dma_start3A_112 : memref<1x4096xf32, #tpu.memory_space<hbm>> -> memref<4096xf32, #tpu.memory_space<hbm>>
      %dma_start3A_114 = arith.constant 0 : i32
      %dma_start3A_115 = tpu.memref_slice %arg8[%add3A, %dma_start3A_114] : memref<32x4096xf32, #tpu.memory_space<hbm>> -> memref<1x4096xf32, #tpu.memory_space<hbm>>
      %dma_start3A_116 = tpu.memref_squeeze %dma_start3A_115 : memref<1x4096xf32, #tpu.memory_space<hbm>> -> memref<4096xf32, #tpu.memory_space<hbm>>
      tpu.enqueue_dma source(%arg16 : memref<4096xf32, #tpu.memory_space<vmem>>) target(%dma_start3A_116 : memref<4096xf32, #tpu.memory_space<hbm>>) target_semaphore(%run_scoped3A : memref<!tpu.dma_semaphore, #tpu.memory_space<semaphore_mem>>)
      %dma_wait3A_117 = arith.constant 0 : i32
      %dma_wait3A_118 = tpu.memref_slice %arg8[%add3A, %dma_wait3A_117] : memref<32x4096xf32, #tpu.memory_space<hbm>> -> memref<1x4096xf32, #tpu.memory_space<hbm>>
      %dma_wait3A_119 = tpu.memref_squeeze %dma_wait3A_118 : memref<1x4096xf32, #tpu.memory_space<hbm>> -> memref<4096xf32, #tpu.memory_space<hbm>>
      %dma_wait3A_120 = arith.constant 0 : i32
      %dma_wait3A_121 = tpu.memref_slice %arg8[%add3A, %dma_wait3A_120] : memref<32x4096xf32, #tpu.memory_space<hbm>> -> memref<1x4096xf32, #tpu.memory_space<hbm>>
      %dma_wait3A_122 = tpu.memref_squeeze %dma_wait3A_121 : memref<1x4096xf32, #tpu.memory_space<hbm>> -> memref<4096xf32, #tpu.memory_space<hbm>>
      tpu.wait_dma2 semaphore(%run_scoped3A : memref<!tpu.dma_semaphore, #tpu.memory_space<semaphore_mem>>) src(%arg16 : memref<4096xf32, #tpu.memory_space<vmem>>) dst(%dma_wait3A_122 : memref<4096xf32, #tpu.memory_space<hbm>>)
      tpu.yield
    }) : () -> ()
    %scan3A_38 = arith.constant 0 : i32
    %scan3A_39 = arith.constant 256 : i32
    %scan3A_40 = arith.addi %scan3A_38, %scan3A_39 : i32
    %scan3A_41 = arith.constant 1 : i32
    scf.for %scan3A_111 = %scan3A_38 to %scan3A_40 step %scan3A_41  : i32 {
      %mul3A_112 = arith.constant 1 : i32
      %mul3A_113 = arith.muli %scan3A_111, %mul3A_112 : i32
      %add3A_114 = arith.constant 0 : i32
      %add3A_115 = arith.addi %add3A_114, %mul3A_113 : i32
      %mul3A_116 = arith.constant 16 : i32
      %mul3A_117 = arith.muli %add3A_115, %mul3A_116 : i32
      %swap3A = arith.constant 0 : i32
      %swap3A_118 = arith.index_cast %swap3A : i32 to index
      %swap3A_119 = arith.index_cast %mul3A_117 : i32 to index
      %swap3A_120 = tpu.vector_load %arg10[%swap3A_118, %swap3A_119] {strides = array<i32>} : memref<8x4096xf32, #tpu.memory_space<vmem>>, vector<16xf32>,
      tpu.vector_store %arg10[%swap3A_118, %swap3A_119], %broadcast_in_dim3A_3 {strides = array<i32>} : memref<8x4096xf32, #tpu.memory_space<vmem>>, vector<16xf32>,
      %mul3A_121 = arith.constant 16 : i32
      %mul3A_122 = arith.muli %add3A_115, %mul3A_121 : i32
      %swap3A_123 = arith.constant 1 : i32
      %swap3A_124 = arith.index_cast %swap3A_123 : i32 to index
      %swap3A_125 = arith.index_cast %mul3A_122 : i32 to index
      %swap3A_126 = tpu.vector_load %arg10[%swap3A_124, %swap3A_125] {strides = array<i32>} : memref<8x4096xf32, #tpu.memory_space<vmem>>, vector<16xf32>,
      tpu.vector_store %arg10[%swap3A_124, %swap3A_125], %broadcast_in_dim3A_3 {strides = array<i32>} : memref<8x4096xf32, #tpu.memory_space<vmem>>, vector<16xf32>,
      %mul3A_127 = arith.constant 16 : i32
      %mul3A_128 = arith.muli %add3A_115, %mul3A_127 : i32
      %swap3A_129 = arith.constant 2 : i32
      %swap3A_130 = arith.index_cast %swap3A_129 : i32 to index
      %swap3A_131 = arith.index_cast %mul3A_128 : i32 to index
      %swap3A_132 = tpu.vector_load %arg10[%swap3A_130, %swap3A_131] {strides = array<i32>} : memref<8x4096xf32, #tpu.memory_space<vmem>>, vector<16xf32>,
      tpu.vector_store %arg10[%swap3A_130, %swap3A_131], %broadcast_in_dim3A_3 {strides = array<i32>} : memref<8x4096xf32, #tpu.memory_space<vmem>>, vector<16xf32>,
      %mul3A_133 = arith.constant 16 : i32
      %mul3A_134 = arith.muli %add3A_115, %mul3A_133 : i32
      %swap3A_135 = arith.constant 3 : i32
      %swap3A_136 = arith.index_cast %swap3A_135 : i32 to index
      %swap3A_137 = arith.index_cast %mul3A_134 : i32 to index
      %swap3A_138 = tpu.vector_load %arg10[%swap3A_136, %swap3A_137] {strides = array<i32>} : memref<8x4096xf32, #tpu.memory_space<vmem>>, vector<16xf32>,
      tpu.vector_store %arg10[%swap3A_136, %swap3A_137], %broadcast_in_dim3A_3 {strides = array<i32>} : memref<8x4096xf32, #tpu.memory_space<vmem>>, vector<16xf32>,
      %mul3A_139 = arith.constant 16 : i32
      %mul3A_140 = arith.muli %add3A_115, %mul3A_139 : i32
      %swap3A_141 = arith.constant 4 : i32
      %swap3A_142 = arith.index_cast %swap3A_141 : i32 to index
      %swap3A_143 = arith.index_cast %mul3A_140 : i32 to index
      %swap3A_144 = tpu.vector_load %arg10[%swap3A_142, %swap3A_143] {strides = array<i32>} : memref<8x4096xf32, #tpu.memory_space<vmem>>, vector<16xf32>,
      tpu.vector_store %arg10[%swap3A_142, %swap3A_143], %broadcast_in_dim3A_3 {strides = array<i32>} : memref<8x4096xf32, #tpu.memory_space<vmem>>, vector<16xf32>,
      %mul3A_145 = arith.constant 16 : i32
      %mul3A_146 = arith.muli %add3A_115, %mul3A_145 : i32
      %swap3A_147 = arith.constant 5 : i32
      %swap3A_148 = arith.index_cast %swap3A_147 : i32 to index
      %swap3A_149 = arith.index_cast %mul3A_146 : i32 to index
      %swap3A_150 = tpu.vector_load %arg10[%swap3A_148, %swap3A_149] {strides = array<i32>} : memref<8x4096xf32, #tpu.memory_space<vmem>>, vector<16xf32>,
      tpu.vector_store %arg10[%swap3A_148, %swap3A_149], %broadcast_in_dim3A_3 {strides = array<i32>} : memref<8x4096xf32, #tpu.memory_space<vmem>>, vector<16xf32>,
      %mul3A_151 = arith.constant 16 : i32
      %mul3A_152 = arith.muli %add3A_115, %mul3A_151 : i32
      %swap3A_153 = arith.constant 6 : i32
      %swap3A_154 = arith.index_cast %swap3A_153 : i32 to index
      %swap3A_155 = arith.index_cast %mul3A_152 : i32 to index
      %swap3A_156 = tpu.vector_load %arg10[%swap3A_154, %swap3A_155] {strides = array<i32>} : memref<8x4096xf32, #tpu.memory_space<vmem>>, vector<16xf32>,
      tpu.vector_store %arg10[%swap3A_154, %swap3A_155], %broadcast_in_dim3A_3 {strides = array<i32>} : memref<8x4096xf32, #tpu.memory_space<vmem>>, vector<16xf32>,
      %mul3A_157 = arith.constant 16 : i32
      %mul3A_158 = arith.muli %add3A_115, %mul3A_157 : i32
      %swap3A_159 = arith.constant 7 : i32
      %swap3A_160 = arith.index_cast %swap3A_159 : i32 to index
      %swap3A_161 = arith.index_cast %mul3A_158 : i32 to index
      %swap3A_162 = tpu.vector_load %arg10[%swap3A_160, %swap3A_161] {strides = array<i32>} : memref<8x4096xf32, #tpu.memory_space<vmem>>, vector<16xf32>,
      tpu.vector_store %arg10[%swap3A_160, %swap3A_161], %broadcast_in_dim3A_3 {strides = array<i32>} : memref<8x4096xf32, #tpu.memory_space<vmem>>, vector<16xf32>,
    }
    %scan3A_42 = arith.constant 256 : i32
    %dma_wait3A = arith.constant 0 : i32
    %dma_wait3A_43 = tpu.memref_slice %arg2[%mul3A_2, %dma_wait3A] : memref<1024x4096xf32, #tpu.memory_space<hbm>> -> memref<8x4096xf32, #tpu.memory_space<hbm>>
    %dma_wait3A_44 = arith.constant 0 : i32
    %dma_wait3A_45 = tpu.memref_slice %arg2[%mul3A_2, %dma_wait3A_44] : memref<1024x4096xf32, #tpu.memory_space<hbm>> -> memref<8x4096xf32, #tpu.memory_space<hbm>>
    tpu.wait_dma2 semaphore(%arg18 : memref<!tpu.dma_semaphore, #tpu.memory_space<semaphore_mem>>) src(%dma_wait3A_45 : memref<8x4096xf32, #tpu.memory_space<hbm>>) dst(%arg9 : memref<8x4096xf32, #tpu.memory_space<vmem>>)
    %parallel_loop3A_46 = arith.constant 0 : i32
    %parallel_loop3A_47 = arith.constant 1024 : i32
    %parallel_loop3A_48 = arith.constant 1 : i32
    scf.for %parallel_loop3A_111 = %parallel_loop3A_46 to %parallel_loop3A_47 step %parallel_loop3A_48  : i32 {
      %parallel_loop3A_112 = arith.constant 16 : i32
      %parallel_loop3A_113 = arith.muli %parallel_loop3A_111, %parallel_loop3A_112 : i32
      %parallel_loop3A_114 = arith.index_cast %parallel_loop3A_113 : i32 to index
      %parallel_loop3A_115 = tpu.vector_load %arg11[%parallel_loop3A_114] {strides = array<i32>} : memref<16384xi32, #tpu.memory_space<vmem>>, vector<16xi32>,
      %parallel_loop3A_116 = arith.constant 16 : i32
      %parallel_loop3A_117 = arith.muli %parallel_loop3A_111, %parallel_loop3A_116 : i32
      %parallel_loop3A_118 = arith.index_cast %parallel_loop3A_117 : i32 to index
      %parallel_loop3A_119 = tpu.vector_load %arg12[%parallel_loop3A_118] {strides = array<i32>} : memref<16384xi32, #tpu.memory_space<vmem>>, vector<16xi32>,
      %parallel_loop3A_120 = arith.constant 16 : i32
      %parallel_loop3A_121 = arith.muli %parallel_loop3A_111, %parallel_loop3A_120 : i32
      %parallel_loop3A_122 = arith.index_cast %parallel_loop3A_121 : i32 to index
      %parallel_loop3A_123 = tpu.vector_load %arg13[%parallel_loop3A_122] {strides = array<i32>} : memref<16384xf32, #tpu.memory_space<vmem>>, vector<16xf32>,
      %parallel_loop3A_124 = tpu.vector_load_idx %arg9[%broadcast_in_dim3A_5, %parallel_loop3A_115] : memref<8x4096xf32, #tpu.memory_space<vmem>>[vector<16xi32>, vector<16xi32>], vector<16xf32>,
      %parallel_loop3A_125 = arith.mulf %parallel_loop3A_124, %parallel_loop3A_123 : vector<16xf32>
      tpu.vector_store_idx %arg10[%broadcast_in_dim3A_5, %parallel_loop3A_119], %parallel_loop3A_125 {add = true} : memref<8x4096xf32, #tpu.memory_space<vmem>>[vector<16xi32>, vector<16xi32>], vector<16xf32>,
      %parallel_loop3A_126 = tpu.vector_load_idx %arg9[%broadcast_in_dim3A_7, %parallel_loop3A_115] : memref<8x4096xf32, #tpu.memory_space<vmem>>[vector<16xi32>, vector<16xi32>], vector<16xf32>,
      %parallel_loop3A_127 = arith.mulf %parallel_loop3A_126, %parallel_loop3A_123 : vector<16xf32>
      tpu.vector_store_idx %arg10[%broadcast_in_dim3A_7, %parallel_loop3A_119], %parallel_loop3A_127 {add = true} : memref<8x4096xf32, #tpu.memory_space<vmem>>[vector<16xi32>, vector<16xi32>], vector<16xf32>,
      %parallel_loop3A_128 = tpu.vector_load_idx %arg9[%broadcast_in_dim3A_9, %parallel_loop3A_115] : memref<8x4096xf32, #tpu.memory_space<vmem>>[vector<16xi32>, vector<16xi32>], vector<16xf32>,
      %parallel_loop3A_129 = arith.mulf %parallel_loop3A_128, %parallel_loop3A_123 : vector<16xf32>
      tpu.vector_store_idx %arg10[%broadcast_in_dim3A_9, %parallel_loop3A_119], %parallel_loop3A_129 {add = true} : memref<8x4096xf32, #tpu.memory_space<vmem>>[vector<16xi32>, vector<16xi32>], vector<16xf32>,
      %parallel_loop3A_130 = tpu.vector_load_idx %arg9[%broadcast_in_dim3A_11, %parallel_loop3A_115] : memref<8x4096xf32, #tpu.memory_space<vmem>>[vector<16xi32>, vector<16xi32>], vector<16xf32>,
      %parallel_loop3A_131 = arith.mulf %parallel_loop3A_130, %parallel_loop3A_123 : vector<16xf32>
      tpu.vector_store_idx %arg10[%broadcast_in_dim3A_11, %parallel_loop3A_119], %parallel_loop3A_131 {add = true} : memref<8x4096xf32, #tpu.memory_space<vmem>>[vector<16xi32>, vector<16xi32>], vector<16xf32>,
      %parallel_loop3A_132 = tpu.vector_load_idx %arg9[%broadcast_in_dim3A_13, %parallel_loop3A_115] : memref<8x4096xf32, #tpu.memory_space<vmem>>[vector<16xi32>, vector<16xi32>], vector<16xf32>,
      %parallel_loop3A_133 = arith.mulf %parallel_loop3A_132, %parallel_loop3A_123 : vector<16xf32>
      tpu.vector_store_idx %arg10[%broadcast_in_dim3A_13, %parallel_loop3A_119], %parallel_loop3A_133 {add = true} : memref<8x4096xf32, #tpu.memory_space<vmem>>[vector<16xi32>, vector<16xi32>], vector<16xf32>,
      %parallel_loop3A_134 = tpu.vector_load_idx %arg9[%broadcast_in_dim3A_15, %parallel_loop3A_115] : memref<8x4096xf32, #tpu.memory_space<vmem>>[vector<16xi32>, vector<16xi32>], vector<16xf32>,
      %parallel_loop3A_135 = arith.mulf %parallel_loop3A_134, %parallel_loop3A_123 : vector<16xf32>
      tpu.vector_store_idx %arg10[%broadcast_in_dim3A_15, %parallel_loop3A_119], %parallel_loop3A_135 {add = true} : memref<8x4096xf32, #tpu.memory_space<vmem>>[vector<16xi32>, vector<16xi32>], vector<16xf32>,
      %parallel_loop3A_136 = tpu.vector_load_idx %arg9[%broadcast_in_dim3A_17, %parallel_loop3A_115] : memref<8x4096xf32, #tpu.memory_space<vmem>>[vector<16xi32>, vector<16xi32>], vector<16xf32>,
      %parallel_loop3A_137 = arith.mulf %parallel_loop3A_136, %parallel_loop3A_123 : vector<16xf32>
      tpu.vector_store_idx %arg10[%broadcast_in_dim3A_17, %parallel_loop3A_119], %parallel_loop3A_137 {add = true} : memref<8x4096xf32, #tpu.memory_space<vmem>>[vector<16xi32>, vector<16xi32>], vector<16xf32>,
      %parallel_loop3A_138 = tpu.vector_load_idx %arg9[%broadcast_in_dim3A_19, %parallel_loop3A_115] : memref<8x4096xf32, #tpu.memory_space<vmem>>[vector<16xi32>, vector<16xi32>], vector<16xf32>,
      %parallel_loop3A_139 = arith.mulf %parallel_loop3A_138, %parallel_loop3A_123 : vector<16xf32>
      tpu.vector_store_idx %arg10[%broadcast_in_dim3A_19, %parallel_loop3A_119], %parallel_loop3A_139 {add = true} : memref<8x4096xf32, #tpu.memory_space<vmem>>[vector<16xi32>, vector<16xi32>], vector<16xf32>,
    } {sc.loop_unroll_factor = 4 : i64, sc.parallel_access}
    %add3A_49 = arith.constant 8 : i32
    %add3A_50 = arith.addi %mul3A_2, %add3A_49 : i32
    %dma_start3A_51 = arith.constant 0 : i32
    %dma_start3A_52 = tpu.memref_slice %arg2[%add3A_50, %dma_start3A_51] : memref<1024x4096xf32, #tpu.memory_space<hbm>> -> memref<8x4096xf32, #tpu.memory_space<hbm>>
    %dma_start3A_53 = arith.constant 0 : i32
    %dma_start3A_54 = tpu.memref_slice %arg2[%add3A_50, %dma_start3A_53] : memref<1024x4096xf32, #tpu.memory_space<hbm>> -> memref<8x4096xf32, #tpu.memory_space<hbm>>
    tpu.enqueue_dma source(%dma_start3A_54 : memref<8x4096xf32, #tpu.memory_space<hbm>>) target(%arg9 : memref<8x4096xf32, #tpu.memory_space<vmem>>) target_semaphore(%arg18 : memref<!tpu.dma_semaphore, #tpu.memory_space<semaphore_mem>>)
    %add3A_55 = arith.constant 0 : i32
    %add3A_56 = arith.addi %mul3A_2, %add3A_55 : i32
    "tpu.region"() ({
      %run_scoped3A = tpu.sem_alloc : memref<!tpu.dma_semaphore, #tpu.memory_space<semaphore_mem>>
      %dma_start3A_111 = arith.constant 0 : i32
      %dma_start3A_112 = tpu.memref_slice %arg7[%add3A_56, %dma_start3A_111] : memref<1024x4096xf32, #tpu.memory_space<hbm>> -> memref<8x4096xf32, #tpu.memory_space<hbm>>
      %dma_start3A_113 = arith.constant 0 : i32
      %dma_start3A_114 = tpu.memref_slice %arg7[%add3A_56, %dma_start3A_113] : memref<1024x4096xf32, #tpu.memory_space<hbm>> -> memref<8x4096xf32, #tpu.memory_space<hbm>>
      tpu.enqueue_dma source(%arg10 : memref<8x4096xf32, #tpu.memory_space<vmem>>) target(%dma_start3A_114 : memref<8x4096xf32, #tpu.memory_space<hbm>>) target_semaphore(%run_scoped3A : memref<!tpu.dma_semaphore, #tpu.memory_space<semaphore_mem>>)
      %dma_wait3A_115 = arith.constant 0 : i32
      %dma_wait3A_116 = tpu.memref_slice %arg7[%add3A_56, %dma_wait3A_115] : memref<1024x4096xf32, #tpu.memory_space<hbm>> -> memref<8x4096xf32, #tpu.memory_space<hbm>>
      %dma_wait3A_117 = arith.constant 0 : i32
      %dma_wait3A_118 = tpu.memref_slice %arg7[%add3A_56, %dma_wait3A_117] : memref<1024x4096xf32, #tpu.memory_space<hbm>> -> memref<8x4096xf32, #tpu.memory_space<hbm>>
      tpu.wait_dma2 semaphore(%run_scoped3A : memref<!tpu.dma_semaphore, #tpu.memory_space<semaphore_mem>>) src(%arg10 : memref<8x4096xf32, #tpu.memory_space<vmem>>) dst(%dma_wait3A_118 : memref<8x4096xf32, #tpu.memory_space<hbm>>)
      tpu.yield
    }) : () -> ()
    %scan3A_57 = arith.constant 0 : i32
    %scan3A_58 = arith.constant 256 : i32
    %scan3A_59 = arith.addi %scan3A_57, %scan3A_58 : i32
    %scan3A_60 = arith.constant 1 : i32
    scf.for %scan3A_111 = %scan3A_57 to %scan3A_59 step %scan3A_60  : i32 {
      %mul3A_112 = arith.constant 1 : i32
      %mul3A_113 = arith.muli %scan3A_111, %mul3A_112 : i32
      %add3A_114 = arith.constant 0 : i32
      %add3A_115 = arith.addi %add3A_114, %mul3A_113 : i32
      %mul3A_116 = arith.constant 16 : i32
      %mul3A_117 = arith.muli %add3A_115, %mul3A_116 : i32
      %swap3A = arith.constant 0 : i32
      %swap3A_118 = arith.index_cast %swap3A : i32 to index
      %swap3A_119 = arith.index_cast %mul3A_117 : i32 to index
      %swap3A_120 = tpu.vector_load %arg10[%swap3A_118, %swap3A_119] {strides = array<i32>} : memref<8x4096xf32, #tpu.memory_space<vmem>>, vector<16xf32>,
      tpu.vector_store %arg10[%swap3A_118, %swap3A_119], %broadcast_in_dim3A_3 {strides = array<i32>} : memref<8x4096xf32, #tpu.memory_space<vmem>>, vector<16xf32>,
      %mul3A_121 = arith.constant 16 : i32
      %mul3A_122 = arith.muli %add3A_115, %mul3A_121 : i32
      %swap3A_123 = arith.constant 1 : i32
      %swap3A_124 = arith.index_cast %swap3A_123 : i32 to index
      %swap3A_125 = arith.index_cast %mul3A_122 : i32 to index
      %swap3A_126 = tpu.vector_load %arg10[%swap3A_124, %swap3A_125] {strides = array<i32>} : memref<8x4096xf32, #tpu.memory_space<vmem>>, vector<16xf32>,
      tpu.vector_store %arg10[%swap3A_124, %swap3A_125], %broadcast_in_dim3A_3 {strides = array<i32>} : memref<8x4096xf32, #tpu.memory_space<vmem>>, vector<16xf32>,
      %mul3A_127 = arith.constant 16 : i32
      %mul3A_128 = arith.muli %add3A_115, %mul3A_127 : i32
      %swap3A_129 = arith.constant 2 : i32
      %swap3A_130 = arith.index_cast %swap3A_129 : i32 to index
      %swap3A_131 = arith.index_cast %mul3A_128 : i32 to index
      %swap3A_132 = tpu.vector_load %arg10[%swap3A_130, %swap3A_131] {strides = array<i32>} : memref<8x4096xf32, #tpu.memory_space<vmem>>, vector<16xf32>,
      tpu.vector_store %arg10[%swap3A_130, %swap3A_131], %broadcast_in_dim3A_3 {strides = array<i32>} : memref<8x4096xf32, #tpu.memory_space<vmem>>, vector<16xf32>,
      %mul3A_133 = arith.constant 16 : i32
      %mul3A_134 = arith.muli %add3A_115, %mul3A_133 : i32
      %swap3A_135 = arith.constant 3 : i32
      %swap3A_136 = arith.index_cast %swap3A_135 : i32 to index
      %swap3A_137 = arith.index_cast %mul3A_134 : i32 to index
      %swap3A_138 = tpu.vector_load %arg10[%swap3A_136, %swap3A_137] {strides = array<i32>} : memref<8x4096xf32, #tpu.memory_space<vmem>>, vector<16xf32>,
      tpu.vector_store %arg10[%swap3A_136, %swap3A_137], %broadcast_in_dim3A_3 {strides = array<i32>} : memref<8x4096xf32, #tpu.memory_space<vmem>>, vector<16xf32>,
      %mul3A_139 = arith.constant 16 : i32
      %mul3A_140 = arith.muli %add3A_115, %mul3A_139 : i32
      %swap3A_141 = arith.constant 4 : i32
      %swap3A_142 = arith.index_cast %swap3A_141 : i32 to index
      %swap3A_143 = arith.index_cast %mul3A_140 : i32 to index
      %swap3A_144 = tpu.vector_load %arg10[%swap3A_142, %swap3A_143] {strides = array<i32>} : memref<8x4096xf32, #tpu.memory_space<vmem>>, vector<16xf32>,
      tpu.vector_store %arg10[%swap3A_142, %swap3A_143], %broadcast_in_dim3A_3 {strides = array<i32>} : memref<8x4096xf32, #tpu.memory_space<vmem>>, vector<16xf32>,
      %mul3A_145 = arith.constant 16 : i32
      %mul3A_146 = arith.muli %add3A_115, %mul3A_145 : i32
      %swap3A_147 = arith.constant 5 : i32
      %swap3A_148 = arith.index_cast %swap3A_147 : i32 to index
      %swap3A_149 = arith.index_cast %mul3A_146 : i32 to index
      %swap3A_150 = tpu.vector_load %arg10[%swap3A_148, %swap3A_149] {strides = array<i32>} : memref<8x4096xf32, #tpu.memory_space<vmem>>, vector<16xf32>,
      tpu.vector_store %arg10[%swap3A_148, %swap3A_149], %broadcast_in_dim3A_3 {strides = array<i32>} : memref<8x4096xf32, #tpu.memory_space<vmem>>, vector<16xf32>,
      %mul3A_151 = arith.constant 16 : i32
      %mul3A_152 = arith.muli %add3A_115, %mul3A_151 : i32
      %swap3A_153 = arith.constant 6 : i32
      %swap3A_154 = arith.index_cast %swap3A_153 : i32 to index
      %swap3A_155 = arith.index_cast %mul3A_152 : i32 to index
      %swap3A_156 = tpu.vector_load %arg10[%swap3A_154, %swap3A_155] {strides = array<i32>} : memref<8x4096xf32, #tpu.memory_space<vmem>>, vector<16xf32>,
      tpu.vector_store %arg10[%swap3A_154, %swap3A_155], %broadcast_in_dim3A_3 {strides = array<i32>} : memref<8x4096xf32, #tpu.memory_space<vmem>>, vector<16xf32>,
      %mul3A_157 = arith.constant 16 : i32
      %mul3A_158 = arith.muli %add3A_115, %mul3A_157 : i32
      %swap3A_159 = arith.constant 7 : i32
      %swap3A_160 = arith.index_cast %swap3A_159 : i32 to index
      %swap3A_161 = arith.index_cast %mul3A_158 : i32 to index
      %swap3A_162 = tpu.vector_load %arg10[%swap3A_160, %swap3A_161] {strides = array<i32>} : memref<8x4096xf32, #tpu.memory_space<vmem>>, vector<16xf32>,
      tpu.vector_store %arg10[%swap3A_160, %swap3A_161], %broadcast_in_dim3A_3 {strides = array<i32>} : memref<8x4096xf32, #tpu.memory_space<vmem>>, vector<16xf32>,
    }
    %scan3A_61 = arith.constant 256 : i32
    %dma_wait3A_62 = arith.constant 0 : i32
    %dma_wait3A_63 = tpu.memref_slice %arg2[%add3A_50, %dma_wait3A_62] : memref<1024x4096xf32, #tpu.memory_space<hbm>> -> memref<8x4096xf32, #tpu.memory_space<hbm>>
    %dma_wait3A_64 = arith.constant 0 : i32
    %dma_wait3A_65 = tpu.memref_slice %arg2[%add3A_50, %dma_wait3A_64] : memref<1024x4096xf32, #tpu.memory_space<hbm>> -> memref<8x4096xf32, #tpu.memory_space<hbm>>
    tpu.wait_dma2 semaphore(%arg18 : memref<!tpu.dma_semaphore, #tpu.memory_space<semaphore_mem>>) src(%dma_wait3A_65 : memref<8x4096xf32, #tpu.memory_space<hbm>>) dst(%arg9 : memref<8x4096xf32, #tpu.memory_space<vmem>>)
    %parallel_loop3A_66 = arith.constant 0 : i32
    %parallel_loop3A_67 = arith.constant 1024 : i32
    %parallel_loop3A_68 = arith.constant 1 : i32
    scf.for %parallel_loop3A_111 = %parallel_loop3A_66 to %parallel_loop3A_67 step %parallel_loop3A_68  : i32 {
      %parallel_loop3A_112 = arith.constant 16 : i32
      %parallel_loop3A_113 = arith.muli %parallel_loop3A_111, %parallel_loop3A_112 : i32
      %parallel_loop3A_114 = arith.index_cast %parallel_loop3A_113 : i32 to index
      %parallel_loop3A_115 = tpu.vector_load %arg11[%parallel_loop3A_114] {strides = array<i32>} : memref<16384xi32, #tpu.memory_space<vmem>>, vector<16xi32>,
      %parallel_loop3A_116 = arith.constant 16 : i32
      %parallel_loop3A_117 = arith.muli %parallel_loop3A_111, %parallel_loop3A_116 : i32
      %parallel_loop3A_118 = arith.index_cast %parallel_loop3A_117 : i32 to index
      %parallel_loop3A_119 = tpu.vector_load %arg12[%parallel_loop3A_118] {strides = array<i32>} : memref<16384xi32, #tpu.memory_space<vmem>>, vector<16xi32>,
      %parallel_loop3A_120 = arith.constant 16 : i32
      %parallel_loop3A_121 = arith.muli %parallel_loop3A_111, %parallel_loop3A_120 : i32
      %parallel_loop3A_122 = arith.index_cast %parallel_loop3A_121 : i32 to index
      %parallel_loop3A_123 = tpu.vector_load %arg13[%parallel_loop3A_122] {strides = array<i32>} : memref<16384xf32, #tpu.memory_space<vmem>>, vector<16xf32>,
      %parallel_loop3A_124 = tpu.vector_load_idx %arg9[%broadcast_in_dim3A_5, %parallel_loop3A_115] : memref<8x4096xf32, #tpu.memory_space<vmem>>[vector<16xi32>, vector<16xi32>], vector<16xf32>,
      %parallel_loop3A_125 = arith.mulf %parallel_loop3A_124, %parallel_loop3A_123 : vector<16xf32>
      tpu.vector_store_idx %arg10[%broadcast_in_dim3A_5, %parallel_loop3A_119], %parallel_loop3A_125 {add = true} : memref<8x4096xf32, #tpu.memory_space<vmem>>[vector<16xi32>, vector<16xi32>], vector<16xf32>,
      %parallel_loop3A_126 = tpu.vector_load_idx %arg9[%broadcast_in_dim3A_7, %parallel_loop3A_115] : memref<8x4096xf32, #tpu.memory_space<vmem>>[vector<16xi32>, vector<16xi32>], vector<16xf32>,
      %parallel_loop3A_127 = arith.mulf %parallel_loop3A_126, %parallel_loop3A_123 : vector<16xf32>
      tpu.vector_store_idx %arg10[%broadcast_in_dim3A_7, %parallel_loop3A_119], %parallel_loop3A_127 {add = true} : memref<8x4096xf32, #tpu.memory_space<vmem>>[vector<16xi32>, vector<16xi32>], vector<16xf32>,
      %parallel_loop3A_128 = tpu.vector_load_idx %arg9[%broadcast_in_dim3A_9, %parallel_loop3A_115] : memref<8x4096xf32, #tpu.memory_space<vmem>>[vector<16xi32>, vector<16xi32>], vector<16xf32>,
      %parallel_loop3A_129 = arith.mulf %parallel_loop3A_128, %parallel_loop3A_123 : vector<16xf32>
      tpu.vector_store_idx %arg10[%broadcast_in_dim3A_9, %parallel_loop3A_119], %parallel_loop3A_129 {add = true} : memref<8x4096xf32, #tpu.memory_space<vmem>>[vector<16xi32>, vector<16xi32>], vector<16xf32>,
      %parallel_loop3A_130 = tpu.vector_load_idx %arg9[%broadcast_in_dim3A_11, %parallel_loop3A_115] : memref<8x4096xf32, #tpu.memory_space<vmem>>[vector<16xi32>, vector<16xi32>], vector<16xf32>,
      %parallel_loop3A_131 = arith.mulf %parallel_loop3A_130, %parallel_loop3A_123 : vector<16xf32>
      tpu.vector_store_idx %arg10[%broadcast_in_dim3A_11, %parallel_loop3A_119], %parallel_loop3A_131 {add = true} : memref<8x4096xf32, #tpu.memory_space<vmem>>[vector<16xi32>, vector<16xi32>], vector<16xf32>,
      %parallel_loop3A_132 = tpu.vector_load_idx %arg9[%broadcast_in_dim3A_13, %parallel_loop3A_115] : memref<8x4096xf32, #tpu.memory_space<vmem>>[vector<16xi32>, vector<16xi32>], vector<16xf32>,
      %parallel_loop3A_133 = arith.mulf %parallel_loop3A_132, %parallel_loop3A_123 : vector<16xf32>
      tpu.vector_store_idx %arg10[%broadcast_in_dim3A_13, %parallel_loop3A_119], %parallel_loop3A_133 {add = true} : memref<8x4096xf32, #tpu.memory_space<vmem>>[vector<16xi32>, vector<16xi32>], vector<16xf32>,
      %parallel_loop3A_134 = tpu.vector_load_idx %arg9[%broadcast_in_dim3A_15, %parallel_loop3A_115] : memref<8x4096xf32, #tpu.memory_space<vmem>>[vector<16xi32>, vector<16xi32>], vector<16xf32>,
      %parallel_loop3A_135 = arith.mulf %parallel_loop3A_134, %parallel_loop3A_123 : vector<16xf32>
      tpu.vector_store_idx %arg10[%broadcast_in_dim3A_15, %parallel_loop3A_119], %parallel_loop3A_135 {add = true} : memref<8x4096xf32, #tpu.memory_space<vmem>>[vector<16xi32>, vector<16xi32>], vector<16xf32>,
      %parallel_loop3A_136 = tpu.vector_load_idx %arg9[%broadcast_in_dim3A_17, %parallel_loop3A_115] : memref<8x4096xf32, #tpu.memory_space<vmem>>[vector<16xi32>, vector<16xi32>], vector<16xf32>,
      %parallel_loop3A_137 = arith.mulf %parallel_loop3A_136, %parallel_loop3A_123 : vector<16xf32>
      tpu.vector_store_idx %arg10[%broadcast_in_dim3A_17, %parallel_loop3A_119], %parallel_loop3A_137 {add = true} : memref<8x4096xf32, #tpu.memory_space<vmem>>[vector<16xi32>, vector<16xi32>], vector<16xf32>,
      %parallel_loop3A_138 = tpu.vector_load_idx %arg9[%broadcast_in_dim3A_19, %parallel_loop3A_115] : memref<8x4096xf32, #tpu.memory_space<vmem>>[vector<16xi32>, vector<16xi32>], vector<16xf32>,
      %parallel_loop3A_139 = arith.mulf %parallel_loop3A_138, %parallel_loop3A_123 : vector<16xf32>
      tpu.vector_store_idx %arg10[%broadcast_in_dim3A_19, %parallel_loop3A_119], %parallel_loop3A_139 {add = true} : memref<8x4096xf32, #tpu.memory_space<vmem>>[vector<16xi32>, vector<16xi32>], vector<16xf32>,
    } {sc.loop_unroll_factor = 4 : i64, sc.parallel_access}
    %add3A_69 = arith.constant 16 : i32
    %add3A_70 = arith.addi %mul3A_2, %add3A_69 : i32
    %dma_start3A_71 = arith.constant 0 : i32
    %dma_start3A_72 = tpu.memref_slice %arg2[%add3A_70, %dma_start3A_71] : memref<1024x4096xf32, #tpu.memory_space<hbm>> -> memref<8x4096xf32, #tpu.memory_space<hbm>>
    %dma_start3A_73 = arith.constant 0 : i32
    %dma_start3A_74 = tpu.memref_slice %arg2[%add3A_70, %dma_start3A_73] : memref<1024x4096xf32, #tpu.memory_space<hbm>> -> memref<8x4096xf32, #tpu.memory_space<hbm>>
    tpu.enqueue_dma source(%dma_start3A_74 : memref<8x4096xf32, #tpu.memory_space<hbm>>) target(%arg9 : memref<8x4096xf32, #tpu.memory_space<vmem>>) target_semaphore(%arg18 : memref<!tpu.dma_semaphore, #tpu.memory_space<semaphore_mem>>)
    %add3A_75 = arith.constant 8 : i32
    %add3A_76 = arith.addi %mul3A_2, %add3A_75 : i32
    "tpu.region"() ({
      %run_scoped3A = tpu.sem_alloc : memref<!tpu.dma_semaphore, #tpu.memory_space<semaphore_mem>>
      %dma_start3A_111 = arith.constant 0 : i32
      %dma_start3A_112 = tpu.memref_slice %arg7[%add3A_76, %dma_start3A_111] : memref<1024x4096xf32, #tpu.memory_space<hbm>> -> memref<8x4096xf32, #tpu.memory_space<hbm>>
      %dma_start3A_113 = arith.constant 0 : i32
      %dma_start3A_114 = tpu.memref_slice %arg7[%add3A_76, %dma_start3A_113] : memref<1024x4096xf32, #tpu.memory_space<hbm>> -> memref<8x4096xf32, #tpu.memory_space<hbm>>
      tpu.enqueue_dma source(%arg10 : memref<8x4096xf32, #tpu.memory_space<vmem>>) target(%dma_start3A_114 : memref<8x4096xf32, #tpu.memory_space<hbm>>) target_semaphore(%run_scoped3A : memref<!tpu.dma_semaphore, #tpu.memory_space<semaphore_mem>>)
      %dma_wait3A_115 = arith.constant 0 : i32
      %dma_wait3A_116 = tpu.memref_slice %arg7[%add3A_76, %dma_wait3A_115] : memref<1024x4096xf32, #tpu.memory_space<hbm>> -> memref<8x4096xf32, #tpu.memory_space<hbm>>
      %dma_wait3A_117 = arith.constant 0 : i32
      %dma_wait3A_118 = tpu.memref_slice %arg7[%add3A_76, %dma_wait3A_117] : memref<1024x4096xf32, #tpu.memory_space<hbm>> -> memref<8x4096xf32, #tpu.memory_space<hbm>>
      tpu.wait_dma2 semaphore(%run_scoped3A : memref<!tpu.dma_semaphore, #tpu.memory_space<semaphore_mem>>) src(%arg10 : memref<8x4096xf32, #tpu.memory_space<vmem>>) dst(%dma_wait3A_118 : memref<8x4096xf32, #tpu.memory_space<hbm>>)
      tpu.yield
    }) : () -> ()
    %scan3A_77 = arith.constant 0 : i32
    %scan3A_78 = arith.constant 256 : i32
    %scan3A_79 = arith.addi %scan3A_77, %scan3A_78 : i32
    %scan3A_80 = arith.constant 1 : i32
    scf.for %scan3A_111 = %scan3A_77 to %scan3A_79 step %scan3A_80  : i32 {
      %mul3A_112 = arith.constant 1 : i32
      %mul3A_113 = arith.muli %scan3A_111, %mul3A_112 : i32
      %add3A_114 = arith.constant 0 : i32
      %add3A_115 = arith.addi %add3A_114, %mul3A_113 : i32
      %mul3A_116 = arith.constant 16 : i32
      %mul3A_117 = arith.muli %add3A_115, %mul3A_116 : i32
      %swap3A = arith.constant 0 : i32
      %swap3A_118 = arith.index_cast %swap3A : i32 to index
      %swap3A_119 = arith.index_cast %mul3A_117 : i32 to index
      %swap3A_120 = tpu.vector_load %arg10[%swap3A_118, %swap3A_119] {strides = array<i32>} : memref<8x4096xf32, #tpu.memory_space<vmem>>, vector<16xf32>,
      tpu.vector_store %arg10[%swap3A_118, %swap3A_119], %broadcast_in_dim3A_3 {strides = array<i32>} : memref<8x4096xf32, #tpu.memory_space<vmem>>, vector<16xf32>,
      %mul3A_121 = arith.constant 16 : i32
      %mul3A_122 = arith.muli %add3A_115, %mul3A_121 : i32
      %swap3A_123 = arith.constant 1 : i32
      %swap3A_124 = arith.index_cast %swap3A_123 : i32 to index
      %swap3A_125 = arith.index_cast %mul3A_122 : i32 to index
      %swap3A_126 = tpu.vector_load %arg10[%swap3A_124, %swap3A_125] {strides = array<i32>} : memref<8x4096xf32, #tpu.memory_space<vmem>>, vector<16xf32>,
      tpu.vector_store %arg10[%swap3A_124, %swap3A_125], %broadcast_in_dim3A_3 {strides = array<i32>} : memref<8x4096xf32, #tpu.memory_space<vmem>>, vector<16xf32>,
      %mul3A_127 = arith.constant 16 : i32
      %mul3A_128 = arith.muli %add3A_115, %mul3A_127 : i32
      %swap3A_129 = arith.constant 2 : i32
      %swap3A_130 = arith.index_cast %swap3A_129 : i32 to index
      %swap3A_131 = arith.index_cast %mul3A_128 : i32 to index
      %swap3A_132 = tpu.vector_load %arg10[%swap3A_130, %swap3A_131] {strides = array<i32>} : memref<8x4096xf32, #tpu.memory_space<vmem>>, vector<16xf32>,
      tpu.vector_store %arg10[%swap3A_130, %swap3A_131], %broadcast_in_dim3A_3 {strides = array<i32>} : memref<8x4096xf32, #tpu.memory_space<vmem>>, vector<16xf32>,
      %mul3A_133 = arith.constant 16 : i32
      %mul3A_134 = arith.muli %add3A_115, %mul3A_133 : i32
      %swap3A_135 = arith.constant 3 : i32
      %swap3A_136 = arith.index_cast %swap3A_135 : i32 to index
      %swap3A_137 = arith.index_cast %mul3A_134 : i32 to index
      %swap3A_138 = tpu.vector_load %arg10[%swap3A_136, %swap3A_137] {strides = array<i32>} : memref<8x4096xf32, #tpu.memory_space<vmem>>, vector<16xf32>,
      tpu.vector_store %arg10[%swap3A_136, %swap3A_137], %broadcast_in_dim3A_3 {strides = array<i32>} : memref<8x4096xf32, #tpu.memory_space<vmem>>, vector<16xf32>,
      %mul3A_139 = arith.constant 16 : i32
      %mul3A_140 = arith.muli %add3A_115, %mul3A_139 : i32
      %swap3A_141 = arith.constant 4 : i32
      %swap3A_142 = arith.index_cast %swap3A_141 : i32 to index
      %swap3A_143 = arith.index_cast %mul3A_140 : i32 to index
      %swap3A_144 = tpu.vector_load %arg10[%swap3A_142, %swap3A_143] {strides = array<i32>} : memref<8x4096xf32, #tpu.memory_space<vmem>>, vector<16xf32>,
      tpu.vector_store %arg10[%swap3A_142, %swap3A_143], %broadcast_in_dim3A_3 {strides = array<i32>} : memref<8x4096xf32, #tpu.memory_space<vmem>>, vector<16xf32>,
      %mul3A_145 = arith.constant 16 : i32
      %mul3A_146 = arith.muli %add3A_115, %mul3A_145 : i32
      %swap3A_147 = arith.constant 5 : i32
      %swap3A_148 = arith.index_cast %swap3A_147 : i32 to index
      %swap3A_149 = arith.index_cast %mul3A_146 : i32 to index
      %swap3A_150 = tpu.vector_load %arg10[%swap3A_148, %swap3A_149] {strides = array<i32>} : memref<8x4096xf32, #tpu.memory_space<vmem>>, vector<16xf32>,
      tpu.vector_store %arg10[%swap3A_148, %swap3A_149], %broadcast_in_dim3A_3 {strides = array<i32>} : memref<8x4096xf32, #tpu.memory_space<vmem>>, vector<16xf32>,
      %mul3A_151 = arith.constant 16 : i32
      %mul3A_152 = arith.muli %add3A_115, %mul3A_151 : i32
      %swap3A_153 = arith.constant 6 : i32
      %swap3A_154 = arith.index_cast %swap3A_153 : i32 to index
      %swap3A_155 = arith.index_cast %mul3A_152 : i32 to index
      %swap3A_156 = tpu.vector_load %arg10[%swap3A_154, %swap3A_155] {strides = array<i32>} : memref<8x4096xf32, #tpu.memory_space<vmem>>, vector<16xf32>,
      tpu.vector_store %arg10[%swap3A_154, %swap3A_155], %broadcast_in_dim3A_3 {strides = array<i32>} : memref<8x4096xf32, #tpu.memory_space<vmem>>, vector<16xf32>,
      %mul3A_157 = arith.constant 16 : i32
      %mul3A_158 = arith.muli %add3A_115, %mul3A_157 : i32
      %swap3A_159 = arith.constant 7 : i32
      %swap3A_160 = arith.index_cast %swap3A_159 : i32 to index
      %swap3A_161 = arith.index_cast %mul3A_158 : i32 to index
      %swap3A_162 = tpu.vector_load %arg10[%swap3A_160, %swap3A_161] {strides = array<i32>} : memref<8x4096xf32, #tpu.memory_space<vmem>>, vector<16xf32>,
      tpu.vector_store %arg10[%swap3A_160, %swap3A_161], %broadcast_in_dim3A_3 {strides = array<i32>} : memref<8x4096xf32, #tpu.memory_space<vmem>>, vector<16xf32>,
    }
    %scan3A_81 = arith.constant 256 : i32
    %dma_wait3A_82 = arith.constant 0 : i32
    %dma_wait3A_83 = tpu.memref_slice %arg2[%add3A_70, %dma_wait3A_82] : memref<1024x4096xf32, #tpu.memory_space<hbm>> -> memref<8x4096xf32, #tpu.memory_space<hbm>>
    %dma_wait3A_84 = arith.constant 0 : i32
    %dma_wait3A_85 = tpu.memref_slice %arg2[%add3A_70, %dma_wait3A_84] : memref<1024x4096xf32, #tpu.memory_space<hbm>> -> memref<8x4096xf32, #tpu.memory_space<hbm>>
    tpu.wait_dma2 semaphore(%arg18 : memref<!tpu.dma_semaphore, #tpu.memory_space<semaphore_mem>>) src(%dma_wait3A_85 : memref<8x4096xf32, #tpu.memory_space<hbm>>) dst(%arg9 : memref<8x4096xf32, #tpu.memory_space<vmem>>)
    %parallel_loop3A_86 = arith.constant 0 : i32
    %parallel_loop3A_87 = arith.constant 1024 : i32
    %parallel_loop3A_88 = arith.constant 1 : i32
    scf.for %parallel_loop3A_111 = %parallel_loop3A_86 to %parallel_loop3A_87 step %parallel_loop3A_88  : i32 {
      %parallel_loop3A_112 = arith.constant 16 : i32
      %parallel_loop3A_113 = arith.muli %parallel_loop3A_111, %parallel_loop3A_112 : i32
      %parallel_loop3A_114 = arith.index_cast %parallel_loop3A_113 : i32 to index
      %parallel_loop3A_115 = tpu.vector_load %arg11[%parallel_loop3A_114] {strides = array<i32>} : memref<16384xi32, #tpu.memory_space<vmem>>, vector<16xi32>,
      %parallel_loop3A_116 = arith.constant 16 : i32
      %parallel_loop3A_117 = arith.muli %parallel_loop3A_111, %parallel_loop3A_116 : i32
      %parallel_loop3A_118 = arith.index_cast %parallel_loop3A_117 : i32 to index
      %parallel_loop3A_119 = tpu.vector_load %arg12[%parallel_loop3A_118] {strides = array<i32>} : memref<16384xi32, #tpu.memory_space<vmem>>, vector<16xi32>,
      %parallel_loop3A_120 = arith.constant 16 : i32
      %parallel_loop3A_121 = arith.muli %parallel_loop3A_111, %parallel_loop3A_120 : i32
      %parallel_loop3A_122 = arith.index_cast %parallel_loop3A_121 : i32 to index
      %parallel_loop3A_123 = tpu.vector_load %arg13[%parallel_loop3A_122] {strides = array<i32>} : memref<16384xf32, #tpu.memory_space<vmem>>, vector<16xf32>,
      %parallel_loop3A_124 = tpu.vector_load_idx %arg9[%broadcast_in_dim3A_5, %parallel_loop3A_115] : memref<8x4096xf32, #tpu.memory_space<vmem>>[vector<16xi32>, vector<16xi32>], vector<16xf32>,
      %parallel_loop3A_125 = arith.mulf %parallel_loop3A_124, %parallel_loop3A_123 : vector<16xf32>
      tpu.vector_store_idx %arg10[%broadcast_in_dim3A_5, %parallel_loop3A_119], %parallel_loop3A_125 {add = true} : memref<8x4096xf32, #tpu.memory_space<vmem>>[vector<16xi32>, vector<16xi32>], vector<16xf32>,
      %parallel_loop3A_126 = tpu.vector_load_idx %arg9[%broadcast_in_dim3A_7, %parallel_loop3A_115] : memref<8x4096xf32, #tpu.memory_space<vmem>>[vector<16xi32>, vector<16xi32>], vector<16xf32>,
      %parallel_loop3A_127 = arith.mulf %parallel_loop3A_126, %parallel_loop3A_123 : vector<16xf32>
      tpu.vector_store_idx %arg10[%broadcast_in_dim3A_7, %parallel_loop3A_119], %parallel_loop3A_127 {add = true} : memref<8x4096xf32, #tpu.memory_space<vmem>>[vector<16xi32>, vector<16xi32>], vector<16xf32>,
      %parallel_loop3A_128 = tpu.vector_load_idx %arg9[%broadcast_in_dim3A_9, %parallel_loop3A_115] : memref<8x4096xf32, #tpu.memory_space<vmem>>[vector<16xi32>, vector<16xi32>], vector<16xf32>,
      %parallel_loop3A_129 = arith.mulf %parallel_loop3A_128, %parallel_loop3A_123 : vector<16xf32>
      tpu.vector_store_idx %arg10[%broadcast_in_dim3A_9, %parallel_loop3A_119], %parallel_loop3A_129 {add = true} : memref<8x4096xf32, #tpu.memory_space<vmem>>[vector<16xi32>, vector<16xi32>], vector<16xf32>,
      %parallel_loop3A_130 = tpu.vector_load_idx %arg9[%broadcast_in_dim3A_11, %parallel_loop3A_115] : memref<8x4096xf32, #tpu.memory_space<vmem>>[vector<16xi32>, vector<16xi32>], vector<16xf32>,
      %parallel_loop3A_131 = arith.mulf %parallel_loop3A_130, %parallel_loop3A_123 : vector<16xf32>
      tpu.vector_store_idx %arg10[%broadcast_in_dim3A_11, %parallel_loop3A_119], %parallel_loop3A_131 {add = true} : memref<8x4096xf32, #tpu.memory_space<vmem>>[vector<16xi32>, vector<16xi32>], vector<16xf32>,
      %parallel_loop3A_132 = tpu.vector_load_idx %arg9[%broadcast_in_dim3A_13, %parallel_loop3A_115] : memref<8x4096xf32, #tpu.memory_space<vmem>>[vector<16xi32>, vector<16xi32>], vector<16xf32>,
      %parallel_loop3A_133 = arith.mulf %parallel_loop3A_132, %parallel_loop3A_123 : vector<16xf32>
      tpu.vector_store_idx %arg10[%broadcast_in_dim3A_13, %parallel_loop3A_119], %parallel_loop3A_133 {add = true} : memref<8x4096xf32, #tpu.memory_space<vmem>>[vector<16xi32>, vector<16xi32>], vector<16xf32>,
      %parallel_loop3A_134 = tpu.vector_load_idx %arg9[%broadcast_in_dim3A_15, %parallel_loop3A_115] : memref<8x4096xf32, #tpu.memory_space<vmem>>[vector<16xi32>, vector<16xi32>], vector<16xf32>,
      %parallel_loop3A_135 = arith.mulf %parallel_loop3A_134, %parallel_loop3A_123 : vector<16xf32>
      tpu.vector_store_idx %arg10[%broadcast_in_dim3A_15, %parallel_loop3A_119], %parallel_loop3A_135 {add = true} : memref<8x4096xf32, #tpu.memory_space<vmem>>[vector<16xi32>, vector<16xi32>], vector<16xf32>,
      %parallel_loop3A_136 = tpu.vector_load_idx %arg9[%broadcast_in_dim3A_17, %parallel_loop3A_115] : memref<8x4096xf32, #tpu.memory_space<vmem>>[vector<16xi32>, vector<16xi32>], vector<16xf32>,
      %parallel_loop3A_137 = arith.mulf %parallel_loop3A_136, %parallel_loop3A_123 : vector<16xf32>
      tpu.vector_store_idx %arg10[%broadcast_in_dim3A_17, %parallel_loop3A_119], %parallel_loop3A_137 {add = true} : memref<8x4096xf32, #tpu.memory_space<vmem>>[vector<16xi32>, vector<16xi32>], vector<16xf32>,
      %parallel_loop3A_138 = tpu.vector_load_idx %arg9[%broadcast_in_dim3A_19, %parallel_loop3A_115] : memref<8x4096xf32, #tpu.memory_space<vmem>>[vector<16xi32>, vector<16xi32>], vector<16xf32>,
      %parallel_loop3A_139 = arith.mulf %parallel_loop3A_138, %parallel_loop3A_123 : vector<16xf32>
      tpu.vector_store_idx %arg10[%broadcast_in_dim3A_19, %parallel_loop3A_119], %parallel_loop3A_139 {add = true} : memref<8x4096xf32, #tpu.memory_space<vmem>>[vector<16xi32>, vector<16xi32>], vector<16xf32>,
    } {sc.loop_unroll_factor = 4 : i64, sc.parallel_access}
    %add3A_89 = arith.constant 24 : i32
    %add3A_90 = arith.addi %mul3A_2, %add3A_89 : i32
    %dma_start3A_91 = arith.constant 0 : i32
    %dma_start3A_92 = tpu.memref_slice %arg2[%add3A_90, %dma_start3A_91] : memref<1024x4096xf32, #tpu.memory_space<hbm>> -> memref<8x4096xf32, #tpu.memory_space<hbm>>
    %dma_start3A_93 = arith.constant 0 : i32
    %dma_start3A_94 = tpu.memref_slice %arg2[%add3A_90, %dma_start3A_93] : memref<1024x4096xf32, #tpu.memory_space<hbm>> -> memref<8x4096xf32, #tpu.memory_space<hbm>>
    tpu.enqueue_dma source(%dma_start3A_94 : memref<8x4096xf32, #tpu.memory_space<hbm>>) target(%arg9 : memref<8x4096xf32, #tpu.memory_space<vmem>>) target_semaphore(%arg18 : memref<!tpu.dma_semaphore, #tpu.memory_space<semaphore_mem>>)
    %add3A_95 = arith.constant 16 : i32
    %add3A_96 = arith.addi %mul3A_2, %add3A_95 : i32
    "tpu.region"() ({
      %run_scoped3A = tpu.sem_alloc : memref<!tpu.dma_semaphore, #tpu.memory_space<semaphore_mem>>
      %dma_start3A_111 = arith.constant 0 : i32
      %dma_start3A_112 = tpu.memref_slice %arg7[%add3A_96, %dma_start3A_111] : memref<1024x4096xf32, #tpu.memory_space<hbm>> -> memref<8x4096xf32, #tpu.memory_space<hbm>>
      %dma_start3A_113 = arith.constant 0 : i32
      %dma_start3A_114 = tpu.memref_slice %arg7[%add3A_96, %dma_start3A_113] : memref<1024x4096xf32, #tpu.memory_space<hbm>> -> memref<8x4096xf32, #tpu.memory_space<hbm>>
      tpu.enqueue_dma source(%arg10 : memref<8x4096xf32, #tpu.memory_space<vmem>>) target(%dma_start3A_114 : memref<8x4096xf32, #tpu.memory_space<hbm>>) target_semaphore(%run_scoped3A : memref<!tpu.dma_semaphore, #tpu.memory_space<semaphore_mem>>)
      %dma_wait3A_115 = arith.constant 0 : i32
      %dma_wait3A_116 = tpu.memref_slice %arg7[%add3A_96, %dma_wait3A_115] : memref<1024x4096xf32, #tpu.memory_space<hbm>> -> memref<8x4096xf32, #tpu.memory_space<hbm>>
      %dma_wait3A_117 = arith.constant 0 : i32
      %dma_wait3A_118 = tpu.memref_slice %arg7[%add3A_96, %dma_wait3A_117] : memref<1024x4096xf32, #tpu.memory_space<hbm>> -> memref<8x4096xf32, #tpu.memory_space<hbm>>
      tpu.wait_dma2 semaphore(%run_scoped3A : memref<!tpu.dma_semaphore, #tpu.memory_space<semaphore_mem>>) src(%arg10 : memref<8x4096xf32, #tpu.memory_space<vmem>>) dst(%dma_wait3A_118 : memref<8x4096xf32, #tpu.memory_space<hbm>>)
      tpu.yield
    }) : () -> ()
    %scan3A_97 = arith.constant 0 : i32
    %scan3A_98 = arith.constant 256 : i32
    %scan3A_99 = arith.addi %scan3A_97, %scan3A_98 : i32
    %scan3A_100 = arith.constant 1 : i32
    scf.for %scan3A_111 = %scan3A_97 to %scan3A_99 step %scan3A_100  : i32 {
      %mul3A_112 = arith.constant 1 : i32
      %mul3A_113 = arith.muli %scan3A_111, %mul3A_112 : i32
      %add3A_114 = arith.constant 0 : i32
      %add3A_115 = arith.addi %add3A_114, %mul3A_113 : i32
      %mul3A_116 = arith.constant 16 : i32
      %mul3A_117 = arith.muli %add3A_115, %mul3A_116 : i32
      %swap3A = arith.constant 0 : i32
      %swap3A_118 = arith.index_cast %swap3A : i32 to index
      %swap3A_119 = arith.index_cast %mul3A_117 : i32 to index
      %swap3A_120 = tpu.vector_load %arg10[%swap3A_118, %swap3A_119] {strides = array<i32>} : memref<8x4096xf32, #tpu.memory_space<vmem>>, vector<16xf32>,
      tpu.vector_store %arg10[%swap3A_118, %swap3A_119], %broadcast_in_dim3A_3 {strides = array<i32>} : memref<8x4096xf32, #tpu.memory_space<vmem>>, vector<16xf32>,
      %mul3A_121 = arith.constant 16 : i32
      %mul3A_122 = arith.muli %add3A_115, %mul3A_121 : i32
      %swap3A_123 = arith.constant 1 : i32
      %swap3A_124 = arith.index_cast %swap3A_123 : i32 to index
      %swap3A_125 = arith.index_cast %mul3A_122 : i32 to index
      %swap3A_126 = tpu.vector_load %arg10[%swap3A_124, %swap3A_125] {strides = array<i32>} : memref<8x4096xf32, #tpu.memory_space<vmem>>, vector<16xf32>,
      tpu.vector_store %arg10[%swap3A_124, %swap3A_125], %broadcast_in_dim3A_3 {strides = array<i32>} : memref<8x4096xf32, #tpu.memory_space<vmem>>, vector<16xf32>,
      %mul3A_127 = arith.constant 16 : i32
      %mul3A_128 = arith.muli %add3A_115, %mul3A_127 : i32
      %swap3A_129 = arith.constant 2 : i32
      %swap3A_130 = arith.index_cast %swap3A_129 : i32 to index
      %swap3A_131 = arith.index_cast %mul3A_128 : i32 to index
      %swap3A_132 = tpu.vector_load %arg10[%swap3A_130, %swap3A_131] {strides = array<i32>} : memref<8x4096xf32, #tpu.memory_space<vmem>>, vector<16xf32>,
      tpu.vector_store %arg10[%swap3A_130, %swap3A_131], %broadcast_in_dim3A_3 {strides = array<i32>} : memref<8x4096xf32, #tpu.memory_space<vmem>>, vector<16xf32>,
      %mul3A_133 = arith.constant 16 : i32
      %mul3A_134 = arith.muli %add3A_115, %mul3A_133 : i32
      %swap3A_135 = arith.constant 3 : i32
      %swap3A_136 = arith.index_cast %swap3A_135 : i32 to index
      %swap3A_137 = arith.index_cast %mul3A_134 : i32 to index
      %swap3A_138 = tpu.vector_load %arg10[%swap3A_136, %swap3A_137] {strides = array<i32>} : memref<8x4096xf32, #tpu.memory_space<vmem>>, vector<16xf32>,
      tpu.vector_store %arg10[%swap3A_136, %swap3A_137], %broadcast_in_dim3A_3 {strides = array<i32>} : memref<8x4096xf32, #tpu.memory_space<vmem>>, vector<16xf32>,
      %mul3A_139 = arith.constant 16 : i32
      %mul3A_140 = arith.muli %add3A_115, %mul3A_139 : i32
      %swap3A_141 = arith.constant 4 : i32
      %swap3A_142 = arith.index_cast %swap3A_141 : i32 to index
      %swap3A_143 = arith.index_cast %mul3A_140 : i32 to index
      %swap3A_144 = tpu.vector_load %arg10[%swap3A_142, %swap3A_143] {strides = array<i32>} : memref<8x4096xf32, #tpu.memory_space<vmem>>, vector<16xf32>,
      tpu.vector_store %arg10[%swap3A_142, %swap3A_143], %broadcast_in_dim3A_3 {strides = array<i32>} : memref<8x4096xf32, #tpu.memory_space<vmem>>, vector<16xf32>,
      %mul3A_145 = arith.constant 16 : i32
      %mul3A_146 = arith.muli %add3A_115, %mul3A_145 : i32
      %swap3A_147 = arith.constant 5 : i32
      %swap3A_148 = arith.index_cast %swap3A_147 : i32 to index
      %swap3A_149 = arith.index_cast %mul3A_146 : i32 to index
      %swap3A_150 = tpu.vector_load %arg10[%swap3A_148, %swap3A_149] {strides = array<i32>} : memref<8x4096xf32, #tpu.memory_space<vmem>>, vector<16xf32>,
      tpu.vector_store %arg10[%swap3A_148, %swap3A_149], %broadcast_in_dim3A_3 {strides = array<i32>} : memref<8x4096xf32, #tpu.memory_space<vmem>>, vector<16xf32>,
      %mul3A_151 = arith.constant 16 : i32
      %mul3A_152 = arith.muli %add3A_115, %mul3A_151 : i32
      %swap3A_153 = arith.constant 6 : i32
      %swap3A_154 = arith.index_cast %swap3A_153 : i32 to index
      %swap3A_155 = arith.index_cast %mul3A_152 : i32 to index
      %swap3A_156 = tpu.vector_load %arg10[%swap3A_154, %swap3A_155] {strides = array<i32>} : memref<8x4096xf32, #tpu.memory_space<vmem>>, vector<16xf32>,
      tpu.vector_store %arg10[%swap3A_154, %swap3A_155], %broadcast_in_dim3A_3 {strides = array<i32>} : memref<8x4096xf32, #tpu.memory_space<vmem>>, vector<16xf32>,
      %mul3A_157 = arith.constant 16 : i32
      %mul3A_158 = arith.muli %add3A_115, %mul3A_157 : i32
      %swap3A_159 = arith.constant 7 : i32
      %swap3A_160 = arith.index_cast %swap3A_159 : i32 to index
      %swap3A_161 = arith.index_cast %mul3A_158 : i32 to index
      %swap3A_162 = tpu.vector_load %arg10[%swap3A_160, %swap3A_161] {strides = array<i32>} : memref<8x4096xf32, #tpu.memory_space<vmem>>, vector<16xf32>,
      tpu.vector_store %arg10[%swap3A_160, %swap3A_161], %broadcast_in_dim3A_3 {strides = array<i32>} : memref<8x4096xf32, #tpu.memory_space<vmem>>, vector<16xf32>,
    }
    %scan3A_101 = arith.constant 256 : i32
    %dma_wait3A_102 = arith.constant 0 : i32
    %dma_wait3A_103 = tpu.memref_slice %arg2[%add3A_90, %dma_wait3A_102] : memref<1024x4096xf32, #tpu.memory_space<hbm>> -> memref<8x4096xf32, #tpu.memory_space<hbm>>
    %dma_wait3A_104 = arith.constant 0 : i32
    %dma_wait3A_105 = tpu.memref_slice %arg2[%add3A_90, %dma_wait3A_104] : memref<1024x4096xf32, #tpu.memory_space<hbm>> -> memref<8x4096xf32, #tpu.memory_space<hbm>>
    tpu.wait_dma2 semaphore(%arg18 : memref<!tpu.dma_semaphore, #tpu.memory_space<semaphore_mem>>) src(%dma_wait3A_105 : memref<8x4096xf32, #tpu.memory_space<hbm>>) dst(%arg9 : memref<8x4096xf32, #tpu.memory_space<vmem>>)
    %parallel_loop3A_106 = arith.constant 0 : i32
    %parallel_loop3A_107 = arith.constant 1024 : i32
    %parallel_loop3A_108 = arith.constant 1 : i32
    scf.for %parallel_loop3A_111 = %parallel_loop3A_106 to %parallel_loop3A_107 step %parallel_loop3A_108  : i32 {
      %parallel_loop3A_112 = arith.constant 16 : i32
      %parallel_loop3A_113 = arith.muli %parallel_loop3A_111, %parallel_loop3A_112 : i32
      %parallel_loop3A_114 = arith.index_cast %parallel_loop3A_113 : i32 to index
      %parallel_loop3A_115 = tpu.vector_load %arg11[%parallel_loop3A_114] {strides = array<i32>} : memref<16384xi32, #tpu.memory_space<vmem>>, vector<16xi32>,
      %parallel_loop3A_116 = arith.constant 16 : i32
      %parallel_loop3A_117 = arith.muli %parallel_loop3A_111, %parallel_loop3A_116 : i32
      %parallel_loop3A_118 = arith.index_cast %parallel_loop3A_117 : i32 to index
      %parallel_loop3A_119 = tpu.vector_load %arg12[%parallel_loop3A_118] {strides = array<i32>} : memref<16384xi32, #tpu.memory_space<vmem>>, vector<16xi32>,
      %parallel_loop3A_120 = arith.constant 16 : i32
      %parallel_loop3A_121 = arith.muli %parallel_loop3A_111, %parallel_loop3A_120 : i32
      %parallel_loop3A_122 = arith.index_cast %parallel_loop3A_121 : i32 to index
      %parallel_loop3A_123 = tpu.vector_load %arg13[%parallel_loop3A_122] {strides = array<i32>} : memref<16384xf32, #tpu.memory_space<vmem>>, vector<16xf32>,
      %parallel_loop3A_124 = tpu.vector_load_idx %arg9[%broadcast_in_dim3A_5, %parallel_loop3A_115] : memref<8x4096xf32, #tpu.memory_space<vmem>>[vector<16xi32>, vector<16xi32>], vector<16xf32>,
      %parallel_loop3A_125 = arith.mulf %parallel_loop3A_124, %parallel_loop3A_123 : vector<16xf32>
      tpu.vector_store_idx %arg10[%broadcast_in_dim3A_5, %parallel_loop3A_119], %parallel_loop3A_125 {add = true} : memref<8x4096xf32, #tpu.memory_space<vmem>>[vector<16xi32>, vector<16xi32>], vector<16xf32>,
      %parallel_loop3A_126 = tpu.vector_load_idx %arg9[%broadcast_in_dim3A_7, %parallel_loop3A_115] : memref<8x4096xf32, #tpu.memory_space<vmem>>[vector<16xi32>, vector<16xi32>], vector<16xf32>,
      %parallel_loop3A_127 = arith.mulf %parallel_loop3A_126, %parallel_loop3A_123 : vector<16xf32>
      tpu.vector_store_idx %arg10[%broadcast_in_dim3A_7, %parallel_loop3A_119], %parallel_loop3A_127 {add = true} : memref<8x4096xf32, #tpu.memory_space<vmem>>[vector<16xi32>, vector<16xi32>], vector<16xf32>,
      %parallel_loop3A_128 = tpu.vector_load_idx %arg9[%broadcast_in_dim3A_9, %parallel_loop3A_115] : memref<8x4096xf32, #tpu.memory_space<vmem>>[vector<16xi32>, vector<16xi32>], vector<16xf32>,
      %parallel_loop3A_129 = arith.mulf %parallel_loop3A_128, %parallel_loop3A_123 : vector<16xf32>
      tpu.vector_store_idx %arg10[%broadcast_in_dim3A_9, %parallel_loop3A_119], %parallel_loop3A_129 {add = true} : memref<8x4096xf32, #tpu.memory_space<vmem>>[vector<16xi32>, vector<16xi32>], vector<16xf32>,
      %parallel_loop3A_130 = tpu.vector_load_idx %arg9[%broadcast_in_dim3A_11, %parallel_loop3A_115] : memref<8x4096xf32, #tpu.memory_space<vmem>>[vector<16xi32>, vector<16xi32>], vector<16xf32>,
      %parallel_loop3A_131 = arith.mulf %parallel_loop3A_130, %parallel_loop3A_123 : vector<16xf32>
      tpu.vector_store_idx %arg10[%broadcast_in_dim3A_11, %parallel_loop3A_119], %parallel_loop3A_131 {add = true} : memref<8x4096xf32, #tpu.memory_space<vmem>>[vector<16xi32>, vector<16xi32>], vector<16xf32>,
      %parallel_loop3A_132 = tpu.vector_load_idx %arg9[%broadcast_in_dim3A_13, %parallel_loop3A_115] : memref<8x4096xf32, #tpu.memory_space<vmem>>[vector<16xi32>, vector<16xi32>], vector<16xf32>,
      %parallel_loop3A_133 = arith.mulf %parallel_loop3A_132, %parallel_loop3A_123 : vector<16xf32>
      tpu.vector_store_idx %arg10[%broadcast_in_dim3A_13, %parallel_loop3A_119], %parallel_loop3A_133 {add = true} : memref<8x4096xf32, #tpu.memory_space<vmem>>[vector<16xi32>, vector<16xi32>], vector<16xf32>,
      %parallel_loop3A_134 = tpu.vector_load_idx %arg9[%broadcast_in_dim3A_15, %parallel_loop3A_115] : memref<8x4096xf32, #tpu.memory_space<vmem>>[vector<16xi32>, vector<16xi32>], vector<16xf32>,
      %parallel_loop3A_135 = arith.mulf %parallel_loop3A_134, %parallel_loop3A_123 : vector<16xf32>
      tpu.vector_store_idx %arg10[%broadcast_in_dim3A_15, %parallel_loop3A_119], %parallel_loop3A_135 {add = true} : memref<8x4096xf32, #tpu.memory_space<vmem>>[vector<16xi32>, vector<16xi32>], vector<16xf32>,
      %parallel_loop3A_136 = tpu.vector_load_idx %arg9[%broadcast_in_dim3A_17, %parallel_loop3A_115] : memref<8x4096xf32, #tpu.memory_space<vmem>>[vector<16xi32>, vector<16xi32>], vector<16xf32>,
      %parallel_loop3A_137 = arith.mulf %parallel_loop3A_136, %parallel_loop3A_123 : vector<16xf32>
      tpu.vector_store_idx %arg10[%broadcast_in_dim3A_17, %parallel_loop3A_119], %parallel_loop3A_137 {add = true} : memref<8x4096xf32, #tpu.memory_space<vmem>>[vector<16xi32>, vector<16xi32>], vector<16xf32>,
      %parallel_loop3A_138 = tpu.vector_load_idx %arg9[%broadcast_in_dim3A_19, %parallel_loop3A_115] : memref<8x4096xf32, #tpu.memory_space<vmem>>[vector<16xi32>, vector<16xi32>], vector<16xf32>,
      %parallel_loop3A_139 = arith.mulf %parallel_loop3A_138, %parallel_loop3A_123 : vector<16xf32>
      tpu.vector_store_idx %arg10[%broadcast_in_dim3A_19, %parallel_loop3A_119], %parallel_loop3A_139 {add = true} : memref<8x4096xf32, #tpu.memory_space<vmem>>[vector<16xi32>, vector<16xi32>], vector<16xf32>,
    } {sc.loop_unroll_factor = 4 : i64, sc.parallel_access}
    %add3A_109 = arith.constant 24 : i32
    %add3A_110 = arith.addi %mul3A_2, %add3A_109 : i32
    "tpu.region"() ({
      %run_scoped3A = tpu.sem_alloc : memref<!tpu.dma_semaphore, #tpu.memory_space<semaphore_mem>>
      %dma_start3A_111 = arith.constant 0 : i32
      %dma_start3A_112 = tpu.memref_slice %arg7[%add3A_110, %dma_start3A_111] : memref<1024x4096xf32, #tpu.memory_space<hbm>> -> memref<8x4096xf32, #tpu.memory_space<hbm>>
      %dma_start3A_113 = arith.constant 0 : i32
      %dma_start3A_114 = tpu.memref_slice %arg7[%add3A_110, %dma_start3A_113] : memref<1024x4096xf32, #tpu.memory_space<hbm>> -> memref<8x4096xf32, #tpu.memory_space<hbm>>
      tpu.enqueue_dma source(%arg10 : memref<8x4096xf32, #tpu.memory_space<vmem>>) target(%dma_start3A_114 : memref<8x4096xf32, #tpu.memory_space<hbm>>) target_semaphore(%run_scoped3A : memref<!tpu.dma_semaphore, #tpu.memory_space<semaphore_mem>>)
      %dma_wait3A_115 = arith.constant 0 : i32
      %dma_wait3A_116 = tpu.memref_slice %arg7[%add3A_110, %dma_wait3A_115] : memref<1024x4096xf32, #tpu.memory_space<hbm>> -> memref<8x4096xf32, #tpu.memory_space<hbm>>
      %dma_wait3A_117 = arith.constant 0 : i32
      %dma_wait3A_118 = tpu.memref_slice %arg7[%add3A_110, %dma_wait3A_117] : memref<1024x4096xf32, #tpu.memory_space<hbm>> -> memref<8x4096xf32, #tpu.memory_space<hbm>>
      tpu.wait_dma2 semaphore(%run_scoped3A : memref<!tpu.dma_semaphore, #tpu.memory_space<semaphore_mem>>) src(%arg10 : memref<8x4096xf32, #tpu.memory_space<vmem>>) dst(%dma_wait3A_118 : memref<8x4096xf32, #tpu.memory_space<hbm>>)
      tpu.yield
    }) : () -> ()
    return
  }
}

module attributes {stable_mosaic.version = 14 : i64} {
  func.func @_fin_body(%arg0: i32, %arg1: i32, %arg2: memref<256x256xf32, #tpu.memory_space<vmem>>, %arg3: memref<32x256xf32, #tpu.memory_space<vmem>>, %arg4: memref<256x256xf32, #tpu.memory_space<vmem>>) attributes {dimension_semantics = [#tpu.dimension_semantics<arbitrary>, #tpu.dimension_semantics<arbitrary>], iteration_bounds = array<i64: 16, 4>, scalar_prefetch = 0 : i64, scratch_operands = 0 : i64, tpu.core_type = #tpu.core_type<tc>, window_params = [{transform_indices = @transform_0, window_bounds = array<i64: 256, 256>}, {transform_indices = @transform_1, window_bounds = array<i64: 32, 256>}, {transform_indices = @transform_2, window_bounds = array<i64: 256, 256>}]} {
    %get3A = arith.constant 0 : index
    %get3A_0 = arith.constant 0 : index
    %get3A_1 = vector.load %arg3[%get3A, %get3A_0] : memref<32x256xf32, #tpu.memory_space<vmem>>, vector<32x256xf32>
    %reduce_sum3A = arith.constant dense<0.000000e+00> : vector<256xf32>
    %reduce_sum3A_2 = vector.multi_reduction <add>, %get3A_1, %reduce_sum3A [0] : vector<32x256xf32> to vector<256xf32>
    %add3A = arith.constant 1.638400e+04 : f32
    %add3A_3 = vector.broadcast %add3A : f32 to vector<256xf32>
    %add3A_4 = arith.addf %add3A_3, %reduce_sum3A_2 : vector<256xf32>
    %get3A_5 = arith.constant 0 : index
    %get3A_6 = arith.constant 0 : index
    %get3A_7 = vector.load %arg2[%get3A_5, %get3A_6] : memref<256x256xf32, #tpu.memory_space<vmem>>, vector<256x256xf32>
    %transpose3A = tpu.transpose %get3A_7, [1, 0] : vector<256x256xf32> -> vector<256x256xf32>
    %broadcast_in_dim3A = vector.shape_cast %add3A_4 : vector<256xf32> to vector<256x1xf32>
    %div3A = vector.broadcast %broadcast_in_dim3A : vector<256x1xf32> to vector<256x256xf32>
    %div3A_8 = arith.divf %transpose3A, %div3A : vector<256x256xf32>
    %gt3A = arith.constant 0.000000e+00 : f32
    %gt3A_9 = vector.broadcast %gt3A : f32 to vector<256x256xf32>
    %gt3A_10 = arith.cmpf ogt, %div3A_8, %gt3A_9 : vector<256x256xf32>
    %exp3A = math.exp %div3A_8 : vector<256x256xf32>
    %sub3A = arith.constant 1.000000e+00 : f32
    %sub3A_11 = vector.broadcast %sub3A : f32 to vector<256x256xf32>
    %sub3A_12 = arith.subf %exp3A, %sub3A_11 : vector<256x256xf32>
    %select_n3A = arith.select %gt3A_10, %div3A_8, %sub3A_12 : vector<256x256xi1>, vector<256x256xf32>
    %swap3A = arith.constant 0 : index
    %swap3A_13 = arith.constant 0 : index
    %swap3A_14 = vector.load %arg4[%swap3A, %swap3A_13] : memref<256x256xf32, #tpu.memory_space<vmem>>, vector<256x256xf32>
    tpu.vector_store %arg4[%swap3A, %swap3A_13], %select_n3A {strides = array<i32>} : memref<256x256xf32, #tpu.memory_space<vmem>>, vector<256x256xf32>,
    return
  }
  func.func @transform_0(%arg0: i32, %arg1: i32) -> (i32, i32) {
    %c0_i32 = arith.constant 0 : i32
    return %arg1, %arg0 : i32, i32
  }
  func.func @transform_1(%arg0: i32, %arg1: i32) -> (i32, i32) {
    %c0_i32 = arith.constant 0 : i32
    %c0_i32_0 = arith.constant 0 : i32
    return %c0_i32, %arg0 : i32, i32
  }
  func.func @transform_2(%arg0: i32, %arg1: i32) -> (i32, i32) {
    %c0_i32 = arith.constant 0 : i32
    return %arg0, %arg1 : i32, i32
  }
}

module attributes {stable_mosaic.version = 14 : i64} {
  func.func @_mm_body(%arg0: i32, %arg1: i32, %arg2: memref<256x1024xf32, #tpu.memory_space<vmem>>, %arg3: memref<1024x1024xf32, #tpu.memory_space<vmem>>, %arg4: memref<1x2048xf32, #tpu.memory_space<vmem>>, %arg5: memref<256x256xf32, #tpu.memory_space<vmem>>, %arg6: memref<256xf32, #tpu.memory_space<vmem>>, %arg7: memref<256xf32, #tpu.memory_space<vmem>>, %arg8: memref<256x1024xbf16, #tpu.memory_space<vmem>>, %arg9: memref<256x1024xbf16, #tpu.memory_space<vmem>>, %arg10: memref<1024x1024xbf16, #tpu.memory_space<vmem>>, %arg11: memref<1024x1024xbf16, #tpu.memory_space<vmem>>) attributes {dimension_semantics = [#tpu.dimension_semantics<arbitrary>, #tpu.dimension_semantics<arbitrary>], iteration_bounds = array<i64: 16, 4>, scalar_prefetch = 0 : i64, scratch_operands = 4 : i64, tpu.core_type = #tpu.core_type<tc>, window_params = [{transform_indices = @transform_0, window_bounds = array<i64: 256, 1024>}, {pipeline_mode = #tpu.pipeline_mode<synchronous>, transform_indices = @transform_1, window_bounds = array<i64: 1024, 1024>}, {pipeline_mode = #tpu.pipeline_mode<synchronous>, transform_indices = @transform_2, window_bounds = array<i64: 1, 2048>}, {transform_indices = @transform_3, window_bounds = array<i64: 256, 256>}, {transform_indices = @transform_4, window_bounds = array<i64: 256>}, {transform_indices = @transform_5, window_bounds = array<i64: 256>}]} {
    %eq3A = arith.constant 0 : i32
    %eq3A_0 = arith.cmpi eq, %arg0, %eq3A : i32
    %eq3A_1 = arith.constant 0 : i32
    %eq3A_2 = arith.cmpi eq, %arg1, %eq3A_1 : i32
    %and3A = arith.andi %eq3A_0, %eq3A_2 : i1
    %convert_element_type3A = arith.extui %and3A : i1 to i32
    %cond3A = arith.constant 0 : i32
    %cond3A_3 = arith.cmpi ne, %convert_element_type3A, %cond3A : i32
    scf.if %cond3A_3 {
      %get3A_62 = arith.constant 0 : index
      %get3A_63 = arith.constant 0 : index
      %get3A_64 = vector.load %arg3[%get3A_62, %get3A_63] : memref<1024x1024xf32, #tpu.memory_space<vmem>>, vector<1024x1024xf32>
      %convert_element_type3A_65 = arith.truncf %get3A_64 : vector<1024x1024xf32> to vector<1024x1024xbf16>
      %swap3A_66 = arith.constant 0 : index
      %swap3A_67 = arith.constant 0 : index
      %swap3A_68 = vector.load %arg10[%swap3A_66, %swap3A_67] : memref<1024x1024xbf16, #tpu.memory_space<vmem>>, vector<1024x1024xbf16>
      tpu.vector_store %arg10[%swap3A_66, %swap3A_67], %convert_element_type3A_65 {strides = array<i32>} : memref<1024x1024xbf16, #tpu.memory_space<vmem>>, vector<1024x1024xbf16>,
      %convert_element_type3A_69 = arith.extf %convert_element_type3A_65 : vector<1024x1024xbf16> to vector<1024x1024xf32>
      %sub3A = arith.subf %get3A_64, %convert_element_type3A_69 : vector<1024x1024xf32>
      %convert_element_type3A_70 = arith.truncf %sub3A : vector<1024x1024xf32> to vector<1024x1024xbf16>
      %swap3A_71 = arith.constant 0 : index
      %swap3A_72 = arith.constant 0 : index
      %swap3A_73 = vector.load %arg11[%swap3A_71, %swap3A_72] : memref<1024x1024xbf16, #tpu.memory_space<vmem>>, vector<1024x1024xbf16>
      tpu.vector_store %arg11[%swap3A_71, %swap3A_72], %convert_element_type3A_70 {strides = array<i32>} : memref<1024x1024xbf16, #tpu.memory_space<vmem>>, vector<1024x1024xbf16>,
    } else {
    }
    %eq3A_4 = arith.constant 0 : i32
    %eq3A_5 = arith.cmpi eq, %arg1, %eq3A_4 : i32
    %convert_element_type3A_6 = arith.extui %eq3A_5 : i1 to i32
    %cond3A_7 = arith.constant 0 : i32
    %cond3A_8 = arith.cmpi ne, %convert_element_type3A_6, %cond3A_7 : i32
    scf.if %cond3A_8 {
      %get3A_62 = arith.constant 0 : index
      %get3A_63 = arith.constant 0 : index
      %get3A_64 = vector.load %arg2[%get3A_62, %get3A_63] : memref<256x1024xf32, #tpu.memory_space<vmem>>, vector<256x1024xf32>
      %convert_element_type3A_65 = arith.truncf %get3A_64 : vector<256x1024xf32> to vector<256x1024xbf16>
      %swap3A_66 = arith.constant 0 : index
      %swap3A_67 = arith.constant 0 : index
      %swap3A_68 = vector.load %arg8[%swap3A_66, %swap3A_67] : memref<256x1024xbf16, #tpu.memory_space<vmem>>, vector<256x1024xbf16>
      tpu.vector_store %arg8[%swap3A_66, %swap3A_67], %convert_element_type3A_65 {strides = array<i32>} : memref<256x1024xbf16, #tpu.memory_space<vmem>>, vector<256x1024xbf16>,
      %convert_element_type3A_69 = arith.extf %convert_element_type3A_65 : vector<256x1024xbf16> to vector<256x1024xf32>
      %sub3A = arith.subf %get3A_64, %convert_element_type3A_69 : vector<256x1024xf32>
      %convert_element_type3A_70 = arith.truncf %sub3A : vector<256x1024xf32> to vector<256x1024xbf16>
      %swap3A_71 = arith.constant 0 : index
      %swap3A_72 = arith.constant 0 : index
      %swap3A_73 = vector.load %arg9[%swap3A_71, %swap3A_72] : memref<256x1024xbf16, #tpu.memory_space<vmem>>, vector<256x1024xbf16>
      tpu.vector_store %arg9[%swap3A_71, %swap3A_72], %convert_element_type3A_70 {strides = array<i32>} : memref<256x1024xbf16, #tpu.memory_space<vmem>>, vector<256x1024xbf16>,
    } else {
    }
    %get3A = arith.constant 0 : index
    %get3A_9 = arith.constant 0 : index
    %get3A_10 = vector.load %arg8[%get3A, %get3A_9] : memref<256x1024xbf16, #tpu.memory_space<vmem>>, vector<256x1024xbf16>
    %get3A_11 = arith.constant 0 : index
    %get3A_12 = arith.constant 0 : index
    %get3A_13 = vector.load %arg9[%get3A_11, %get3A_12] : memref<256x1024xbf16, #tpu.memory_space<vmem>>, vector<256x1024xbf16>
    %mul3A = arith.constant 256 : i32
    %mul3A_14 = arith.muli %arg1, %mul3A : i32
    %get3A_15 = arith.index_cast %mul3A_14 : i32 to index
    %get3A_16 = arith.constant 0 : index
    %get3A_17 = vector.load %arg10[%get3A_15, %get3A_16] : memref<1024x1024xbf16, #tpu.memory_space<vmem>>, vector<256x1024xbf16>
    %mul3A_18 = arith.constant 256 : i32
    %mul3A_19 = arith.muli %arg1, %mul3A_18 : i32
    %get3A_20 = arith.index_cast %mul3A_19 : i32 to index
    %get3A_21 = arith.constant 0 : index
    %get3A_22 = vector.load %arg11[%get3A_20, %get3A_21] : memref<1024x1024xbf16, #tpu.memory_space<vmem>>, vector<256x1024xbf16>
    %dot_general3A = arith.constant dense<0.000000e+00> : vector<256x256xf32>
    %dot_general3A_23 = tpu.matmul %get3A_17, %get3A_10, %dot_general3A {dimension_numbers = #tpu.dot_dimension_numbers<[1], [1], [0], [0], [0, 0, 1, 0], [], []>, transpose_lhs_hint = false} : vector<256x1024xbf16>, vector<256x1024xbf16>, vector<256x256xf32> -> vector<256x256xf32>
    %dot_general3A_24 = arith.constant dense<0.000000e+00> : vector<256x256xf32>
    %dot_general3A_25 = tpu.matmul %get3A_17, %get3A_13, %dot_general3A_24 {dimension_numbers = #tpu.dot_dimension_numbers<[1], [1], [0], [0], [0, 0, 1, 0], [], []>, transpose_lhs_hint = false} : vector<256x1024xbf16>, vector<256x1024xbf16>, vector<256x256xf32> -> vector<256x256xf32>
    %add3A = arith.addf %dot_general3A_23, %dot_general3A_25 : vector<256x256xf32>
    %dot_general3A_26 = arith.constant dense<0.000000e+00> : vector<256x256xf32>
    %dot_general3A_27 = tpu.matmul %get3A_22, %get3A_10, %dot_general3A_26 {dimension_numbers = #tpu.dot_dimension_numbers<[1], [1], [0], [0], [0, 0, 1, 0], [], []>, transpose_lhs_hint = false} : vector<256x1024xbf16>, vector<256x1024xbf16>, vector<256x256xf32> -> vector<256x256xf32>
    %add3A_28 = arith.addf %add3A, %dot_general3A_27 : vector<256x256xf32>
    %swap3A = arith.constant 0 : index
    %swap3A_29 = arith.constant 0 : index
    %swap3A_30 = vector.load %arg5[%swap3A, %swap3A_29] : memref<256x256xf32, #tpu.memory_space<vmem>>, vector<256x256xf32>
    tpu.vector_store %arg5[%swap3A, %swap3A_29], %add3A_28 {strides = array<i32>} : memref<256x256xf32, #tpu.memory_space<vmem>>, vector<256x256xf32>,
    %mul3A_31 = arith.constant 256 : i32
    %mul3A_32 = arith.muli %arg1, %mul3A_31 : i32
    %get3A_33 = arith.constant 0 : index
    %get3A_34 = arith.index_cast %mul3A_32 : i32 to index
    %get3A_35 = vector.load %arg4[%get3A_33, %get3A_34] : memref<1x2048xf32, #tpu.memory_space<vmem>>, vector<1x256xf32>
    %get3A_36 = vector.shape_cast %get3A_35 : vector<1x256xf32> to vector<256xf32>
    %mul3A_37 = arith.constant 256 : i32
    %mul3A_38 = arith.muli %arg1, %mul3A_37 : i32
    %add3A_39 = arith.constant 1024 : i32
    %add3A_40 = arith.addi %add3A_39, %mul3A_38 : i32
    %get3A_41 = arith.constant 0 : index
    %get3A_42 = arith.index_cast %add3A_40 : i32 to index
    %get3A_43 = vector.load %arg4[%get3A_41, %get3A_42] : memref<1x2048xf32, #tpu.memory_space<vmem>>, vector<1x256xf32>
    %get3A_44 = vector.shape_cast %get3A_43 : vector<1x256xf32> to vector<256xf32>
    %broadcast_in_dim3A = vector.shape_cast %get3A_36 : vector<256xf32> to vector<256x1xf32>
    %mul3A_45 = vector.broadcast %broadcast_in_dim3A : vector<256x1xf32> to vector<256x256xf32>
    %mul3A_46 = arith.mulf %add3A_28, %mul3A_45 : vector<256x256xf32>
    %reduce_sum3A = arith.constant dense<0.000000e+00> : vector<256xf32>
    %reduce_sum3A_47 = vector.multi_reduction <add>, %mul3A_46, %reduce_sum3A [0] : vector<256x256xf32> to vector<256xf32>
    %broadcast_in_dim3A_48 = vector.shape_cast %get3A_44 : vector<256xf32> to vector<256x1xf32>
    %mul3A_49 = vector.broadcast %broadcast_in_dim3A_48 : vector<256x1xf32> to vector<256x256xf32>
    %mul3A_50 = arith.mulf %add3A_28, %mul3A_49 : vector<256x256xf32>
    %reduce_sum3A_51 = arith.constant dense<0.000000e+00> : vector<256xf32>
    %reduce_sum3A_52 = vector.multi_reduction <add>, %mul3A_50, %reduce_sum3A_51 [0] : vector<256x256xf32> to vector<256xf32>
    %eq3A_53 = arith.constant 0 : i32
    %eq3A_54 = arith.cmpi eq, %arg1, %eq3A_53 : i32
    %convert_element_type3A_55 = arith.extui %eq3A_54 : i1 to i32
    %cond3A_56 = arith.constant 0 : i32
    %cond3A_57 = arith.cmpi ne, %convert_element_type3A_55, %cond3A_56 : i32
    scf.if %cond3A_57 {
      %swap3A_62 = arith.constant 0 : index
      %swap3A_63 = vector.load %arg6[%swap3A_62] : memref<256xf32, #tpu.memory_space<vmem>>, vector<256xf32>
      tpu.vector_store %arg6[%swap3A_62], %reduce_sum3A_47 {strides = array<i32>} : memref<256xf32, #tpu.memory_space<vmem>>, vector<256xf32>,
      %swap3A_64 = arith.constant 0 : index
      %swap3A_65 = vector.load %arg7[%swap3A_64] : memref<256xf32, #tpu.memory_space<vmem>>, vector<256xf32>
      tpu.vector_store %arg7[%swap3A_64], %reduce_sum3A_52 {strides = array<i32>} : memref<256xf32, #tpu.memory_space<vmem>>, vector<256xf32>,
    } else {
    }
    %ne3A = arith.constant 0 : i32
    %ne3A_58 = arith.cmpi ne, %arg1, %ne3A : i32
    %convert_element_type3A_59 = arith.extui %ne3A_58 : i1 to i32
    %cond3A_60 = arith.constant 0 : i32
    %cond3A_61 = arith.cmpi ne, %convert_element_type3A_59, %cond3A_60 : i32
    scf.if %cond3A_61 {
      %get3A_62 = arith.constant 0 : index
      %get3A_63 = vector.load %arg6[%get3A_62] : memref<256xf32, #tpu.memory_space<vmem>>, vector<256xf32>
      %add3A_64 = arith.addf %get3A_63, %reduce_sum3A_47 : vector<256xf32>
      %swap3A_65 = arith.constant 0 : index
      %swap3A_66 = vector.load %arg6[%swap3A_65] : memref<256xf32, #tpu.memory_space<vmem>>, vector<256xf32>
      tpu.vector_store %arg6[%swap3A_65], %add3A_64 {strides = array<i32>} : memref<256xf32, #tpu.memory_space<vmem>>, vector<256xf32>,
      %get3A_67 = arith.constant 0 : index
      %get3A_68 = vector.load %arg7[%get3A_67] : memref<256xf32, #tpu.memory_space<vmem>>, vector<256xf32>
      %add3A_69 = arith.addf %get3A_68, %reduce_sum3A_52 : vector<256xf32>
      %swap3A_70 = arith.constant 0 : index
      %swap3A_71 = vector.load %arg7[%swap3A_70] : memref<256xf32, #tpu.memory_space<vmem>>, vector<256xf32>
      tpu.vector_store %arg7[%swap3A_70], %add3A_69 {strides = array<i32>} : memref<256xf32, #tpu.memory_space<vmem>>, vector<256xf32>,
    } else {
    }
    return
  }
  func.func @transform_0(%arg0: i32, %arg1: i32) -> (i32, i32) {
    %c0_i32 = arith.constant 0 : i32
    %c0_i32_0 = arith.constant 0 : i32
    return %arg0, %c0_i32 : i32, i32
  }
  func.func @transform_1(%arg0: i32, %arg1: i32) -> (i32, i32) {
    %c0_i32 = arith.constant 0 : i32
    %c0_i32_0 = arith.constant 0 : i32
    %c0_i32_1 = arith.constant 0 : i32
    return %c0_i32, %c0_i32_0 : i32, i32
  }
  func.func @transform_2(%arg0: i32, %arg1: i32) -> (i32, i32) {
    %c0_i32 = arith.constant 0 : i32
    %c0_i32_0 = arith.constant 0 : i32
    %c0_i32_1 = arith.constant 0 : i32
    return %c0_i32, %c0_i32_0 : i32, i32
  }
  func.func @transform_3(%arg0: i32, %arg1: i32) -> (i32, i32) {
    %c0_i32 = arith.constant 0 : i32
    return %arg1, %arg0 : i32, i32
  }
  func.func @transform_4(%arg0: i32, %arg1: i32) -> i32 {
    %c0_i32 = arith.constant 0 : i32
    return %arg0 : i32
  }
  func.func @transform_5(%arg0: i32, %arg1: i32) -> i32 {
    %c0_i32 = arith.constant 0 : i32
    return %arg0 : i32
  }
}

</mosaic_0001>

<sc_bundles>
// kernel: kernel.5.cloned.1.call-start
scs
__scs_entry_jumppad:
0x0: {  	(pc) =	sbr.rel $0x88, $3  }
0x1: {  	(tag) =	ssettag $0x0;
	lr =	simm.s32 $0x1  }
0x2: {  	[smem:$0x3F9D] =	sst lr;
	_ =	strace $0xD0000000  }
0x3: {  	_ = 	snop  }
0x4: {  	_ = 	snop  }
0x5: {  	_ = 	snop  }
0x6: {  	_ = 	snop  }
0x7: {  	_ = 	snop  }
__scs_overlays_trampoline_lowered:
0x8: {  	[smem:$0x3FAC] =	sst s0  }
0x9: {  	[smem:$0x3FAD] =	sst s1  }
0xa: {  	[smem:$0x3FAE] =	sst s2  }
0xb: {  	[smem:$0x3FAF] =	sst s3  }
0xc: {  	[smem:$0x3FB0] =	sst s4  }
0xd: {  	[smem:$0x3FB1] =	sst s5  }
0xe: {  	[smem:$0x3FB2] =	sst s6  }
0xf: {  	[smem:$0x3FB3] =	sst s7  }
0x10: {  	[smem:$0x3FB4] =	sst s8  }
0x11: {  	[smem:$0x3FB5] =	sst s9;
	s0 =	simm.s32 @!p0 $0x0  }
0x12: {  	s1 =	sld [smem:$0x3F9B];
	s0 =	simm.s32 @p0 $0x1  }
0x13: {  	[smem:$0x3FB6] =	sst s0;
	s0 =	simm.s32 @!p1 $0x0  }
0x14: {  	s2 =	sld [smem:$0x3F9A];
	s0 =	simm.s32 @p1 $0x1  }
0x15: {  	[smem:$0x3FB7] =	sst s0;
	s0 =	simm.s32 @!p2 $0x0  }
0x16: {  	s3 =	sld [smem:$0x3FDB];
	s0 =	simm.s32 @p2 $0x1  }
0x17: {  	s4 =	simm.s32 $0x1BF5;
	[smem:$0x3FB9] =	sst s0  }
0x18: {  	s0 =	sld [smem:$0x3F9C];
	_ =	swait.ge [sflag:s4], $0x0  }
0x19: {  	s7 =	sld [smem:$0x3F9D]  }
0x1a: {  	s8 =	sadd.s32 $0xFFFFE003, lr  }
0x1b: {  	s9 =	sadd.s32 $0xFFFFFEF7, lr;
	s5 =	simm.s32 $0xFFFFFFFF;
	p2 =	slt.u32 s8, $0xFFFFF086  }
0x1c: {  	p1 =	slt.u32 s9, $0xF7A;
	s5 =	simm.s32 @!p2 $0x0  }
0x1d: {  	s5 =	simm.s32 @p1 $0x1;
	p0 =	seq.s32 s7, s2  }
0x1e: {  	s7 =	smul.u32 @!p0 $0xF7A, s2;
	p2 =	seq.s32 @!p0 s5, $0x0  }
0x1f: {  	s9 =	smul.u32 $0xF7A, s1;
	s8 =	simm.s32 @!p0 $0x1BF5;
	p2 =	por !p2, p0  }
0x20: {  	[sflag:s8] =	ssyncset.s32 @!p0 $0xFFFFF086;
	s6 =	sadd.s32 @!p0 s3, s7;
	s7 =	simm.s32 @!p0 $0x108  }
0x21: {  	s3 =	sadd.s32 s3, s9;
	s6 =	sadd.s32 @!p0 $0x88, s6;
	s7 =	simm.s32 @p2 $0x1082  }
0x22: {  	[simem:s7], [sflag:s8] =	dma.local @!p0 [hbm:s6], $0xF7A  }
0x23: {  	s9 =	sor.u32 $0xD0000000, s2;
	s6 =	simm.s32 $0x108;
	_ =	swait.ge @!p0 [sflag:s8], $0x0  }
0x24: {  	s3 =	sadd.s32 $0x88, s3;
	s6 =	simm.s32 @!p1 $0x1082;
	[sflag:s4] =	ssyncset.s32 $0xFFFFF086  }
0x25: {  	[simem:s6], [sflag:s4] =	dma.local [hbm:s3], $0xF7A  }
0x26: {  	[smem:$0x3F9D] =	sst s1;
	(tag) =	ssettag s2;
	_ =	strace s9  }
0x27: {  	s1 =	sld [smem:$0x3FAD]  }
0x28: {  	s2 =	sld [smem:$0x3FAE]  }
0x29: {  	s4 =	sld [smem:$0x3FB0]  }
0x2a: {  	p0 =	seq.s32 s5, $0x0;
	s5 =	sld [smem:$0x3FB1]  }
0x2b: {  	s6 =	sld [smem:$0x3FB2]  }
0x2c: {  	s7 =	sld [smem:$0x3FB3]  }
0x2d: {  	s3 =	simm.s32 $0x108;
	s8 =	sld [smem:$0x3FB4]  }
0x2e: {  	s3 =	simm.s32 @!p0 $0x1082;
	s9 =	sld [smem:$0x3FB5]  }
0x2f: {  	lr =	sadd.s32 s0, s3;
	s0 =	sld [smem:$0x3FAC]  }
0x30: {  	s3 =	sld [smem:$0x3FAF]  }
0x31: {  	[smem:$0x3FB8] =	sst s10  }
0x32: {  	s10 =	sld [smem:$0x3FB6];
	_ =	sdelay $0x3  }
0x33: {  	p0 =	seq.s32 s10, $0x1;
	s10 =	sld [smem:$0x3FB8];
	_ =	sdelay $0x3  }
0x34: {  	[smem:$0x3FB8] =	sst s10  }
0x35: {  	s10 =	sld [smem:$0x3FB7];
	_ =	sdelay $0x3  }
0x36: {  	p1 =	seq.s32 s10, $0x1;
	s10 =	sld [smem:$0x3FB8];
	_ =	sdelay $0x3  }
0x37: {  	[smem:$0x3FB8] =	sst s10  }
0x38: {  	s10 =	sld [smem:$0x3FB9]  }
0x39: {  	_ = 	snop;
	(pc) =	sbr.ind lr, $3  }
0x3a: {  	_ = 	snop  }
0x3b: {  	_ = 	snop  }
0x3c: {  	p2 =	seq.s32 s10, $0x1;
	s10 =	sld [smem:$0x3FB8]  }
0x3d: {  	_ =	shalt  }
0x3e: {  	_ =	shalt  }
0x3f: {  	_ =	shalt  }
0x40: {  	_ =	shalt  }
0x41: {  	_ =	shalt  }
0x42: {  	_ =	shalt  }
0x43: {  	_ =	shalt  }
0x44: {  	_ =	shalt  }
0x45: {  	_ =	shalt  }
0x46: {  	_ =	shalt  }
0x47: {  	_ =	shalt  }
0x48: {  	_ =	shalt  }
0x49: {  	_ =	shalt  }
0x4a: {  	_ =	shalt  }
0x4b: {  	_ =	shalt  }
0x4c: {  	_ =	shalt  }
0x4d: {  	_ =	shalt  }
0x4e: {  	_ =	shalt  }
0x4f: {  	_ =	shalt  }
0x50: {  	_ =	shalt  }
0x51: {  	_ =	shalt  }
0x52: {  	_ =	shalt  }
0x53: {  	_ =	shalt  }
0x54: {  	_ =	shalt  }
0x55: {  	_ =	shalt  }
0x56: {  	_ =	shalt  }
0x57: {  	_ =	shalt  }
0x58: {  	_ =	shalt  }
0x59: {  	_ =	shalt  }
0x5a: {  	_ =	shalt  }
0x5b: {  	_ =	shalt  }
0x5c: {  	_ =	shalt  }
0x5d: {  	_ =	shalt  }
0x5e: {  	_ =	shalt  }
0x5f: {  	_ =	shalt  }
0x60: {  	_ =	shalt  }
0x61: {  	_ =	shalt  }
0x62: {  	_ =	shalt  }
0x63: {  	_ =	shalt  }
0x64: {  	_ =	shalt  }
0x65: {  	_ =	shalt  }
0x66: {  	_ =	shalt  }
0x67: {  	_ =	shalt  }
0x68: {  	_ =	shalt  }
0x69: {  	_ =	shalt  }
0x6a: {  	_ =	shalt  }
0x6b: {  	_ =	shalt  }
0x6c: {  	_ =	shalt  }
0x6d: {  	_ =	shalt  }
0x6e: {  	_ =	shalt  }
0x6f: {  	_ =	shalt  }
0x70: {  	_ =	shalt  }
0x71: {  	_ =	shalt  }
0x72: {  	_ =	shalt  }
0x73: {  	_ =	shalt  }
0x74: {  	_ =	shalt  }
0x75: {  	_ =	shalt  }
0x76: {  	_ =	shalt  }
0x77: {  	_ =	shalt  }
0x78: {  	_ =	shalt  }
0x79: {  	_ =	shalt  }
0x7a: {  	_ =	shalt  }
0x7b: {  	_ =	shalt  }
0x7c: {  	_ =	shalt  }
0x7d: {  	_ =	shalt  }
0x7e: {  	_ =	shalt  }
0x7f: {  	_ =	shalt  }
0x80: {  	_ =	shalt  }
0x81: {  	_ =	shalt  }
0x82: {  	_ =	shalt  }
0x83: {  	_ =	shalt  }
0x84: {  	_ =	shalt  }
0x85: {  	_ =	shalt  }
0x86: {  	_ =	shalt  }
0x87: {  	_ =	shalt  }
.Lfunc_end0:
.L_simem_size_0:
called_computation_lowered:
.L_overlay_start_0:
0x88: {  	s2 =	sld [smem:$0x3FD9]  }
0x89: {  	s3 =	sld [smem:$0x3FFE];
	_ =	sdelay $0x1  }
0x8a: {  	s1 =	srdreg.scid  }
0x8b: {  	s0 =	sand.u32 $0x1, s1  }
0x8c: {  	s17 =	sshll.u32 s0, $0xA;
	s2 =	sadd.s32 s3, s2  }
0x8d: {  	s2 =	sadd.s32 s2, s17  }
0x8e: {  	[smem:$0x3FC4] =	sst s2  }
0x8f: {  	_ = 	snop  }
0x90: {  	s2 =	sld [smem:$0x3FD0];
	(tm) =	ssettm $0x1  }
0x91: {  	s18 =	sld [smem:$0x3FFB];
	_ =	sdelay $0x3  }
0x92: {  	_ =	strace s18  }
0x93: {  	s3 =	sld [smem:$0x3FFC];
	_ =	sdelay $0x3  }
0x94: {  	_ =	strace s3  }
0x95: {  	s3 =	sld [smem:$0x3FFD];
	_ =	sdelay $0x3  }
0x96: {  	_ =	strace s3  }
0x97: {  	_ =	strace $0x8FFFFFFF  }
0x98: {  	s19 =	sld [smem:$0x3FDB];
	_ =	sdelay $0x1  }
0x99: {  	s4 =	simm.s32 $_scs_section_size  }
0x9a: {  	s5 =	simm.s32 $_size__tile_overlayer_lowered;
	s6 =	simm.s32 $_tile_overlayer_lowered  }
0x9b: {  	s22 =	simm.s32 $0x1BFF;
	s21 =	sshll.u32 s6, $0x1;
	s3 =	sadd.s32 s4, s19  }
0x9c: {  	s7 =	simm.s32 $0x0;
	s20 =	sshll.u32 s5, $0x1;
	s5 =	sadd.s32 s21, s3  }
0x9d: {  	[timem:s7], [sflag:s22] =	dma.local [hbm:s5], s20  }
0x9e: {  	_ =	swait.ge [sflag:s22], s20  }
0x9f: {  	s4 =	ssub.s32 $0x0, s20;
	[sflag:s22] =	ssyncset.done $0x0  }
0xa0: {  	[sflag:s22] =	ssyncadd.s32 s4;
	_ =	sdelay $0x1  }
0xa1: {  	s23 =	simm.s32 $0x1B8B  }
0xa2: {  	_ =	swait.ge [sflag:s23], $0x1  }
0xa3: {  	[sflag:s23] =	ssyncset.done $0x0  }
0xa4: {  	s25 =	simm.s32 $0x1B8E;
	s24 =	sld [smem:$0x3FFE];
	[sflag:s23] =	ssyncadd.s32 $0xFFFFFFFF  }
0xa5: {  	s26 =	simm.s32 $execute0_lowered;
	[smem:$0x3FD2] =	sst s25  }
0xa6: {  	s5 =	sshll.u32 s26, $0x1;
	_ =	strace $0x80000046;
	[dreg:$0x1] =	wrdreg $0xFFFFFFFF  }
0xa7: {  	s28 =	simm.s32 $_size_execute0_lowered;
	s3 =	sadd.s32 s3, s5;
	[dreg:$0x0] =	wrdreg $0x0  }
0xa8: {  	s5 =	sshll.u32 s28, $0x1;
	[dreg:$0x2] =	wrdreg s3  }
0xa9: {  	[dreg:$0x3] =	wrdreg s5  }
0xaa: {  	[dreg:$0x4] =	wrdreg $0xC0  }
0xab: {  	_ =	task [dreg:s7], $0x5FFFF  }
0xac: {  	[dreg:$0x1] =	wrdreg $0xFFFFFFFF  }
0xad: {  	[dreg:$0x0] =	wrdreg $0x60  }
0xae: {  	[dreg:$0x2] =	wrdreg s2  }
0xaf: {  	[dreg:$0x3] =	wrdreg s24  }
0xb0: {  	[dreg:$0x4] =	wrdreg $0x9  }
0xb1: {  	_ =	task.clear_ibuf [dreg:s7], $0x5FFFF;
	_ =	strace $0x90000046  }
0xb2: {  	s29 =	simm.s32 $0x9;
	_ =	strace $0x80000048  }
0xb3: {  	_ =	swait.ge [sflag:s29], $0x1  }
0xb4: {  	[sflag:s29] =	ssyncadd.s32 $0xFFFFFFFF  }
0xb5: {  	_ =	strace $0x90000048  }
0xb6: {  	_ =	sfence  }
0xb7: {  	s30 =	sld [smem:$0x0];
	_ =	sdelay $0x2  }
0xb8: {  	s31 =	sshll.u32 s1, $0xD;
	s1 =	sshrl.u32 s1, $0x2  }
0xb9: {  	s3 =	sand.u32 $0x4000, s31;
	s1 =	sadd.s32 s1, s30  }
0xba: {  	s0 =	sor.u32 s3, s0;
	s1 =	sshll.u32 s1, $0x11  }
0xbb: {  	s0 =	sor.u32 s1, s0  }
0xbc: {  	s0 =	sadd.s32 $0x8F2B, s0  }
0xbd: {  	[sflag:s0] =	ssyncadd.remote.s32 $0x1  }
0xbe: {  	_ =	sfence.sel $0xFFFF  }
0xbf: {  	[dreg:$0x0] =	wrdreg $0xFFFFFFFF;
	(pc) =	sbr.abs _section_cstart, $3  }
0xc0: {  	[dreg:$0x1] =	wrdreg $0xFFFFFFFF  }
0xc1: {  	_ =	task.clear_ibuf [dreg:s7], $0x2FFFF;
	_ =	strace $0x9FFFFFFF  }
0xc2: {  	(tm) =	ssettm $0x7FFFFFFF  }
0xc3: {  	_ =	shalt  }
tec
execute0_lowered:
.L_overlay_start_1:
0x0: {  	(tag) =	ssettag $0x1  }
0x1: {  	s0 =	rddreg [dreg:$0x0]  }
0x2: {  	s3 =	rddreg [dreg:$0x1]  }
0x3: {  	s1 =	simm.s32 $0x0;
	s7 =	srdreg.scid;
	s20 =	stileid.u32  }
0x4: {  	s28 =	simm.s32 $0x3;
	s29 =	simm.s32 $0x2;
	s30 =	simm.s32 $0x8000  }
0x5: {  	s31 =	simm.s32 $0x0;
	[smem:$0x7FF] =	sst s1;
	s2 =	sadd.s32 $0x2A00, s3  }
0x6: {  	s19 =	sadd.s32 $0x2C00, s3;
	s5 =	sadd.s32 $0x2200, s3;
	s6 =	sadd.s32 $0x1A00, s3  }
0x7: {  	s16 =	sand.u32 $0x1, s7;
	s15 =	sadd.s32 $0x2E00, s3;
	s21 =	sshll.u32 s20, $0x4  }
0x8: {  	s26 =	sshll.u32 s20, $0x9;
	_ =	strace $0x80000047;
	[dreg:$0x3] =	wrdreg s2  }
0x9: {  	[dreg:$0x4] =	wrdreg s19;
	s8 =	sshll.u32 s16, $0x4;
	s7 =	sand.u32 $0x70, s21  }
0xa: {  	s9 =	ssub.s32 $0x2, s16;
	s25 =	sshll.u32 s16, $0xD;
	s19 =	simm.s32 $0x1  }
0xb: {  	s8 =	sor.u32 s20, s8;
	s3 =	sadd.s32 s7, s3;
	s22 =	sshrl.u32 s9, $0x1  }
0xc: {  	s20 =	simm.s32 $0x1D000;
	s10 =	sshll.u32 s8, $0x9;
	s17 =	ssub.s32 s9, s22  }
0xd: {  	s12 =	sshll.u32 s8, $0xE;
	s22 =	simm.s32 $0x14000;
	s23 =	sand.u32 $0x3000, s10  }
0xe: {  	s7 =	sadd.s32 s0, s12;
	s13 =	sor.u32 $0x1000, s12;
	s24 =	sor.u32 $0x2000, s12  }
0xf: {  	s10 =	sadd.s32 s15, s12;
	s18 =	sor.u32 $0x3000, s12;
	s16 =	smax.u32 s17, $0x1  }
0x10: {  	s17 =	sor.u32 s26, s25;
	s3 =	sadd.s32 s23, s3;
	s9 =	sadd.s32 s0, s13  }
0x11: {  	s11 =	sadd.s32 s0, s24;
	s12 =	sadd.s32 s15, s13;
	s13 =	sadd.s32 s0, s18  }
0x12: {  	s14 =	sadd.s32 s15, s24;
	s15 =	sadd.s32 s15, s18;
	s18 =	simm.s32 $0x1C000  }
0x13: {  	v0 =	vimm.f32 $0.0e+00;
	s23 =	simm.s32 $0x18000;
	s24 =	simm.s32 $0x1E000;
	s8 =	sadd.s32 $0x82E00, s3  }
.LBB2_1:
0x14: {  	[tilespmem:s1], [sflag:$0x2] =	stream.linear.gather [hbm4b:s7+s1], $0x8000, $0x38;
	[tilespmem:$0x1F000] =	vst v63  }
0x15: {  	s0 =	rddreg [dreg:$0x3]  }
0x16: {  	[tilespmem:s18], [sflag:$0x1] =	stream.linear.gather [hbm4b:s0+s1], $0x1000, $0x38;
	[tilespmem:$0x1F000] =	vst v63  }
0x17: {  	_ =	swait.ge [sflag:s19], $0x1000  }
0x18: {  	[sflag:s19] =	ssyncset.done $0x0  }
0x19: {  	s4 =	rddreg [dreg:$0x4];
	[sflag:s19] =	ssyncadd.s32 $0xFFFFF000  }
0x1a: {  	[tilespmem:s20], [sflag:$0x1] =	stream.linear.gather [hbm4b:s4+s1], $0x1000, $0x38;
	[tilespmem:$0x1F000] =	vst v63  }
0x1b: {  	_ =	swait.ge [sflag:s19], $0x1000  }
0x1c: {  	[sflag:s19] =	ssyncset.done $0x0  }
0x1d: {  	s21 =	simm.s32 $0x10000;
	[sflag:s19] =	ssyncadd.s32 $0xFFFFF000  }
0x1e: {  	[tilespmem:s21], [sflag:$0x1] =	stream.linear.gather [hbm4b:s5+s1], $0x4000, $0x38;
	[tilespmem:$0x1F000] =	vst v63  }
0x1f: {  	_ =	swait.ge [sflag:s19], $0x4000  }
0x20: {  	[sflag:s19] =	ssyncset.done $0x0  }
0x21: {  	[sflag:s19] =	ssyncadd.s32 $0xFFFFC000  }
0x22: {  	[tilespmem:s22], [sflag:$0x1] =	stream.linear.gather [hbm4b:s6+s1], $0x4000, $0x38;
	[tilespmem:$0x1F000] =	vst v63  }
0x23: {  	_ =	swait.ge [sflag:s19], $0x4000  }
0x24: {  	[sflag:s19] =	ssyncset.done $0x0  }
0x25: {  	s25 =	simm.s32 $0x10020;
	[sflag:s19] =	ssyncadd.s32 $0xFFFFC000  }
0x26: {  	s3 =	simm.s32 $0x14020;
	v1 =	vld [tilespmem:s25+$0x10]  }
0x27: {  	v2 =	vld [tilespmem:s3+$0x10]  }
0x28: {  	v3 =	vld [tilespmem:s3+$0xFFFFFFE0]  }
0x29: {  	v4 =	vld [tilespmem:s25+$0xFFFFFFF0]  }
0x2a: {  	v5 =	vld [tilespmem:s3+$0xFFFFFFF0]  }
0x2b: {  	v6 =	vld [tilespmem:s25+$0x0]  }
0x2c: {  	v7 =	vld [tilespmem:s3+$0x0]  }
0x2d: {  	s0 =	simm.s32 $0x14060;
	v8 =	vld [tilespmem:s25+$0xFFFFFFE0]  }
0x2e: {  	v9 =	vld [tilespmem:s0+$0x10]  }
0x2f: {  	v1 =	vld.idx.msk [tilespmem:v1+s18+$0x0], $0xffff  }
0x30: {  	v2 =	vld.idx.msk [tilespmem:v2+s20+$0x0], $0xffff  }
0x31: {  	v3 =	vld.idx.msk [tilespmem:v3+s20+$0x0], $0xffff  }
0x32: {  	v4 =	vld.idx.msk [tilespmem:v4+s18+$0x0], $0xffff  }
0x33: {  	v5 =	vld.idx.msk [tilespmem:v5+s20+$0x0], $0xffff  }
0x34: {  	s26 =	simm.s32 $0x10060;
	v6 =	vld.idx.msk [tilespmem:v6+s18+$0x0], $0xffff  }
0x35: {  	v1 =	vadd.f32 v2, v1;
	v2 =	vld [tilespmem:s26+$0x10]  }
0x36: {  	v7 =	vld.idx.msk [tilespmem:v7+s20+$0x0], $0xffff  }
0x37: {  	v8 =	vld.idx.msk [tilespmem:v8+s18+$0x0], $0xffff;
	v10 =	vmul.f32 $2.000000030e-01, v1  }
0x38: {  	v11 =	vld [tilespmem:s0+$0xFFFFFFE0];
	vm0 =	vgt.f32 v1, $0.0e+00  }
0x39: {  	v1 =	vsel vm0, v1, v10;
	v10 =	vld [tilespmem:s0+$0xFFFFFFF0]  }
0x3a: {  	v12 =	vld [tilespmem:s26+$0xFFFFFFF0];
	v4 =	vadd.f32 v5, v4;
	v1 =	vmul.f32 $1.442695020e+00, v1  }
0x3b: {  	v5 =	vld [tilespmem:s0+$0x0];
	v6 =	vadd.f32 v7, v6  }
0x3c: {  	v13 =	vld [tilespmem:s26+$0x0];
	v3 =	vadd.f32 v3, v8;
	(erf) = vpow2.f32 v1;
	v1 =	vmul.f32 $2.000000030e-01, v4  }
0x3d: {  	vm14 =	vgt.f32 v4, $0.0e+00;
	v8 =	vld.idx.msk [tilespmem:v2+s18+$0x0], $0xffff;
	v2 =	vmul.f32 $2.000000030e-01, v6  }
0x3e: {  	v7 =	vld [tilespmem:s26+$0xFFFFFFE0];
	vm1 =	vgt.f32 v6, $0.0e+00;
	v14 =	vmul.f32 $2.000000030e-01, v3;
	v4 =	vsel vm14, v4, v1  }
0x3f: {  	v9 =	vld.idx.msk [tilespmem:v9+s20+$0x0], $0xffff;
	vm15 =	vgt.f32 v3, $0.0e+00;
	v4 =	vmul.f32 $1.442695020e+00, v4;
	v6 =	vsel vm1, v6, v2  }
0x40: {  	v3 =	vsel vm15, v3, v14;
	v1 =	vld.idx.msk [tilespmem:v11+s20+$0x0], $0xffff;
	v11 =	vmul.f32 $1.442695020e+00, v6  }
0x41: {  	v6 =	vld.idx.msk [tilespmem:v10+s20+$0x0], $0xffff;
	v10 =	vmul.f32 $1.442695020e+00, v3;
	(erf) = vpow2.f32 v4  }
0x42: {  	(erf) = vpow2.f32 v11  }
0x43: {  	v5 =	vld.idx.msk [tilespmem:v5+s20+$0x0], $0xffff;
	(erf) = vpow2.f32 v10  }
0x44: {  	v2 =	vld.idx.msk [tilespmem:v12+s18+$0x0], $0xffff  }
0x45: {  	v3 =	vld.idx.msk [tilespmem:v13+s18+$0x0], $0xffff  }
0x46: {  	s21 =	simm.s32 $0x4;
	s3 =	simm.s32 $0x18020;
	s25 =	simm.s32 $0x100A0;
	v4 =	vld.idx.msk [tilespmem:v7+s18+$0x0], $0xffff;
	v8 =	vadd.f32 v9, v8;
	v7 =	vpop (erf)  }
.LBB2_2:
0x47: {  	v9 =	vld [tilespmem:s25+$0x10];
	s0 =	sadd.s32 $0x40, s0;
	[tilespmem:s3+$0x10] =	vst v7  }
0x48: {  	s21 =	sadd.s32 $0x4, s21;
	v7 =	vld [tilespmem:s0+$0x10];
	v12 =	vmul.f32 $2.000000030e-01, v8  }
0x49: {  	p0 =	slt.u32 s21, $0x3FC;
	v2 =	vadd.f32 v6, v2;
	vm0 =	vgt.f32 v8, $0.0e+00;
	v11 =	vld [tilespmem:s0+$0xFFFFFFE0]  }
0x4a: {  	v6 =	vld [tilespmem:s25+$0xFFFFFFF0];
	v14 =	vsel vm0, v8, v12;
	v10 =	vpop (erf)  }
0x4b: {  	v13 =	vmul.f32 $2.000000030e-01, v2;
	v3 =	vadd.f32 v5, v3;
	v12 =	vld [tilespmem:s0+$0xFFFFFFF0];
	v5 =	vmul.f32 $1.442695020e+00, v14;
	[tilespmem:s3+$0xFFFFFFF0] =	vst v10;
	v8 =	vpop (erf)  }
0x4c: {  	vm0 =	vgt.f32 v2, $0.0e+00;
	v1 =	vadd.f32 v1, v4;
	v10 =	vld [tilespmem:s25+$0x0];
	[tilespmem:s3+$0x0] =	vst v8;
	v4 =	vpop (erf)  }
0x4d: {  	vm1 =	vgt.f32 v3, $0.0e+00;
	v14 =	vmul.f32 $2.000000030e-01, v3;
	v8 =	vld [tilespmem:s0+$0x0];
	(erf) = vpow2.f32 v5;
	[tilespmem:s3+$0xFFFFFFE0] =	vst v4  }
0x4e: {  	v2 =	vsel vm0, v2, v13;
	vm2 =	vgt.f32 v1, $0.0e+00;
	v5 =	vmul.f32 $2.000000030e-01, v1;
	v4 =	vld [tilespmem:s25+$0xFFFFFFE0]  }
0x4f: {  	v2 =	vmul.f32 $1.442695020e+00, v2;
	v3 =	vsel vm1, v3, v14;
	v9 =	vld.idx.msk [tilespmem:v9+s18+$0x0], $0xffff  }
0x50: {  	v5 =	vsel vm2, v1, v5;
	v3 =	vmul.f32 $1.442695020e+00, v3;
	v7 =	vld.idx.msk [tilespmem:v7+s20+$0x0], $0xffff  }
0x51: {  	v5 =	vmul.f32 $1.442695020e+00, v5;
	v1 =	vld.idx.msk [tilespmem:v11+s20+$0x0], $0xffff;
	(erf) = vpow2.f32 v2  }
.Ltmp0:
0x52: {  	v2 =	vld.idx.msk [tilespmem:v6+s18+$0x0], $0xffff;
	(erf) = vpow2.f32 v3;
	(pc) =	sbr.rel @p0 .LBB2_2-.Ltmp0, $4  }
0x53: {  	v6 =	vld.idx.msk [tilespmem:v12+s20+$0x0], $0xffff;
	(erf) = vpow2.f32 v5  }
0x54: {  	v3 =	vld.idx.msk [tilespmem:v10+s18+$0x0], $0xffff  }
0x55: {  	v5 =	vld.idx.msk [tilespmem:v8+s20+$0x0], $0xffff  }
0x56: {  	s3 =	sadd.s32 $0x40, s3;
	s25 =	sadd.s32 $0x40, s25;
	v8 =	vadd.f32 v7, v9;
	v4 =	vld.idx.msk [tilespmem:v4+s18+$0x0], $0xffff;
	v7 =	vpop (erf)  }
0x57: {  	_ =	sdelay $0x1  }
0x58: {  	v2 =	vadd.f32 v6, v2;
	v58 =	vmul.f32 $2.000000030e-01, v8  }
0x59: {  	vm0 =	vgt.f32 v8, $0.0e+00;
	v3 =	vadd.f32 v5, v3  }
0x5a: {  	v59 =	vsel vm0, v8, v58;
	v60 =	vmul.f32 $2.000000030e-01, v2;
	v1 =	vadd.f32 v1, v4  }
0x5b: {  	vm14 =	vgt.f32 v2, $0.0e+00;
	v61 =	vmul.f32 $1.442695020e+00, v59;
	v62 =	vmul.f32 $2.000000030e-01, v3  }
0x5c: {  	vm1 =	vgt.f32 v3, $0.0e+00;
	v2 =	vsel vm14, v2, v60;
	v63 =	vmul.f32 $2.000000030e-01, v1  }
0x5d: {  	vm15 =	vgt.f32 v1, $0.0e+00;
	v2 =	vmul.f32 $1.442695020e+00, v2;
	v3 =	vsel vm1, v3, v62  }
0x5e: {  	(erf) = vpow2.f32 v61;
	v1 =	vsel vm15, v1, v63;
	v3 =	vmul.f32 $1.442695020e+00, v3  }
0x5f: {  	(erf) = vpow2.f32 v2;
	v1 =	vmul.f32 $1.442695020e+00, v1  }
0x60: {  	(erf) = vpow2.f32 v3  }
0x61: {  	(erf) = vpow2.f32 v1;
	_ =	sdelay $0x2  }
0x62: {  	[tilespmem:s3+$0x10] =	vst v7;
	v1 =	vpop (erf)  }
0x63: {  	v2 =	vpop (erf);
	[tilespmem:s3+$0xFFFFFFF0] =	vst v1  }
0x64: {  	v1 =	vpop (erf);
	[tilespmem:s3+$0x0] =	vst v2  }
0x65: {  	s0 =	sadd.s32 $0x40, s3;
	[tilespmem:s3+$0xFFFFFFE0] =	vst v1;
	v1 =	vpop (erf)  }
0x66: {  	[tilespmem:s0+$0x10] =	vst v1;
	v1 =	vpop (erf)  }
0x67: {  	[tilespmem:s0+$0xFFFFFFF0] =	vst v1;
	v1 =	vpop (erf)  }
0x68: {  	[tilespmem:s0+$0x0] =	vst v1;
	v1 =	vpop (erf)  }
0x69: {  	s3 =	simm.s32 $0x0;
	[tilespmem:s0+$0xFFFFFFE0] =	vst v1;
	s0 =	simm.s32 $0x40  }
.LBB2_4:
0x6a: {  	p0 =	sne.s32 s0, $0x3FC0;
	[tilespmem:s3+$0x1E000] =	vst v0;
	s3 =	smov.u32 s0;
	s0 =	sadd.s32 $0x40, s0  }
.Ltmp1:
0x6b: {  	(pc) =	sbr.rel @p0 .LBB2_4-.Ltmp1, $2  }
0x6c: {  	_ =	sdelay $0x2  }
0x6d: {  	s3 =	sshra.s32 s3, $0x2  }
0x6e: {  	s0 =	sadd.s32 $0x0, s17  }
0x6f: {  	v2 =	vmov s0;
	_ =	sdelay $0x3  }
0x70: {  	[tilespmem:s3+$0x1E000] =	vst v0  }
0x71: {  	v1 =	vld.idx.msk [tilespmem:v2+s22+$0x0], $0xffff  }
0x72: {  	v3 =	vld.idx.msk [tilespmem:v2+s23+$0x0], $0xffff;
	_ =	sdelay $0x1  }
0x73: {  	s26 =	sadd.s32 $0x1, s17  }
0x74: {  	s0 =	simm.s32 $0x2;
	v2 =	vmov s26  }
.LBB2_6:
0x75: {  	p0 =	sne.s32 s0, $0x1FF  }
0x76: {  	v3 =	vadd.f32 $-1.000000000e+00, v3;
	_ =	sdelay $0x1  }
0x77: {  	[tilespmem:v1+s24+$0x0] =	vst.idx.add.f32.msk $0x1, v3  }
0x78: {  	v1 =	vld.idx.msk [tilespmem:v2+s22+$0x0], $0xffff  }
.Ltmp2:
0x79: {  	v3 =	vld.idx.msk [tilespmem:v2+s23+$0x0], $0xffff;
	(pc) =	sbr.rel @p0 .LBB2_6-.Ltmp2, $3  }
0x7a: {  	_ =	sdelay $0x1  }
0x7b: {  	s3 =	sadd.s32 s0, s17  }
0x7c: {  	s0 =	sadd.s32 $0x1, s0;
	v2 =	vmov s3  }
0x7d: {  	_ =	sdelay $0x1  }
0x7e: {  	v3 =	vadd.f32 $-1.000000000e+00, v3;
	_ =	sdelay $0x1  }
0x7f: {  	[tilespmem:v1+s24+$0x0] =	vst.idx.add.f32.msk $0x1, v3  }
0x80: {  	v1 =	vld.idx.msk [tilespmem:v2+s22+$0x0], $0xffff  }
0x81: {  	v2 =	vld.idx.msk [tilespmem:v2+s23+$0x0], $0xffff;
	_ =	sdelay $0x4  }
0x82: {  	v2 =	vadd.f32 $-1.000000000e+00, v2;
	_ =	sdelay $0x1  }
0x83: {  	s0 =	simm.s32 $0x80;
	s2 =	simm.s32 $0x400;
	[tilespmem:v1+s24+$0x0] =	vst.idx.add.f32.msk $0x1, v2  }
0x84: {  	[hbm4b:s8+s0] =	stream.strided.scatter [tilespmem:s24], [sflag:$0x3], $0x1000, s2, s0, $0x38;
	[tilespmem:$0x1F000] =	vst v63  }
0x85: {  	s0 =	simm.s32 $0x0;
	_ =	swait.ge [sflag:s28], $0x1000  }
0x86: {  	s3 =	sand.u32 $0x70, s0;
	s21 =	sand.u32 $0x7C00, s0;
	[sflag:s28] =	ssyncset.done $0x0  }
0x87: {  	s3 =	sor.u32 s3, s21;
	[sflag:s28] =	ssyncadd.s32 $0xFFFFF000  }
0x88: {  	[tilespmem:s3+$0x8080] =	vst v0  }
0x89: {  	[tilespmem:s3+$0x8100] =	vst v0  }
0x8a: {  	[tilespmem:s3+$0x8180] =	vst v0  }
0x8b: {  	s25 =	simm.s32 $0x0;
	s26 =	sand.u32 $0x7, s0;
	s21 =	simm.s32 $0x10;
	[tilespmem:s3+$0x8200] =	vst v0  }
.LBB2_8:
0x8c: {  	p0 =	sne.s32 s21, $0xFF0;
	s26 =	sshll.u32 s26, $0x4;
	[tilespmem:s3+$0x8280] =	vst v0  }
0x8d: {  	s26 =	sadd.s32 s26, s0;
	[tilespmem:s3+$0x8300] =	vst v0;
	s0 =	sadd.s32 $0x80, s0  }
0x8e: {  	s2 =	sand.u32 $0x70, s21;
	s4 =	sand.u32 $0x7C00, s0;
	[tilespmem:s3+$0x8000] =	vst v0;
	s26 =	sor.u32 $0x380, s26  }
.Ltmp3:
0x8f: {  	s3 =	sor.u32 s2, s4;
	[tilespmem:s26+$0x8000] =	vst v0;
	(pc) =	sbr.rel @p0 .LBB2_8-.Ltmp3, $4  }
0x90: {  	[tilespmem:s3+$0x8080] =	vst v0  }
0x91: {  	[tilespmem:s3+$0x8100] =	vst v0  }
0x92: {  	s25 =	sadd.s32 $0x1, s25;
	[tilespmem:s3+$0x8180] =	vst v0  }
0x93: {  	s21 =	sadd.s32 $0x10, s21;
	s26 =	sand.u32 $0x7, s25;
	[tilespmem:s3+$0x8200] =	vst v0  }
0x94: {  	s2 =	sshll.u32 s26, $0x4;
	[tilespmem:s3+$0x8280] =	vst v0  }
0x95: {  	[tilespmem:s3+$0x8300] =	vst v0;
	s0 =	sadd.s32 s2, s0  }
0x96: {  	[tilespmem:s3+$0x8000] =	vst v0;
	s0 =	sor.u32 $0x380, s0  }
0x97: {  	[tilespmem:s0+$0x8000] =	vst v0  }
0x98: {  	_ =	swait.ge [sflag:s29], $0x8000  }
0x99: {  	[sflag:s29] =	ssyncset.done $0x0  }
0x9a: {  	s26 =	simm.s32 $0x10020;
	[sflag:s29] =	ssyncadd.s32 $0xFFFF8000  }
0x9b: {  	v1 =	vld [tilespmem:s26+$0x10];
	_ =	sdelay $0x2  }
0x9c: {  	v2 =	vld [tilespmem:s26+$0xFFFFFFE0]  }
0x9d: {  	v4 =	vld [tilespmem:s26+$0xFFFFFFF0]  }
0x9e: {  	v3 =	vshll.u32 v1, $0x3  }
0x9f: {  	s0 =	simm.s32 $0x14020;
	v1 =	vand.u32 $0x7F, v1;
	v3 =	vand.u32 $0xFFFFFC00, v3  }
0xa0: {  	v6 =	vor.u32 v1, v3;
	v1 =	vld [tilespmem:s0+$0x10]  }
0xa1: {  	v5 =	vshll.u32 v2, $0x3  }
0xa2: {  	v7 =	vshll.u32 v4, $0x3;
	v2 =	vand.u32 $0x7F, v2;
	v5 =	vand.u32 $0xFFFFFC00, v5;
	v3 =	vld [tilespmem:s26+$0x0]  }
0xa3: {  	s3 =	simm.s32 $0x18020;
	v9 =	vld [tilespmem:s0+$0xFFFFFFE0];
	v4 =	vand.u32 $0x7F, v4;
	v7 =	vand.u32 $0xFFFFFC00, v7;
	v8 =	vor.u32 v2, v5  }
0xa4: {  	v7 =	vor.u32 v4, v7;
	v4 =	vld [tilespmem:s3+$0x10]  }
0xa5: {  	v2 =	vld.idx.msk [tilespmem:v6+s1+$0x0], $0xffff;
	v5 =	vshll.u32 v1, $0x3  }
0xa6: {  	v10 =	vld [tilespmem:s0+$0xFFFFFFF0];
	v1 =	vand.u32 $0x7F, v1;
	v5 =	vand.u32 $0xFFFFFC00, v5  }
0xa7: {  	v13 =	vld [tilespmem:s0+$0x0];
	v11 =	vshll.u32 v3, $0x3;
	v5 =	vor.u32 v1, v5  }
0xa8: {  	v14 =	vor.u32 $0x80, v6;
	v3 =	vand.u32 $0x7F, v3;
	v15 =	vld.idx.msk [tilespmem:v8+s1+$0x0], $0xffff;
	v11 =	vand.u32 $0xFFFFFC00, v11  }
0xa9: {  	v1 =	vld [tilespmem:s3+$0xFFFFFFE0];
	v12 =	vor.u32 v3, v11;
	v3 =	vshll.u32 v9, $0x3  }
0xaa: {  	v16 =	vld.idx.msk [tilespmem:v7+s1+$0x0], $0xffff;
	v9 =	vand.u32 $0x7F, v9;
	v3 =	vand.u32 $0xFFFFFC00, v3;
	v17 =	vmul.f32 v2, v4  }
0xab: {  	v18 =	vshll.u32 v10, $0x3;
	v11 =	vor.u32 v9, v3;
	v2 =	vld [tilespmem:s3+$0xFFFFFFF0]  }
0xac: {  	v10 =	vand.u32 $0x7F, v10;
	v9 =	vor.u32 $0x80, v8;
	v3 =	vand.u32 $0xFFFFFC00, v18;
	[tilespmem:v5+s30+$0x0] =	vst.idx.add.f32.msk $0xffff, v17  }
0xad: {  	v20 =	vor.u32 v10, v3;
	v3 =	vshll.u32 v13, $0x3;
	v10 =	vld.idx.msk [tilespmem:v14+s1+$0x0], $0xffff  }
0xae: {  	v18 =	vand.u32 $0xFFFFFC00, v3;
	v3 =	vld [tilespmem:s3+$0x0];
	v15 =	vmul.f32 v15, v1;
	v14 =	vor.u32 $0x80, v7  }
0xaf: {  	v19 =	vor.u32 $0x80, v5;
	v17 =	vld.idx.msk [tilespmem:v12+s1+$0x0], $0xffff  }
0xb0: {  	v13 =	vand.u32 $0x7F, v13;
	[tilespmem:v11+s30+$0x0] =	vst.idx.add.f32.msk $0xffff, v15;
	v15 =	vmul.f32 v16, v2;
	v16 =	vor.u32 $0x100, v6  }
0xb1: {  	v21 =	vor.u32 v13, v18;
	v9 =	vld.idx.msk [tilespmem:v9+s1+$0x0], $0xffff  }
0xb2: {  	v13 =	vor.u32 $0x80, v12;
	[tilespmem:v20+s30+$0x0] =	vst.idx.add.f32.msk $0xffff, v15;
	v10 =	vmul.f32 v10, v4  }
0xb3: {  	v15 =	vor.u32 $0x80, v11;
	v14 =	vld.idx.msk [tilespmem:v14+s1+$0x0], $0xffff  }
0xb4: {  	v18 =	vor.u32 $0x100, v8;
	v17 =	vmul.f32 v17, v3;
	[tilespmem:v19+s30+$0x0] =	vst.idx.add.f32.msk $0xffff, v10  }
0xb5: {  	v10 =	vor.u32 $0x80, v20;
	v16 =	vld.idx.msk [tilespmem:v16+s1+$0x0], $0xffff  }
0xb6: {  	[tilespmem:v21+s30+$0x0] =	vst.idx.add.f32.msk $0xffff, v17;
	v19 =	vor.u32 $0x100, v7;
	v9 =	vmul.f32 v9, v1  }
0xb7: {  	v17 =	vor.u32 $0x100, v5;
	v13 =	vld.idx.msk [tilespmem:v13+s1+$0x0], $0xffff  }
0xb8: {  	[tilespmem:v15+s30+$0x0] =	vst.idx.add.f32.msk $0xffff, v9;
	v9 =	vmul.f32 v14, v2;
	v14 =	vor.u32 $0x180, v6  }
0xb9: {  	v15 =	vor.u32 $0x80, v21;
	v18 =	vld.idx.msk [tilespmem:v18+s1+$0x0], $0xffff  }
0xba: {  	v22 =	vor.u32 $0x100, v12;
	[tilespmem:v10+s30+$0x0] =	vst.idx.add.f32.msk $0xffff, v9;
	v9 =	vmul.f32 v16, v4  }
0xbb: {  	v10 =	vor.u32 $0x100, v11;
	v16 =	vld.idx.msk [tilespmem:v19+s1+$0x0], $0xffff  }
0xbc: {  	v13 =	vmul.f32 v13, v3;
	v19 =	vor.u32 $0x180, v8;
	[tilespmem:v17+s30+$0x0] =	vst.idx.add.f32.msk $0xffff, v9  }
0xbd: {  	v9 =	vor.u32 $0x100, v20;
	v14 =	vld.idx.msk [tilespmem:v14+s1+$0x0], $0xffff  }
0xbe: {  	[tilespmem:v15+s30+$0x0] =	vst.idx.add.f32.msk $0xffff, v13;
	v17 =	vor.u32 $0x180, v7;
	v13 =	vmul.f32 v18, v1  }
0xbf: {  	v15 =	vld.idx.msk [tilespmem:v22+s1+$0x0], $0xffff;
	v18 =	vor.u32 $0x180, v5  }
0xc0: {  	[tilespmem:v10+s30+$0x0] =	vst.idx.add.f32.msk $0xffff, v13;
	v13 =	vor.u32 $0x200, v6;
	v10 =	vmul.f32 v16, v2  }
0xc1: {  	v16 =	vor.u32 $0x100, v21;
	v19 =	vld.idx.msk [tilespmem:v19+s1+$0x0], $0xffff  }
0xc2: {  	v22 =	vor.u32 $0x180, v12;
	[tilespmem:v9+s30+$0x0] =	vst.idx.add.f32.msk $0xffff, v10;
	v9 =	vmul.f32 v14, v4  }
0xc3: {  	v10 =	vor.u32 $0x180, v11;
	v14 =	vld.idx.msk [tilespmem:v17+s1+$0x0], $0xffff  }
0xc4: {  	v15 =	vmul.f32 v15, v3;
	v17 =	vor.u32 $0x200, v8;
	[tilespmem:v18+s30+$0x0] =	vst.idx.add.f32.msk $0xffff, v9  }
0xc5: {  	v9 =	vor.u32 $0x180, v20;
	v13 =	vld.idx.msk [tilespmem:v13+s1+$0x0], $0xffff  }
0xc6: {  	v18 =	vor.u32 $0x200, v7;
	v19 =	vmul.f32 v19, v1;
	[tilespmem:v16+s30+$0x0] =	vst.idx.add.f32.msk $0xffff, v15  }
0xc7: {  	v16 =	vor.u32 $0x200, v5;
	v15 =	vld.idx.msk [tilespmem:v22+s1+$0x0], $0xffff  }
0xc8: {  	[tilespmem:v10+s30+$0x0] =	vst.idx.add.f32.msk $0xffff, v19;
	v10 =	vmul.f32 v14, v2;
	v14 =	vor.u32 $0x280, v6  }
0xc9: {  	v19 =	vor.u32 $0x180, v21;
	v17 =	vld.idx.msk [tilespmem:v17+s1+$0x0], $0xffff  }
0xca: {  	v22 =	vor.u32 $0x200, v12;
	[tilespmem:v9+s30+$0x0] =	vst.idx.add.f32.msk $0xffff, v10;
	v9 =	vmul.f32 v13, v4  }
0xcb: {  	v10 =	vor.u32 $0x200, v11;
	v13 =	vld.idx.msk [tilespmem:v18+s1+$0x0], $0xffff  }
0xcc: {  	v18 =	vor.u32 $0x280, v8;
	v15 =	vmul.f32 v15, v3;
	[tilespmem:v16+s30+$0x0] =	vst.idx.add.f32.msk $0xffff, v9  }
0xcd: {  	v9 =	vor.u32 $0x200, v20;
	v14 =	vld.idx.msk [tilespmem:v14+s1+$0x0], $0xffff  }
0xce: {  	v16 =	vor.u32 $0x280, v7;
	v17 =	vmul.f32 v17, v1;
	[tilespmem:v19+s30+$0x0] =	vst.idx.add.f32.msk $0xffff, v15  }
0xcf: {  	v19 =	vor.u32 $0x280, v5;
	v15 =	vld.idx.msk [tilespmem:v22+s1+$0x0], $0xffff  }
0xd0: {  	[tilespmem:v10+s30+$0x0] =	vst.idx.add.f32.msk $0xffff, v17;
	v10 =	vmul.f32 v13, v2;
	v13 =	vor.u32 $0x300, v6  }
0xd1: {  	v17 =	vor.u32 $0x200, v21;
	v18 =	vld.idx.msk [tilespmem:v18+s1+$0x0], $0xffff  }
0xd2: {  	v22 =	vor.u32 $0x280, v12;
	[tilespmem:v9+s30+$0x0] =	vst.idx.add.f32.msk $0xffff, v10;
	v9 =	vmul.f32 v14, v4  }
0xd3: {  	v10 =	vor.u32 $0x280, v11;
	v14 =	vld.idx.msk [tilespmem:v16+s1+$0x0], $0xffff  }
0xd4: {  	v23 =	vor.u32 $0x300, v8;
	v15 =	vmul.f32 v15, v3;
	[tilespmem:v19+s30+$0x0] =	vst.idx.add.f32.msk $0xffff, v9  }
0xd5: {  	v9 =	vor.u32 $0x280, v20;
	v13 =	vld.idx.msk [tilespmem:v13+s1+$0x0], $0xffff  }
0xd6: {  	v24 =	vor.u32 $0x300, v7;
	v16 =	vmul.f32 v18, v1;
	[tilespmem:v17+s30+$0x0] =	vst.idx.add.f32.msk $0xffff, v15  }
0xd7: {  	v25 =	vor.u32 $0x300, v5;
	v22 =	vld.idx.msk [tilespmem:v22+s1+$0x0], $0xffff  }
0xd8: {  	[tilespmem:v10+s30+$0x0] =	vst.idx.add.f32.msk $0xffff, v16;
	v10 =	vmul.f32 v14, v2;
	v14 =	vor.u32 $0x380, v6  }
0xd9: {  	v17 =	vor.u32 $0x300, v12;
	v19 =	vld.idx.msk [tilespmem:v23+s1+$0x0], $0xffff  }
0xda: {  	v15 =	vor.u32 $0x300, v11;
	v12 =	vor.u32 $0x380, v12;
	[tilespmem:v9+s30+$0x0] =	vst.idx.add.f32.msk $0xffff, v10;
	v23 =	vmul.f32 v13, v4  }
0xdb: {  	v16 =	vor.u32 $0x280, v21;
	v6 =	vor.u32 $0x380, v11;
	v11 =	vor.u32 $0x380, v7;
	v18 =	vld.idx.msk [tilespmem:v24+s1+$0x0], $0xffff  }
0xdc: {  	v7 =	vor.u32 $0x380, v20;
	v9 =	vor.u32 $0x380, v8;
	v10 =	vor.u32 $0x300, v21;
	[tilespmem:v25+s30+$0x0] =	vst.idx.add.f32.msk $0xffff, v23  }
0xdd: {  	s21 =	simm.s32 $0x0;
	s25 =	simm.s32 $0x10060;
	v8 =	vor.u32 $0x380, v21;
	v13 =	vor.u32 $0x300, v20;
	v20 =	vmul.f32 v22, v3;
	v14 =	vld.idx.msk [tilespmem:v14+s1+$0x0], $0xffff  }
.LBB2_10:
0xde: {  	v21 =	vld [tilespmem:s25+$0x10];
	s21 =	sadd.s32 $0x4, s21;
	v19 =	vmul.f32 v19, v1  }
0xdf: {  	v22 =	vld [tilespmem:s25+$0xFFFFFFF0];
	p0 =	slt.u32 s21, $0x3FC  }
0xe0: {  	v5 =	vor.u32 $0x380, v5;
	v23 =	vld [tilespmem:s25+$0x0]  }
0xe1: {  	v18 =	vmul.f32 v18, v2;
	v24 =	vld [tilespmem:s25+$0xFFFFFFE0]  }
0xe2: {  	[tilespmem:v16+s30+$0x0] =	vst.idx.add.f32.msk $0xffff, v20  }
0xe3: {  	v4 =	vmul.f32 v14, v4;
	v16 =	vshll.u32 v21, $0x3;
	v27 =	vld.idx.msk [tilespmem:v17+s1+$0x0], $0xffff  }
0xe4: {  	v17 =	vand.u32 $0x7F, v21;
	v14 =	vshll.u32 v22, $0x3;
	v16 =	vand.u32 $0xFFFFFC00, v16;
	[tilespmem:v15+s30+$0x0] =	vst.idx.add.f32.msk $0xffff, v19  }
0xe5: {  	s0 =	sadd.s32 $0x40, s0;
	v15 =	vand.u32 $0xFFFFFC00, v14;
	v19 =	vshll.u32 v23, $0x3;
	v14 =	vor.u32 v17, v16;
	[tilespmem:v5+s30+$0x0] =	vst.idx.add.f32.msk $0xffff, v4  }
0xe6: {  	v4 =	vand.u32 $0x7F, v24;
	v5 =	vshll.u32 v24, $0x3;
	v16 =	vand.u32 $0xFFFFFC00, v19;
	v17 =	vld [tilespmem:s0+$0x10]  }
0xe7: {  	v21 =	vand.u32 $0x7F, v23;
	v19 =	vand.u32 $0x7F, v22;
	v20 =	vld [tilespmem:s0+$0xFFFFFFE0];
	v5 =	vand.u32 $0xFFFFFC00, v5  }
0xe8: {  	v29 =	vor.u32 v19, v15;
	v30 =	vor.u32 v21, v16;
	v28 =	vor.u32 v4, v5;
	v22 =	vld [tilespmem:s0+$0xFFFFFFF0]  }
0xe9: {  	v16 =	vor.u32 $0x80, v29;
	v24 =	vor.u32 $0x80, v30;
	v15 =	vor.u32 $0x80, v28;
	v21 =	vld [tilespmem:s0+$0x0]  }
0xea: {  	s3 =	sadd.s32 $0x40, s3;
	v32 =	vor.u32 $0x100, v29;
	v26 =	vor.u32 $0x100, v30;
	v31 =	vor.u32 $0x100, v28;
	v23 =	vld.idx.msk [tilespmem:v14+s1+$0x0], $0xffff  }
0xeb: {  	v19 =	vor.u32 $0x180, v29;
	v25 =	vor.u32 $0x180, v28;
	v4 =	vld [tilespmem:s3+$0x10];
	v5 =	vshll.u32 v17, $0x3  }
0xec: {  	v17 =	vand.u32 $0x7F, v17;
	v33 =	vld [tilespmem:s3+$0xFFFFFFE0];
	v34 =	vshll.u32 v20, $0x3;
	v5 =	vand.u32 $0xFFFFFC00, v5  }
0xed: {  	v35 =	vld.idx.msk [tilespmem:v28+s1+$0x0], $0xffff;
	v34 =	vand.u32 $0xFFFFFC00, v34;
	v36 =	vshll.u32 v22, $0x3;
	v5 =	vor.u32 v17, v5  }
0xee: {  	v38 =	vor.u32 $0x80, v14;
	v17 =	vld.idx.msk [tilespmem:v29+s1+$0x0], $0xffff;
	v36 =	vand.u32 $0xFFFFFC00, v36;
	v37 =	vshll.u32 v21, $0x3  }
0xef: {  	v20 =	vand.u32 $0x7F, v20;
	v22 =	vand.u32 $0x7F, v22;
	v39 =	vld.idx.msk [tilespmem:v30+s1+$0x0], $0xffff;
	v37 =	vand.u32 $0xFFFFFC00, v37  }
0xf0: {  	v34 =	vor.u32 v20, v34;
	v20 =	vand.u32 $0x7F, v21;
	v40 =	vld [tilespmem:s3+$0xFFFFFFF0];
	v21 =	vmul.f32 v23, v4  }
0xf1: {  	v41 =	vor.u32 $0x80, v34;
	v36 =	vor.u32 v22, v36;
	v37 =	vor.u32 v20, v37;
	v42 =	vld [tilespmem:s3+$0x0]  }
0xf2: {  	v43 =	vor.u32 $0x100, v34;
	v44 =	vor.u32 $0x80, v36;
	v45 =	vor.u32 $0x80, v37;
	[tilespmem:v5+s30+$0x0] =	vst.idx.add.f32.msk $0xffff, v21  }
0xf3: {  	v46 =	vor.u32 $0x100, v37;
	v20 =	vmul.f32 v35, v33;
	v35 =	vor.u32 $0x100, v36;
	v23 =	vld.idx.msk [tilespmem:v38+s1+$0x0], $0xffff  }
0xf4: {  	v48 =	vor.u32 $0x180, v30;
	v47 =	vor.u32 $0x180, v36;
	v38 =	vor.u32 $0x180, v34;
	[tilespmem:v13+s30+$0x0] =	vst.idx.add.f32.msk $0xffff, v18  }
0xf5: {  	v49 =	vor.u32 $0x200, v28;
	v50 =	vor.u32 $0x180, v37;
	[tilespmem:v34+s30+$0x0] =	vst.idx.add.f32.msk $0xffff, v20;
	v13 =	vmul.f32 v17, v40  }
0xf6: {  	v51 =	vor.u32 $0x200, v29;
	v15 =	vld.idx.msk [tilespmem:v15+s1+$0x0], $0xffff;
	v17 =	vmul.f32 v39, v42;
	v39 =	vor.u32 $0x80, v5  }
0xf7: {  	v53 =	vor.u32 $0x200, v30;
	v52 =	vor.u32 $0x200, v34;
	[tilespmem:v36+s30+$0x0] =	vst.idx.add.f32.msk $0xffff, v13;
	v13 =	vor.u32 $0x100, v14  }
0xf8: {  	v54 =	vor.u32 $0x280, v28;
	v55 =	vor.u32 $0x200, v36;
	v21 =	vor.u32 $0x200, v37;
	[tilespmem:v37+s30+$0x0] =	vst.idx.add.f32.msk $0xffff, v17  }
0xf9: {  	v57 =	vor.u32 $0x280, v29;
	v22 =	vor.u32 $0x280, v30;
	v58 =	vmul.f32 v23, v4;
	v56 =	vld.idx.msk [tilespmem:v16+s1+$0x0], $0xffff  }
0xfa: {  	v18 =	vor.u32 $0x280, v36;
	v23 =	vor.u32 $0x280, v34;
	v16 =	vor.u32 $0x280, v37;
	v59 =	vld.idx.msk [tilespmem:v24+s1+$0x0], $0xffff  }
0xfb: {  	v20 =	vor.u32 $0x300, v29;
	v17 =	vor.u32 $0x300, v30;
	v24 =	vor.u32 $0x300, v28;
	[tilespmem:v39+s30+$0x0] =	vst.idx.add.f32.msk $0xffff, v58  }
0xfc: {  	v27 =	vmul.f32 v27, v3;
	v39 =	vmul.f32 v15, v33;
	v15 =	vor.u32 $0x300, v34;
	v58 =	vld.idx.msk [tilespmem:v13+s1+$0x0], $0xffff  }
0xfd: {  	v60 =	vor.u32 $0x300, v37;
	v13 =	vor.u32 $0x300, v36;
	v61 =	vld.idx.msk [tilespmem:v9+s1+$0x0], $0xffff;
	v9 =	vor.u32 $0x380, v28  }
0xfe: {  	v29 =	vor.u32 $0x380, v29;
	v30 =	vor.u32 $0x380, v30;
	v28 =	vor.u32 $0x380, v34;
	[tilespmem:v41+s30+$0x0] =	vst.idx.add.f32.msk $0xffff, v39  }
0xff: {  	v36 =	vor.u32 $0x380, v36;
	v34 =	vmul.f32 v56, v40;
	v39 =	vor.u32 $0x100, v5;
	v31 =	vld.idx.msk [tilespmem:v31+s1+$0x0], $0xffff  }
0x100: {  	v37 =	vor.u32 $0x380, v37;
	v56 =	vor.u32 $0x180, v14;
	v41 =	vmul.f32 v59, v42;
	[tilespmem:v10+s30+$0x0] =	vst.idx.add.f32.msk $0xffff, v27;
	v10 =	vmovc v60  }
0x101: {  	[tilespmem:v44+s30+$0x0] =	vst.idx.add.f32.msk $0xffff, v34  }
0x102: {  	v27 =	vmul.f32 v58, v4;
	[tilespmem:v45+s30+$0x0] =	vst.idx.add.f32.msk $0xffff, v41  }
0x103: {  	v34 =	vmul.f32 v61, v1;
	v1 =	vmov v33;
	v32 =	vld.idx.msk [tilespmem:v32+s1+$0x0], $0xffff  }
0x104: {  	[tilespmem:v39+s30+$0x0] =	vst.idx.add.f32.msk $0xffff, v27  }
0x105: {  	v27 =	vmul.f32 v31, v1;
	v31 =	vld.idx.msk [tilespmem:v56+s1+$0x0], $0xffff  }
0x106: {  	v26 =	vld.idx.msk [tilespmem:v26+s1+$0x0], $0xffff  }
0x107: {  	[tilespmem:v43+s30+$0x0] =	vst.idx.add.f32.msk $0xffff, v27  }
0x108: {  	v27 =	vor.u32 $0x180, v5;
	v25 =	vld.idx.msk [tilespmem:v25+s1+$0x0], $0xffff  }
0x109: {  	v33 =	vor.u32 $0x200, v14;
	v32 =	vmul.f32 v32, v40;
	v39 =	vld.idx.msk [tilespmem:v11+s1+$0x0], $0xffff;
	v11 =	vmov v29  }
0x10a: {  	v29 =	vld.idx.msk [tilespmem:v12+s1+$0x0], $0xffff;
	v12 =	vmov v30  }
0x10b: {  	v30 =	vmul.f32 v31, v4;
	[tilespmem:v35+s30+$0x0] =	vst.idx.add.f32.msk $0xffff, v32  }
0x10c: {  	v26 =	vmul.f32 v26, v42;
	v19 =	vld.idx.msk [tilespmem:v19+s1+$0x0], $0xffff  }
0x10d: {  	[tilespmem:v27+s30+$0x0] =	vst.idx.add.f32.msk $0xffff, v30  }
0x10e: {  	v25 =	vmul.f32 v25, v1;
	v27 =	vld.idx.msk [tilespmem:v33+s1+$0x0], $0xffff  }
0x10f: {  	[tilespmem:v46+s30+$0x0] =	vst.idx.add.f32.msk $0xffff, v26;
	v26 =	vmul.f32 v39, v2;
	v2 =	vmov v40  }
0x110: {  	v29 =	vmul.f32 v29, v3;
	v3 =	vmov v42;
	v30 =	vld.idx.msk [tilespmem:v48+s1+$0x0], $0xffff  }
0x111: {  	[tilespmem:v38+s30+$0x0] =	vst.idx.add.f32.msk $0xffff, v25;
	v25 =	vor.u32 $0x200, v5  }
0x112: {  	v32 =	vor.u32 $0x280, v14;
	v19 =	vmul.f32 v19, v2;
	v31 =	vld.idx.msk [tilespmem:v49+s1+$0x0], $0xffff  }
0x113: {  	[tilespmem:v6+s30+$0x0] =	vst.idx.add.f32.msk $0xffff, v34;
	v6 =	vmov v28  }
0x114: {  	[tilespmem:v47+s30+$0x0] =	vst.idx.add.f32.msk $0xffff, v19;
	v19 =	vmul.f32 v27, v4  }
0x115: {  	v27 =	vld.idx.msk [tilespmem:v51+s1+$0x0], $0xffff  }
0x116: {  	v28 =	vmul.f32 v30, v3;
	[tilespmem:v25+s30+$0x0] =	vst.idx.add.f32.msk $0xffff, v19  }
0x117: {  	v19 =	vld.idx.msk [tilespmem:v32+s1+$0x0], $0xffff  }
0x118: {  	v25 =	vmul.f32 v31, v1;
	[tilespmem:v50+s30+$0x0] =	vst.idx.add.f32.msk $0xffff, v28  }
0x119: {  	v28 =	vld.idx.msk [tilespmem:v53+s1+$0x0], $0xffff  }
0x11a: {  	[tilespmem:v52+s30+$0x0] =	vst.idx.add.f32.msk $0xffff, v25;
	v25 =	vor.u32 $0x280, v5  }
0x11b: {  	v31 =	vor.u32 $0x300, v14;
	v27 =	vmul.f32 v27, v2;
	v30 =	vld.idx.msk [tilespmem:v54+s1+$0x0], $0xffff  }
0x11c: {  	[tilespmem:v7+s30+$0x0] =	vst.idx.add.f32.msk $0xffff, v26;
	v7 =	vmov v36  }
0x11d: {  	v19 =	vmul.f32 v19, v4;
	[tilespmem:v55+s30+$0x0] =	vst.idx.add.f32.msk $0xffff, v27  }
0x11e: {  	v26 =	vld.idx.msk [tilespmem:v57+s1+$0x0], $0xffff  }
0x11f: {  	v27 =	vmul.f32 v28, v3;
	[tilespmem:v25+s30+$0x0] =	vst.idx.add.f32.msk $0xffff, v19  }
0x120: {  	v25 =	vld.idx.msk [tilespmem:v31+s1+$0x0], $0xffff  }
0x121: {  	v19 =	vmul.f32 v30, v1;
	[tilespmem:v21+s30+$0x0] =	vst.idx.add.f32.msk $0xffff, v27  }
0x122: {  	v21 =	vld.idx.msk [tilespmem:v22+s1+$0x0], $0xffff  }
0x123: {  	v22 =	vor.u32 $0x300, v5;
	[tilespmem:v23+s30+$0x0] =	vst.idx.add.f32.msk $0xffff, v19  }
0x124: {  	v14 =	vor.u32 $0x380, v14;
	v23 =	vmul.f32 v26, v2;
	v19 =	vld.idx.msk [tilespmem:v24+s1+$0x0], $0xffff  }
.Ltmp4:
0x125: {  	[tilespmem:v8+s30+$0x0] =	vst.idx.add.f32.msk $0xffff, v29;
	v8 =	vmov v37;
	(pc) =	sbr.rel @p0 .LBB2_10-.Ltmp4, $4  }
0x126: {  	[tilespmem:v18+s30+$0x0] =	vst.idx.add.f32.msk $0xffff, v23;
	v23 =	vmul.f32 v25, v4  }
0x127: {  	v18 =	vld.idx.msk [tilespmem:v20+s1+$0x0], $0xffff  }
0x128: {  	v20 =	vmul.f32 v21, v3;
	[tilespmem:v22+s30+$0x0] =	vst.idx.add.f32.msk $0xffff, v23  }
0x129: {  	s25 =	sadd.s32 $0x40, s25;
	v14 =	vld.idx.msk [tilespmem:v14+s1+$0x0], $0xffff  }
0x12a: {  	_ =	sdelay $0x3  }
0x12b: {  	[tilespmem:v16+s30+$0x0] =	vst.idx.add.f32.msk $0xffff, v20  }
0x12c: {  	v16 =	vld.idx.msk [tilespmem:v17+s1+$0x0], $0xffff  }
0x12d: {  	v60 =	vmul.f32 v19, v1;
	_ =	sdelay $0x1  }
0x12e: {  	v18 =	vmul.f32 v18, v2;
	[tilespmem:v15+s30+$0x0] =	vst.idx.add.f32.msk $0xffff, v60  }
0x12f: {  	v9 =	vld.idx.msk [tilespmem:v9+s1+$0x0], $0xffff  }
0x130: {  	[tilespmem:v13+s30+$0x0] =	vst.idx.add.f32.msk $0xffff, v18;
	v61 =	vmul.f32 v16, v3  }
0x131: {  	v62 =	vld.idx.msk [tilespmem:v11+s1+$0x0], $0xffff  }
0x132: {  	v5 =	vor.u32 $0x380, v5;
	[tilespmem:v10+s30+$0x0] =	vst.idx.add.f32.msk $0xffff, v61  }
0x133: {  	v63 =	vld.idx.msk [tilespmem:v12+s1+$0x0], $0xffff;
	_ =	sdelay $0x1  }
0x134: {  	v4 =	vmul.f32 v14, v4  }
0x135: {  	v1 =	vmul.f32 v9, v1  }
0x136: {  	[tilespmem:v5+s30+$0x0] =	vst.idx.add.f32.msk $0xffff, v4;
	v2 =	vmul.f32 v62, v2  }
0x137: {  	[tilespmem:v6+s30+$0x0] =	vst.idx.add.f32.msk $0xffff, v1;
	v3 =	vmul.f32 v63, v3  }
0x138: {  	[tilespmem:v7+s30+$0x0] =	vst.idx.add.f32.msk $0xffff, v2  }
0x139: {  	s0 =	simm.s32 $0x0;
	[tilespmem:v8+s30+$0x0] =	vst.idx.add.f32.msk $0xffff, v3  }
0x13a: {  	[tilespmem:s0], [sflag:$0x2] =	stream.linear.gather [hbm4b:s9+s0], $0x8000, $0x38;
	[tilespmem:$0x1F000] =	vst v63  }
0x13b: {  	_ = 	snop  }
0x13c: {  	[hbm4b:s10+s0] =	stream.linear.scatter [tilespmem:s30], [sflag:$0x3], $0x8000, $0x38;
	[tilespmem:$0x1F000] =	vst v63  }
0x13d: {  	_ =	swait.ge [sflag:s28], $0x8000  }
0x13e: {  	s2 =	sand.u32 $0x70, s0;
	s3 =	sand.u32 $0x7C00, s0;
	[sflag:s28] =	ssyncset.done $0x0  }
0x13f: {  	s3 =	sor.u32 s2, s3;
	[sflag:s28] =	ssyncadd.s32 $0xFFFF8000  }
0x140: {  	[tilespmem:s3+$0x8080] =	vst v0  }
0x141: {  	[tilespmem:s3+$0x8100] =	vst v0  }
0x142: {  	[tilespmem:s3+$0x8180] =	vst v0  }
0x143: {  	s21 =	simm.s32 $0x10;
	s25 =	simm.s32 $0x0;
	s26 =	sand.u32 $0x7, s0;
	[tilespmem:s3+$0x8200] =	vst v0  }
.LBB2_12:
0x144: {  	p0 =	sne.s32 s21, $0xFF0;
	s2 =	sshll.u32 s26, $0x4;
	[tilespmem:s3+$0x8280] =	vst v0  }
0x145: {  	s2 =	sadd.s32 s2, s0;
	[tilespmem:s3+$0x8300] =	vst v0;
	s0 =	sadd.s32 $0x80, s0  }
0x146: {  	s4 =	sand.u32 $0x70, s21;
	s26 =	sand.u32 $0x7C00, s0;
	[tilespmem:s3+$0x8000] =	vst v0;
	s2 =	sor.u32 $0x380, s2  }
.Ltmp5:
0x147: {  	s3 =	sor.u32 s4, s26;
	[tilespmem:s2+$0x8000] =	vst v0;
	(pc) =	sbr.rel @p0 .LBB2_12-.Ltmp5, $4  }
0x148: {  	[tilespmem:s3+$0x8080] =	vst v0  }
0x149: {  	[tilespmem:s3+$0x8100] =	vst v0  }
0x14a: {  	s25 =	sadd.s32 $0x1, s25;
	[tilespmem:s3+$0x8180] =	vst v0  }
0x14b: {  	s21 =	sadd.s32 $0x10, s21;
	s26 =	sand.u32 $0x7, s25;
	[tilespmem:s3+$0x8200] =	vst v0  }
0x14c: {  	s2 =	sshll.u32 s26, $0x4;
	[tilespmem:s3+$0x8280] =	vst v0  }
0x14d: {  	[tilespmem:s3+$0x8300] =	vst v0;
	s0 =	sadd.s32 s2, s0  }
0x14e: {  	[tilespmem:s3+$0x8000] =	vst v0;
	s0 =	sor.u32 $0x380, s0  }
0x14f: {  	[tilespmem:s0+$0x8000] =	vst v0  }
0x150: {  	_ =	swait.ge [sflag:s29], $0x8000  }
0x151: {  	[sflag:s29] =	ssyncset.done $0x0  }
0x152: {  	s26 =	simm.s32 $0x10020;
	[sflag:s29] =	ssyncadd.s32 $0xFFFF8000  }
0x153: {  	v1 =	vld [tilespmem:s26+$0x10];
	_ =	sdelay $0x2  }
0x154: {  	v2 =	vld [tilespmem:s26+$0xFFFFFFE0]  }
0x155: {  	v4 =	vld [tilespmem:s26+$0xFFFFFFF0]  }
0x156: {  	v3 =	vshll.u32 v1, $0x3  }
0x157: {  	s0 =	simm.s32 $0x14020;
	v1 =	vand.u32 $0x7F, v1;
	v3 =	vand.u32 $0xFFFFFC00, v3  }
0x158: {  	v6 =	vor.u32 v1, v3;
	v1 =	vld [tilespmem:s0+$0x10]  }
0x159: {  	v5 =	vshll.u32 v2, $0x3  }
0x15a: {  	v7 =	vshll.u32 v4, $0x3;
	v2 =	vand.u32 $0x7F, v2;
	v5 =	vand.u32 $0xFFFFFC00, v5;
	v3 =	vld [tilespmem:s26+$0x0]  }
0x15b: {  	s3 =	simm.s32 $0x18020;
	v9 =	vld [tilespmem:s0+$0xFFFFFFE0];
	v4 =	vand.u32 $0x7F, v4;
	v7 =	vand.u32 $0xFFFFFC00, v7;
	v8 =	vor.u32 v2, v5  }
0x15c: {  	v7 =	vor.u32 v4, v7;
	v4 =	vld [tilespmem:s3+$0x10]  }
0x15d: {  	v2 =	vld.idx.msk [tilespmem:v6+s1+$0x0], $0xffff;
	v5 =	vshll.u32 v1, $0x3  }
0x15e: {  	v10 =	vld [tilespmem:s0+$0xFFFFFFF0];
	v1 =	vand.u32 $0x7F, v1;
	v5 =	vand.u32 $0xFFFFFC00, v5  }
0x15f: {  	v13 =	vld [tilespmem:s0+$0x0];
	v11 =	vshll.u32 v3, $0x3;
	v5 =	vor.u32 v1, v5  }
0x160: {  	v14 =	vor.u32 $0x80, v6;
	v3 =	vand.u32 $0x7F, v3;
	v15 =	vld.idx.msk [tilespmem:v8+s1+$0x0], $0xffff;
	v11 =	vand.u32 $0xFFFFFC00, v11  }
0x161: {  	v1 =	vld [tilespmem:s3+$0xFFFFFFE0];
	v12 =	vor.u32 v3, v11;
	v3 =	vshll.u32 v9, $0x3  }
0x162: {  	v16 =	vld.idx.msk [tilespmem:v7+s1+$0x0], $0xffff;
	v9 =	vand.u32 $0x7F, v9;
	v3 =	vand.u32 $0xFFFFFC00, v3;
	v17 =	vmul.f32 v2, v4  }
0x163: {  	v18 =	vshll.u32 v10, $0x3;
	v11 =	vor.u32 v9, v3;
	v2 =	vld [tilespmem:s3+$0xFFFFFFF0]  }
0x164: {  	v10 =	vand.u32 $0x7F, v10;
	v9 =	vor.u32 $0x80, v8;
	v3 =	vand.u32 $0xFFFFFC00, v18;
	[tilespmem:v5+s30+$0x0] =	vst.idx.add.f32.msk $0xffff, v17  }
0x165: {  	v20 =	vor.u32 v10, v3;
	v3 =	vshll.u32 v13, $0x3;
	v10 =	vld.idx.msk [tilespmem:v14+s1+$0x0], $0xffff  }
0x166: {  	v18 =	vand.u32 $0xFFFFFC00, v3;
	v3 =	vld [tilespmem:s3+$0x0];
	v15 =	vmul.f32 v15, v1;
	v14 =	vor.u32 $0x80, v7  }
0x167: {  	v19 =	vor.u32 $0x80, v5;
	v17 =	vld.idx.msk [tilespmem:v12+s1+$0x0], $0xffff  }
0x168: {  	v13 =	vand.u32 $0x7F, v13;
	[tilespmem:v11+s30+$0x0] =	vst.idx.add.f32.msk $0xffff, v15;
	v15 =	vmul.f32 v16, v2;
	v16 =	vor.u32 $0x100, v6  }
0x169: {  	v21 =	vor.u32 v13, v18;
	v9 =	vld.idx.msk [tilespmem:v9+s1+$0x0], $0xffff  }
0x16a: {  	v13 =	vor.u32 $0x80, v12;
	[tilespmem:v20+s30+$0x0] =	vst.idx.add.f32.msk $0xffff, v15;
	v10 =	vmul.f32 v10, v4  }
0x16b: {  	v15 =	vor.u32 $0x80, v11;
	v14 =	vld.idx.msk [tilespmem:v14+s1+$0x0], $0xffff  }
0x16c: {  	v18 =	vor.u32 $0x100, v8;
	v17 =	vmul.f32 v17, v3;
	[tilespmem:v19+s30+$0x0] =	vst.idx.add.f32.msk $0xffff, v10  }
0x16d: {  	v10 =	vor.u32 $0x80, v20;
	v16 =	vld.idx.msk [tilespmem:v16+s1+$0x0], $0xffff  }
0x16e: {  	[tilespmem:v21+s30+$0x0] =	vst.idx.add.f32.msk $0xffff, v17;
	v19 =	vor.u32 $0x100, v7;
	v9 =	vmul.f32 v9, v1  }
0x16f: {  	v17 =	vor.u32 $0x100, v5;
	v13 =	vld.idx.msk [tilespmem:v13+s1+$0x0], $0xffff  }
0x170: {  	[tilespmem:v15+s30+$0x0] =	vst.idx.add.f32.msk $0xffff, v9;
	v9 =	vmul.f32 v14, v2;
	v14 =	vor.u32 $0x180, v6  }
0x171: {  	v15 =	vor.u32 $0x80, v21;
	v18 =	vld.idx.msk [tilespmem:v18+s1+$0x0], $0xffff  }
0x172: {  	v22 =	vor.u32 $0x100, v12;
	[tilespmem:v10+s30+$0x0] =	vst.idx.add.f32.msk $0xffff, v9;
	v9 =	vmul.f32 v16, v4  }
0x173: {  	v10 =	vor.u32 $0x100, v11;
	v16 =	vld.idx.msk [tilespmem:v19+s1+$0x0], $0xffff  }
0x174: {  	v13 =	vmul.f32 v13, v3;
	v19 =	vor.u32 $0x180, v8;
	[tilespmem:v17+s30+$0x0] =	vst.idx.add.f32.msk $0xffff, v9  }
0x175: {  	v9 =	vor.u32 $0x100, v20;
	v14 =	vld.idx.msk [tilespmem:v14+s1+$0x0], $0xffff  }
0x176: {  	[tilespmem:v15+s30+$0x0] =	vst.idx.add.f32.msk $0xffff, v13;
	v17 =	vor.u32 $0x180, v7;
	v13 =	vmul.f32 v18, v1  }
0x177: {  	v15 =	vld.idx.msk [tilespmem:v22+s1+$0x0], $0xffff;
	v18 =	vor.u32 $0x180, v5  }
0x178: {  	[tilespmem:v10+s30+$0x0] =	vst.idx.add.f32.msk $0xffff, v13;
	v13 =	vor.u32 $0x200, v6;
	v10 =	vmul.f32 v16, v2  }
0x179: {  	v16 =	vor.u32 $0x100, v21;
	v19 =	vld.idx.msk [tilespmem:v19+s1+$0x0], $0xffff  }
0x17a: {  	v22 =	vor.u32 $0x180, v12;
	[tilespmem:v9+s30+$0x0] =	vst.idx.add.f32.msk $0xffff, v10;
	v9 =	vmul.f32 v14, v4  }
0x17b: {  	v10 =	vor.u32 $0x180, v11;
	v14 =	vld.idx.msk [tilespmem:v17+s1+$0x0], $0xffff  }
0x17c: {  	v15 =	vmul.f32 v15, v3;
	v17 =	vor.u32 $0x200, v8;
	[tilespmem:v18+s30+$0x0] =	vst.idx.add.f32.msk $0xffff, v9  }
0x17d: {  	v9 =	vor.u32 $0x180, v20;
	v13 =	vld.idx.msk [tilespmem:v13+s1+$0x0], $0xffff  }
0x17e: {  	v18 =	vor.u32 $0x200, v7;
	v19 =	vmul.f32 v19, v1;
	[tilespmem:v16+s30+$0x0] =	vst.idx.add.f32.msk $0xffff, v15  }
0x17f: {  	v16 =	vor.u32 $0x200, v5;
	v15 =	vld.idx.msk [tilespmem:v22+s1+$0x0], $0xffff  }
0x180: {  	[tilespmem:v10+s30+$0x0] =	vst.idx.add.f32.msk $0xffff, v19;
	v10 =	vmul.f32 v14, v2;
	v14 =	vor.u32 $0x280, v6  }
0x181: {  	v19 =	vor.u32 $0x180, v21;
	v17 =	vld.idx.msk [tilespmem:v17+s1+$0x0], $0xffff  }
0x182: {  	v22 =	vor.u32 $0x200, v12;
	[tilespmem:v9+s30+$0x0] =	vst.idx.add.f32.msk $0xffff, v10;
	v9 =	vmul.f32 v13, v4  }
0x183: {  	v10 =	vor.u32 $0x200, v11;
	v13 =	vld.idx.msk [tilespmem:v18+s1+$0x0], $0xffff  }
0x184: {  	v18 =	vor.u32 $0x280, v8;
	v15 =	vmul.f32 v15, v3;
	[tilespmem:v16+s30+$0x0] =	vst.idx.add.f32.msk $0xffff, v9  }
0x185: {  	v9 =	vor.u32 $0x200, v20;
	v14 =	vld.idx.msk [tilespmem:v14+s1+$0x0], $0xffff  }
0x186: {  	v16 =	vor.u32 $0x280, v7;
	v17 =	vmul.f32 v17, v1;
	[tilespmem:v19+s30+$0x0] =	vst.idx.add.f32.msk $0xffff, v15  }
0x187: {  	v19 =	vor.u32 $0x280, v5;
	v15 =	vld.idx.msk [tilespmem:v22+s1+$0x0], $0xffff  }
0x188: {  	[tilespmem:v10+s30+$0x0] =	vst.idx.add.f32.msk $0xffff, v17;
	v10 =	vmul.f32 v13, v2;
	v13 =	vor.u32 $0x300, v6  }
0x189: {  	v17 =	vor.u32 $0x200, v21;
	v18 =	vld.idx.msk [tilespmem:v18+s1+$0x0], $0xffff  }
0x18a: {  	v22 =	vor.u32 $0x280, v12;
	[tilespmem:v9+s30+$0x0] =	vst.idx.add.f32.msk $0xffff, v10;
	v9 =	vmul.f32 v14, v4  }
0x18b: {  	v10 =	vor.u32 $0x280, v11;
	v14 =	vld.idx.msk [tilespmem:v16+s1+$0x0], $0xffff  }
0x18c: {  	v23 =	vor.u32 $0x300, v8;
	v15 =	vmul.f32 v15, v3;
	[tilespmem:v19+s30+$0x0] =	vst.idx.add.f32.msk $0xffff, v9  }
0x18d: {  	v9 =	vor.u32 $0x280, v20;
	v13 =	vld.idx.msk [tilespmem:v13+s1+$0x0], $0xffff  }
0x18e: {  	v24 =	vor.u32 $0x300, v7;
	v16 =	vmul.f32 v18, v1;
	[tilespmem:v17+s30+$0x0] =	vst.idx.add.f32.msk $0xffff, v15  }
0x18f: {  	v25 =	vor.u32 $0x300, v5;
	v22 =	vld.idx.msk [tilespmem:v22+s1+$0x0], $0xffff  }
0x190: {  	[tilespmem:v10+s30+$0x0] =	vst.idx.add.f32.msk $0xffff, v16;
	v10 =	vmul.f32 v14, v2;
	v14 =	vor.u32 $0x380, v6  }
0x191: {  	v17 =	vor.u32 $0x300, v12;
	v19 =	vld.idx.msk [tilespmem:v23+s1+$0x0], $0xffff  }
0x192: {  	v15 =	vor.u32 $0x300, v11;
	v12 =	vor.u32 $0x380, v12;
	[tilespmem:v9+s30+$0x0] =	vst.idx.add.f32.msk $0xffff, v10;
	v23 =	vmul.f32 v13, v4  }
0x193: {  	v16 =	vor.u32 $0x280, v21;
	v6 =	vor.u32 $0x380, v11;
	v11 =	vor.u32 $0x380, v7;
	v18 =	vld.idx.msk [tilespmem:v24+s1+$0x0], $0xffff  }
0x194: {  	v7 =	vor.u32 $0x380, v20;
	v9 =	vor.u32 $0x380, v8;
	v10 =	vor.u32 $0x300, v21;
	[tilespmem:v25+s30+$0x0] =	vst.idx.add.f32.msk $0xffff, v23  }
0x195: {  	s21 =	simm.s32 $0x0;
	s25 =	simm.s32 $0x10060;
	v8 =	vor.u32 $0x380, v21;
	v13 =	vor.u32 $0x300, v20;
	v20 =	vmul.f32 v22, v3;
	v14 =	vld.idx.msk [tilespmem:v14+s1+$0x0], $0xffff  }
.LBB2_14:
0x196: {  	v21 =	vld [tilespmem:s25+$0x10];
	s21 =	sadd.s32 $0x4, s21;
	v19 =	vmul.f32 v19, v1  }
0x197: {  	v22 =	vld [tilespmem:s25+$0xFFFFFFF0];
	p0 =	slt.u32 s21, $0x3FC  }
0x198: {  	v5 =	vor.u32 $0x380, v5;
	v23 =	vld [tilespmem:s25+$0x0]  }
0x199: {  	v18 =	vmul.f32 v18, v2;
	v24 =	vld [tilespmem:s25+$0xFFFFFFE0]  }
0x19a: {  	[tilespmem:v16+s30+$0x0] =	vst.idx.add.f32.msk $0xffff, v20  }
0x19b: {  	v4 =	vmul.f32 v14, v4;
	v16 =	vshll.u32 v21, $0x3;
	v27 =	vld.idx.msk [tilespmem:v17+s1+$0x0], $0xffff  }
0x19c: {  	v17 =	vand.u32 $0x7F, v21;
	v14 =	vshll.u32 v22, $0x3;
	v16 =	vand.u32 $0xFFFFFC00, v16;
	[tilespmem:v15+s30+$0x0] =	vst.idx.add.f32.msk $0xffff, v19  }
0x19d: {  	s0 =	sadd.s32 $0x40, s0;
	v15 =	vand.u32 $0xFFFFFC00, v14;
	v19 =	vshll.u32 v23, $0x3;
	v14 =	vor.u32 v17, v16;
	[tilespmem:v5+s30+$0x0] =	vst.idx.add.f32.msk $0xffff, v4  }
0x19e: {  	v4 =	vand.u32 $0x7F, v24;
	v5 =	vshll.u32 v24, $0x3;
	v16 =	vand.u32 $0xFFFFFC00, v19;
	v17 =	vld [tilespmem:s0+$0x10]  }
0x19f: {  	v21 =	vand.u32 $0x7F, v23;
	v19 =	vand.u32 $0x7F, v22;
	v20 =	vld [tilespmem:s0+$0xFFFFFFE0];
	v5 =	vand.u32 $0xFFFFFC00, v5  }
0x1a0: {  	v29 =	vor.u32 v19, v15;
	v30 =	vor.u32 v21, v16;
	v28 =	vor.u32 v4, v5;
	v22 =	vld [tilespmem:s0+$0xFFFFFFF0]  }
0x1a1: {  	v16 =	vor.u32 $0x80, v29;
	v24 =	vor.u32 $0x80, v30;
	v15 =	vor.u32 $0x80, v28;
	v21 =	vld [tilespmem:s0+$0x0]  }
0x1a2: {  	s3 =	sadd.s32 $0x40, s3;
	v32 =	vor.u32 $0x100, v29;
	v26 =	vor.u32 $0x100, v30;
	v31 =	vor.u32 $0x100, v28;
	v23 =	vld.idx.msk [tilespmem:v14+s1+$0x0], $0xffff  }
0x1a3: {  	v19 =	vor.u32 $0x180, v29;
	v25 =	vor.u32 $0x180, v28;
	v4 =	vld [tilespmem:s3+$0x10];
	v5 =	vshll.u32 v17, $0x3  }
0x1a4: {  	v17 =	vand.u32 $0x7F, v17;
	v33 =	vld [tilespmem:s3+$0xFFFFFFE0];
	v34 =	vshll.u32 v20, $0x3;
	v5 =	vand.u32 $0xFFFFFC00, v5  }
0x1a5: {  	v35 =	vld.idx.msk [tilespmem:v28+s1+$0x0], $0xffff;
	v34 =	vand.u32 $0xFFFFFC00, v34;
	v36 =	vshll.u32 v22, $0x3;
	v5 =	vor.u32 v17, v5  }
0x1a6: {  	v38 =	vor.u32 $0x80, v14;
	v17 =	vld.idx.msk [tilespmem:v29+s1+$0x0], $0xffff;
	v36 =	vand.u32 $0xFFFFFC00, v36;
	v37 =	vshll.u32 v21, $0x3  }
0x1a7: {  	v20 =	vand.u32 $0x7F, v20;
	v22 =	vand.u32 $0x7F, v22;
	v39 =	vld.idx.msk [tilespmem:v30+s1+$0x0], $0xffff;
	v37 =	vand.u32 $0xFFFFFC00, v37  }
0x1a8: {  	v34 =	vor.u32 v20, v34;
	v20 =	vand.u32 $0x7F, v21;
	v40 =	vld [tilespmem:s3+$0xFFFFFFF0];
	v21 =	vmul.f32 v23, v4  }
0x1a9: {  	v41 =	vor.u32 $0x80, v34;
	v36 =	vor.u32 v22, v36;
	v37 =	vor.u32 v20, v37;
	v42 =	vld [tilespmem:s3+$0x0]  }
0x1aa: {  	v43 =	vor.u32 $0x100, v34;
	v44 =	vor.u32 $0x80, v36;
	v45 =	vor.u32 $0x80, v37;
	[tilespmem:v5+s30+$0x0] =	vst.idx.add.f32.msk $0xffff, v21  }
0x1ab: {  	v46 =	vor.u32 $0x100, v37;
	v20 =	vmul.f32 v35, v33;
	v35 =	vor.u32 $0x100, v36;
	v23 =	vld.idx.msk [tilespmem:v38+s1+$0x0], $0xffff  }
0x1ac: {  	v48 =	vor.u32 $0x180, v30;
	v47 =	vor.u32 $0x180, v36;
	v38 =	vor.u32 $0x180, v34;
	[tilespmem:v13+s30+$0x0] =	vst.idx.add.f32.msk $0xffff, v18  }
0x1ad: {  	v49 =	vor.u32 $0x200, v28;
	v50 =	vor.u32 $0x180, v37;
	[tilespmem:v34+s30+$0x0] =	vst.idx.add.f32.msk $0xffff, v20;
	v13 =	vmul.f32 v17, v40  }
0x1ae: {  	v51 =	vor.u32 $0x200, v29;
	v15 =	vld.idx.msk [tilespmem:v15+s1+$0x0], $0xffff;
	v17 =	vmul.f32 v39, v42;
	v39 =	vor.u32 $0x80, v5  }
0x1af: {  	v53 =	vor.u32 $0x200, v30;
	v52 =	vor.u32 $0x200, v34;
	[tilespmem:v36+s30+$0x0] =	vst.idx.add.f32.msk $0xffff, v13;
	v13 =	vor.u32 $0x100, v14  }
0x1b0: {  	v54 =	vor.u32 $0x280, v28;
	v55 =	vor.u32 $0x200, v36;
	v21 =	vor.u32 $0x200, v37;
	[tilespmem:v37+s30+$0x0] =	vst.idx.add.f32.msk $0xffff, v17  }
0x1b1: {  	v57 =	vor.u32 $0x280, v29;
	v22 =	vor.u32 $0x280, v30;
	v58 =	vmul.f32 v23, v4;
	v56 =	vld.idx.msk [tilespmem:v16+s1+$0x0], $0xffff  }
0x1b2: {  	v18 =	vor.u32 $0x280, v36;
	v23 =	vor.u32 $0x280, v34;
	v16 =	vor.u32 $0x280, v37;
	v59 =	vld.idx.msk [tilespmem:v24+s1+$0x0], $0xffff  }
0x1b3: {  	v20 =	vor.u32 $0x300, v29;
	v17 =	vor.u32 $0x300, v30;
	v24 =	vor.u32 $0x300, v28;
	[tilespmem:v39+s30+$0x0] =	vst.idx.add.f32.msk $0xffff, v58  }
0x1b4: {  	v27 =	vmul.f32 v27, v3;
	v39 =	vmul.f32 v15, v33;
	v15 =	vor.u32 $0x300, v34;
	v58 =	vld.idx.msk [tilespmem:v13+s1+$0x0], $0xffff  }
0x1b5: {  	v60 =	vor.u32 $0x300, v37;
	v13 =	vor.u32 $0x300, v36;
	v61 =	vld.idx.msk [tilespmem:v9+s1+$0x0], $0xffff;
	v9 =	vor.u32 $0x380, v28  }
0x1b6: {  	v29 =	vor.u32 $0x380, v29;
	v30 =	vor.u32 $0x380, v30;
	v28 =	vor.u32 $0x380, v34;
	[tilespmem:v41+s30+$0x0] =	vst.idx.add.f32.msk $0xffff, v39  }
0x1b7: {  	v36 =	vor.u32 $0x380, v36;
	v34 =	vmul.f32 v56, v40;
	v39 =	vor.u32 $0x100, v5;
	v31 =	vld.idx.msk [tilespmem:v31+s1+$0x0], $0xffff  }
0x1b8: {  	v37 =	vor.u32 $0x380, v37;
	v56 =	vor.u32 $0x180, v14;
	v41 =	vmul.f32 v59, v42;
	[tilespmem:v10+s30+$0x0] =	vst.idx.add.f32.msk $0xffff, v27;
	v10 =	vmovc v60  }
0x1b9: {  	[tilespmem:v44+s30+$0x0] =	vst.idx.add.f32.msk $0xffff, v34  }
0x1ba: {  	v27 =	vmul.f32 v58, v4;
	[tilespmem:v45+s30+$0x0] =	vst.idx.add.f32.msk $0xffff, v41  }
0x1bb: {  	v34 =	vmul.f32 v61, v1;
	v1 =	vmov v33;
	v32 =	vld.idx.msk [tilespmem:v32+s1+$0x0], $0xffff  }
0x1bc: {  	[tilespmem:v39+s30+$0x0] =	vst.idx.add.f32.msk $0xffff, v27  }
0x1bd: {  	v27 =	vmul.f32 v31, v1;
	v31 =	vld.idx.msk [tilespmem:v56+s1+$0x0], $0xffff  }
0x1be: {  	v26 =	vld.idx.msk [tilespmem:v26+s1+$0x0], $0xffff  }
0x1bf: {  	[tilespmem:v43+s30+$0x0] =	vst.idx.add.f32.msk $0xffff, v27  }
0x1c0: {  	v27 =	vor.u32 $0x180, v5;
	v25 =	vld.idx.msk [tilespmem:v25+s1+$0x0], $0xffff  }
0x1c1: {  	v33 =	vor.u32 $0x200, v14;
	v32 =	vmul.f32 v32, v40;
	v39 =	vld.idx.msk [tilespmem:v11+s1+$0x0], $0xffff;
	v11 =	vmov v29  }
0x1c2: {  	v29 =	vld.idx.msk [tilespmem:v12+s1+$0x0], $0xffff;
	v12 =	vmov v30  }
0x1c3: {  	v30 =	vmul.f32 v31, v4;
	[tilespmem:v35+s30+$0x0] =	vst.idx.add.f32.msk $0xffff, v32  }
0x1c4: {  	v26 =	vmul.f32 v26, v42;
	v19 =	vld.idx.msk [tilespmem:v19+s1+$0x0], $0xffff  }
0x1c5: {  	[tilespmem:v27+s30+$0x0] =	vst.idx.add.f32.msk $0xffff, v30  }
0x1c6: {  	v25 =	vmul.f32 v25, v1;
	v27 =	vld.idx.msk [tilespmem:v33+s1+$0x0], $0xffff  }
0x1c7: {  	[tilespmem:v46+s30+$0x0] =	vst.idx.add.f32.msk $0xffff, v26;
	v26 =	vmul.f32 v39, v2;
	v2 =	vmov v40  }
0x1c8: {  	v29 =	vmul.f32 v29, v3;
	v3 =	vmov v42;
	v30 =	vld.idx.msk [tilespmem:v48+s1+$0x0], $0xffff  }
0x1c9: {  	[tilespmem:v38+s30+$0x0] =	vst.idx.add.f32.msk $0xffff, v25;
	v25 =	vor.u32 $0x200, v5  }
0x1ca: {  	v32 =	vor.u32 $0x280, v14;
	v19 =	vmul.f32 v19, v2;
	v31 =	vld.idx.msk [tilespmem:v49+s1+$0x0], $0xffff  }
0x1cb: {  	[tilespmem:v6+s30+$0x0] =	vst.idx.add.f32.msk $0xffff, v34;
	v6 =	vmov v28  }
0x1cc: {  	[tilespmem:v47+s30+$0x0] =	vst.idx.add.f32.msk $0xffff, v19;
	v19 =	vmul.f32 v27, v4  }
0x1cd: {  	v27 =	vld.idx.msk [tilespmem:v51+s1+$0x0], $0xffff  }
0x1ce: {  	v28 =	vmul.f32 v30, v3;
	[tilespmem:v25+s30+$0x0] =	vst.idx.add.f32.msk $0xffff, v19  }
0x1cf: {  	v19 =	vld.idx.msk [tilespmem:v32+s1+$0x0], $0xffff  }
0x1d0: {  	v25 =	vmul.f32 v31, v1;
	[tilespmem:v50+s30+$0x0] =	vst.idx.add.f32.msk $0xffff, v28  }
0x1d1: {  	v28 =	vld.idx.msk [tilespmem:v53+s1+$0x0], $0xffff  }
0x1d2: {  	[tilespmem:v52+s30+$0x0] =	vst.idx.add.f32.msk $0xffff, v25;
	v25 =	vor.u32 $0x280, v5  }
0x1d3: {  	v31 =	vor.u32 $0x300, v14;
	v27 =	vmul.f32 v27, v2;
	v30 =	vld.idx.msk [tilespmem:v54+s1+$0x0], $0xffff  }
0x1d4: {  	[tilespmem:v7+s30+$0x0] =	vst.idx.add.f32.msk $0xffff, v26;
	v7 =	vmov v36  }
0x1d5: {  	v19 =	vmul.f32 v19, v4;
	[tilespmem:v55+s30+$0x0] =	vst.idx.add.f32.msk $0xffff, v27  }
0x1d6: {  	v26 =	vld.idx.msk [tilespmem:v57+s1+$0x0], $0xffff  }
0x1d7: {  	v27 =	vmul.f32 v28, v3;
	[tilespmem:v25+s30+$0x0] =	vst.idx.add.f32.msk $0xffff, v19  }
0x1d8: {  	v25 =	vld.idx.msk [tilespmem:v31+s1+$0x0], $0xffff  }
0x1d9: {  	v19 =	vmul.f32 v30, v1;
	[tilespmem:v21+s30+$0x0] =	vst.idx.add.f32.msk $0xffff, v27  }
0x1da: {  	v21 =	vld.idx.msk [tilespmem:v22+s1+$0x0], $0xffff  }
0x1db: {  	v22 =	vor.u32 $0x300, v5;
	[tilespmem:v23+s30+$0x0] =	vst.idx.add.f32.msk $0xffff, v19  }
0x1dc: {  	v14 =	vor.u32 $0x380, v14;
	v23 =	vmul.f32 v26, v2;
	v19 =	vld.idx.msk [tilespmem:v24+s1+$0x0], $0xffff  }
.Ltmp6:
0x1dd: {  	[tilespmem:v8+s30+$0x0] =	vst.idx.add.f32.msk $0xffff, v29;
	v8 =	vmov v37;
	(pc) =	sbr.rel @p0 .LBB2_14-.Ltmp6, $4  }
0x1de: {  	[tilespmem:v18+s30+$0x0] =	vst.idx.add.f32.msk $0xffff, v23;
	v23 =	vmul.f32 v25, v4  }
0x1df: {  	v18 =	vld.idx.msk [tilespmem:v20+s1+$0x0], $0xffff  }
0x1e0: {  	v20 =	vmul.f32 v21, v3;
	[tilespmem:v22+s30+$0x0] =	vst.idx.add.f32.msk $0xffff, v23  }
0x1e1: {  	s25 =	sadd.s32 $0x40, s25;
	v14 =	vld.idx.msk [tilespmem:v14+s1+$0x0], $0xffff  }
0x1e2: {  	_ =	sdelay $0x3  }
0x1e3: {  	[tilespmem:v16+s30+$0x0] =	vst.idx.add.f32.msk $0xffff, v20  }
0x1e4: {  	v16 =	vld.idx.msk [tilespmem:v17+s1+$0x0], $0xffff  }
0x1e5: {  	v60 =	vmul.f32 v19, v1;
	_ =	sdelay $0x1  }
0x1e6: {  	v18 =	vmul.f32 v18, v2;
	[tilespmem:v15+s30+$0x0] =	vst.idx.add.f32.msk $0xffff, v60  }
0x1e7: {  	v9 =	vld.idx.msk [tilespmem:v9+s1+$0x0], $0xffff  }
0x1e8: {  	[tilespmem:v13+s30+$0x0] =	vst.idx.add.f32.msk $0xffff, v18;
	v61 =	vmul.f32 v16, v3  }
0x1e9: {  	v62 =	vld.idx.msk [tilespmem:v11+s1+$0x0], $0xffff  }
0x1ea: {  	v5 =	vor.u32 $0x380, v5;
	[tilespmem:v10+s30+$0x0] =	vst.idx.add.f32.msk $0xffff, v61  }
0x1eb: {  	v63 =	vld.idx.msk [tilespmem:v12+s1+$0x0], $0xffff;
	_ =	sdelay $0x1  }
0x1ec: {  	v4 =	vmul.f32 v14, v4  }
0x1ed: {  	v1 =	vmul.f32 v9, v1  }
0x1ee: {  	[tilespmem:v5+s30+$0x0] =	vst.idx.add.f32.msk $0xffff, v4;
	v2 =	vmul.f32 v62, v2  }
0x1ef: {  	[tilespmem:v6+s30+$0x0] =	vst.idx.add.f32.msk $0xffff, v1;
	v3 =	vmul.f32 v63, v3  }
0x1f0: {  	[tilespmem:v7+s30+$0x0] =	vst.idx.add.f32.msk $0xffff, v2  }
0x1f1: {  	s0 =	simm.s32 $0x0;
	[tilespmem:v8+s30+$0x0] =	vst.idx.add.f32.msk $0xffff, v3  }
0x1f2: {  	[tilespmem:s0], [sflag:$0x2] =	stream.linear.gather [hbm4b:s11+s0], $0x8000, $0x38;
	[tilespmem:$0x1F000] =	vst v63  }
0x1f3: {  	_ = 	snop  }
0x1f4: {  	[hbm4b:s12+s0] =	stream.linear.scatter [tilespmem:s30], [sflag:$0x3], $0x8000, $0x38;
	[tilespmem:$0x1F000] =	vst v63  }
0x1f5: {  	_ =	swait.ge [sflag:s28], $0x8000  }
0x1f6: {  	s2 =	sand.u32 $0x70, s0;
	s3 =	sand.u32 $0x7C00, s0;
	[sflag:s28] =	ssyncset.done $0x0  }
0x1f7: {  	s3 =	sor.u32 s2, s3;
	[sflag:s28] =	ssyncadd.s32 $0xFFFF8000  }
0x1f8: {  	[tilespmem:s3+$0x8080] =	vst v0  }
0x1f9: {  	[tilespmem:s3+$0x8100] =	vst v0  }
0x1fa: {  	[tilespmem:s3+$0x8180] =	vst v0  }
0x1fb: {  	s21 =	simm.s32 $0x10;
	s25 =	simm.s32 $0x0;
	s26 =	sand.u32 $0x7, s0;
	[tilespmem:s3+$0x8200] =	vst v0  }
.LBB2_16:
0x1fc: {  	p0 =	sne.s32 s21, $0xFF0;
	s2 =	sshll.u32 s26, $0x4;
	[tilespmem:s3+$0x8280] =	vst v0  }
0x1fd: {  	s2 =	sadd.s32 s2, s0;
	[tilespmem:s3+$0x8300] =	vst v0;
	s0 =	sadd.s32 $0x80, s0  }
0x1fe: {  	s4 =	sand.u32 $0x70, s21;
	s26 =	sand.u32 $0x7C00, s0;
	[tilespmem:s3+$0x8000] =	vst v0;
	s2 =	sor.u32 $0x380, s2  }
.Ltmp7:
0x1ff: {  	s3 =	sor.u32 s4, s26;
	[tilespmem:s2+$0x8000] =	vst v0;
	(pc) =	sbr.rel @p0 .LBB2_16-.Ltmp7, $4  }
0x200: {  	[tilespmem:s3+$0x8080] =	vst v0  }
0x201: {  	[tilespmem:s3+$0x8100] =	vst v0  }
0x202: {  	s25 =	sadd.s32 $0x1, s25;
	[tilespmem:s3+$0x8180] =	vst v0  }
0x203: {  	s21 =	sadd.s32 $0x10, s21;
	s26 =	sand.u32 $0x7, s25;
	[tilespmem:s3+$0x8200] =	vst v0  }
0x204: {  	s2 =	sshll.u32 s26, $0x4;
	[tilespmem:s3+$0x8280] =	vst v0  }
0x205: {  	[tilespmem:s3+$0x8300] =	vst v0;
	s0 =	sadd.s32 s2, s0  }
0x206: {  	[tilespmem:s3+$0x8000] =	vst v0;
	s0 =	sor.u32 $0x380, s0  }
0x207: {  	[tilespmem:s0+$0x8000] =	vst v0  }
0x208: {  	_ =	swait.ge [sflag:s29], $0x8000  }
0x209: {  	[sflag:s29] =	ssyncset.done $0x0  }
0x20a: {  	s26 =	simm.s32 $0x10020;
	[sflag:s29] =	ssyncadd.s32 $0xFFFF8000  }
0x20b: {  	v1 =	vld [tilespmem:s26+$0x10];
	_ =	sdelay $0x2  }
0x20c: {  	v2 =	vld [tilespmem:s26+$0xFFFFFFE0]  }
0x20d: {  	v4 =	vld [tilespmem:s26+$0xFFFFFFF0]  }
0x20e: {  	v3 =	vshll.u32 v1, $0x3  }
0x20f: {  	s0 =	simm.s32 $0x14020;
	v1 =	vand.u32 $0x7F, v1;
	v3 =	vand.u32 $0xFFFFFC00, v3  }
0x210: {  	v6 =	vor.u32 v1, v3;
	v1 =	vld [tilespmem:s0+$0x10]  }
0x211: {  	v5 =	vshll.u32 v2, $0x3  }
0x212: {  	v7 =	vshll.u32 v4, $0x3;
	v2 =	vand.u32 $0x7F, v2;
	v5 =	vand.u32 $0xFFFFFC00, v5;
	v3 =	vld [tilespmem:s26+$0x0]  }
0x213: {  	s3 =	simm.s32 $0x18020;
	v9 =	vld [tilespmem:s0+$0xFFFFFFE0];
	v4 =	vand.u32 $0x7F, v4;
	v7 =	vand.u32 $0xFFFFFC00, v7;
	v8 =	vor.u32 v2, v5  }
0x214: {  	v7 =	vor.u32 v4, v7;
	v4 =	vld [tilespmem:s3+$0x10]  }
0x215: {  	v2 =	vld.idx.msk [tilespmem:v6+s1+$0x0], $0xffff;
	v5 =	vshll.u32 v1, $0x3  }
0x216: {  	v10 =	vld [tilespmem:s0+$0xFFFFFFF0];
	v1 =	vand.u32 $0x7F, v1;
	v5 =	vand.u32 $0xFFFFFC00, v5  }
0x217: {  	v13 =	vld [tilespmem:s0+$0x0];
	v11 =	vshll.u32 v3, $0x3;
	v5 =	vor.u32 v1, v5  }
0x218: {  	v14 =	vor.u32 $0x80, v6;
	v3 =	vand.u32 $0x7F, v3;
	v15 =	vld.idx.msk [tilespmem:v8+s1+$0x0], $0xffff;
	v11 =	vand.u32 $0xFFFFFC00, v11  }
0x219: {  	v1 =	vld [tilespmem:s3+$0xFFFFFFE0];
	v12 =	vor.u32 v3, v11;
	v3 =	vshll.u32 v9, $0x3  }
0x21a: {  	v16 =	vld.idx.msk [tilespmem:v7+s1+$0x0], $0xffff;
	v9 =	vand.u32 $0x7F, v9;
	v3 =	vand.u32 $0xFFFFFC00, v3;
	v17 =	vmul.f32 v2, v4  }
0x21b: {  	v18 =	vshll.u32 v10, $0x3;
	v11 =	vor.u32 v9, v3;
	v2 =	vld [tilespmem:s3+$0xFFFFFFF0]  }
0x21c: {  	v10 =	vand.u32 $0x7F, v10;
	v9 =	vor.u32 $0x80, v8;
	v3 =	vand.u32 $0xFFFFFC00, v18;
	[tilespmem:v5+s30+$0x0] =	vst.idx.add.f32.msk $0xffff, v17  }
0x21d: {  	v20 =	vor.u32 v10, v3;
	v3 =	vshll.u32 v13, $0x3;
	v10 =	vld.idx.msk [tilespmem:v14+s1+$0x0], $0xffff  }
0x21e: {  	v18 =	vand.u32 $0xFFFFFC00, v3;
	v3 =	vld [tilespmem:s3+$0x0];
	v15 =	vmul.f32 v15, v1;
	v14 =	vor.u32 $0x80, v7  }
0x21f: {  	v19 =	vor.u32 $0x80, v5;
	v17 =	vld.idx.msk [tilespmem:v12+s1+$0x0], $0xffff  }
0x220: {  	v13 =	vand.u32 $0x7F, v13;
	[tilespmem:v11+s30+$0x0] =	vst.idx.add.f32.msk $0xffff, v15;
	v15 =	vmul.f32 v16, v2;
	v16 =	vor.u32 $0x100, v6  }
0x221: {  	v21 =	vor.u32 v13, v18;
	v9 =	vld.idx.msk [tilespmem:v9+s1+$0x0], $0xffff  }
0x222: {  	v13 =	vor.u32 $0x80, v12;
	[tilespmem:v20+s30+$0x0] =	vst.idx.add.f32.msk $0xffff, v15;
	v10 =	vmul.f32 v10, v4  }
0x223: {  	v15 =	vor.u32 $0x80, v11;
	v14 =	vld.idx.msk [tilespmem:v14+s1+$0x0], $0xffff  }
0x224: {  	v18 =	vor.u32 $0x100, v8;
	v17 =	vmul.f32 v17, v3;
	[tilespmem:v19+s30+$0x0] =	vst.idx.add.f32.msk $0xffff, v10  }
0x225: {  	v10 =	vor.u32 $0x80, v20;
	v16 =	vld.idx.msk [tilespmem:v16+s1+$0x0], $0xffff  }
0x226: {  	[tilespmem:v21+s30+$0x0] =	vst.idx.add.f32.msk $0xffff, v17;
	v19 =	vor.u32 $0x100, v7;
	v9 =	vmul.f32 v9, v1  }
0x227: {  	v17 =	vor.u32 $0x100, v5;
	v13 =	vld.idx.msk [tilespmem:v13+s1+$0x0], $0xffff  }
0x228: {  	[tilespmem:v15+s30+$0x0] =	vst.idx.add.f32.msk $0xffff, v9;
	v9 =	vmul.f32 v14, v2;
	v14 =	vor.u32 $0x180, v6  }
0x229: {  	v15 =	vor.u32 $0x80, v21;
	v18 =	vld.idx.msk [tilespmem:v18+s1+$0x0], $0xffff  }
0x22a: {  	v22 =	vor.u32 $0x100, v12;
	[tilespmem:v10+s30+$0x0] =	vst.idx.add.f32.msk $0xffff, v9;
	v9 =	vmul.f32 v16, v4  }
0x22b: {  	v10 =	vor.u32 $0x100, v11;
	v16 =	vld.idx.msk [tilespmem:v19+s1+$0x0], $0xffff  }
0x22c: {  	v13 =	vmul.f32 v13, v3;
	v19 =	vor.u32 $0x180, v8;
	[tilespmem:v17+s30+$0x0] =	vst.idx.add.f32.msk $0xffff, v9  }
0x22d: {  	v9 =	vor.u32 $0x100, v20;
	v14 =	vld.idx.msk [tilespmem:v14+s1+$0x0], $0xffff  }
0x22e: {  	[tilespmem:v15+s30+$0x0] =	vst.idx.add.f32.msk $0xffff, v13;
	v17 =	vor.u32 $0x180, v7;
	v13 =	vmul.f32 v18, v1  }
0x22f: {  	v15 =	vld.idx.msk [tilespmem:v22+s1+$0x0], $0xffff;
	v18 =	vor.u32 $0x180, v5  }
0x230: {  	[tilespmem:v10+s30+$0x0] =	vst.idx.add.f32.msk $0xffff, v13;
	v13 =	vor.u32 $0x200, v6;
	v10 =	vmul.f32 v16, v2  }
0x231: {  	v16 =	vor.u32 $0x100, v21;
	v19 =	vld.idx.msk [tilespmem:v19+s1+$0x0], $0xffff  }
0x232: {  	v22 =	vor.u32 $0x180, v12;
	[tilespmem:v9+s30+$0x0] =	vst.idx.add.f32.msk $0xffff, v10;
	v9 =	vmul.f32 v14, v4  }
0x233: {  	v10 =	vor.u32 $0x180, v11;
	v14 =	vld.idx.msk [tilespmem:v17+s1+$0x0], $0xffff  }
0x234: {  	v15 =	vmul.f32 v15, v3;
	v17 =	vor.u32 $0x200, v8;
	[tilespmem:v18+s30+$0x0] =	vst.idx.add.f32.msk $0xffff, v9  }
0x235: {  	v9 =	vor.u32 $0x180, v20;
	v13 =	vld.idx.msk [tilespmem:v13+s1+$0x0], $0xffff  }
0x236: {  	v18 =	vor.u32 $0x200, v7;
	v19 =	vmul.f32 v19, v1;
	[tilespmem:v16+s30+$0x0] =	vst.idx.add.f32.msk $0xffff, v15  }
0x237: {  	v16 =	vor.u32 $0x200, v5;
	v15 =	vld.idx.msk [tilespmem:v22+s1+$0x0], $0xffff  }
0x238: {  	[tilespmem:v10+s30+$0x0] =	vst.idx.add.f32.msk $0xffff, v19;
	v10 =	vmul.f32 v14, v2;
	v14 =	vor.u32 $0x280, v6  }
0x239: {  	v19 =	vor.u32 $0x180, v21;
	v17 =	vld.idx.msk [tilespmem:v17+s1+$0x0], $0xffff  }
0x23a: {  	v22 =	vor.u32 $0x200, v12;
	[tilespmem:v9+s30+$0x0] =	vst.idx.add.f32.msk $0xffff, v10;
	v9 =	vmul.f32 v13, v4  }
0x23b: {  	v10 =	vor.u32 $0x200, v11;
	v13 =	vld.idx.msk [tilespmem:v18+s1+$0x0], $0xffff  }
0x23c: {  	v18 =	vor.u32 $0x280, v8;
	v15 =	vmul.f32 v15, v3;
	[tilespmem:v16+s30+$0x0] =	vst.idx.add.f32.msk $0xffff, v9  }
0x23d: {  	v9 =	vor.u32 $0x200, v20;
	v14 =	vld.idx.msk [tilespmem:v14+s1+$0x0], $0xffff  }
0x23e: {  	v16 =	vor.u32 $0x280, v7;
	v17 =	vmul.f32 v17, v1;
	[tilespmem:v19+s30+$0x0] =	vst.idx.add.f32.msk $0xffff, v15  }
0x23f: {  	v19 =	vor.u32 $0x280, v5;
	v15 =	vld.idx.msk [tilespmem:v22+s1+$0x0], $0xffff  }
0x240: {  	[tilespmem:v10+s30+$0x0] =	vst.idx.add.f32.msk $0xffff, v17;
	v10 =	vmul.f32 v13, v2;
	v13 =	vor.u32 $0x300, v6  }
0x241: {  	v17 =	vor.u32 $0x200, v21;
	v18 =	vld.idx.msk [tilespmem:v18+s1+$0x0], $0xffff  }
0x242: {  	v22 =	vor.u32 $0x280, v12;
	[tilespmem:v9+s30+$0x0] =	vst.idx.add.f32.msk $0xffff, v10;
	v9 =	vmul.f32 v14, v4  }
0x243: {  	v10 =	vor.u32 $0x280, v11;
	v14 =	vld.idx.msk [tilespmem:v16+s1+$0x0], $0xffff  }
0x244: {  	v23 =	vor.u32 $0x300, v8;
	v15 =	vmul.f32 v15, v3;
	[tilespmem:v19+s30+$0x0] =	vst.idx.add.f32.msk $0xffff, v9  }
0x245: {  	v9 =	vor.u32 $0x280, v20;
	v13 =	vld.idx.msk [tilespmem:v13+s1+$0x0], $0xffff  }
0x246: {  	v24 =	vor.u32 $0x300, v7;
	v16 =	vmul.f32 v18, v1;
	[tilespmem:v17+s30+$0x0] =	vst.idx.add.f32.msk $0xffff, v15  }
0x247: {  	v25 =	vor.u32 $0x300, v5;
	v22 =	vld.idx.msk [tilespmem:v22+s1+$0x0], $0xffff  }
0x248: {  	[tilespmem:v10+s30+$0x0] =	vst.idx.add.f32.msk $0xffff, v16;
	v10 =	vmul.f32 v14, v2;
	v14 =	vor.u32 $0x380, v6  }
0x249: {  	v17 =	vor.u32 $0x300, v12;
	v19 =	vld.idx.msk [tilespmem:v23+s1+$0x0], $0xffff  }
0x24a: {  	v15 =	vor.u32 $0x300, v11;
	v12 =	vor.u32 $0x380, v12;
	[tilespmem:v9+s30+$0x0] =	vst.idx.add.f32.msk $0xffff, v10;
	v23 =	vmul.f32 v13, v4  }
0x24b: {  	v16 =	vor.u32 $0x280, v21;
	v6 =	vor.u32 $0x380, v11;
	v11 =	vor.u32 $0x380, v7;
	v18 =	vld.idx.msk [tilespmem:v24+s1+$0x0], $0xffff  }
0x24c: {  	v7 =	vor.u32 $0x380, v20;
	v9 =	vor.u32 $0x380, v8;
	v10 =	vor.u32 $0x300, v21;
	[tilespmem:v25+s30+$0x0] =	vst.idx.add.f32.msk $0xffff, v23  }
0x24d: {  	s21 =	simm.s32 $0x0;
	s25 =	simm.s32 $0x10060;
	v8 =	vor.u32 $0x380, v21;
	v13 =	vor.u32 $0x300, v20;
	v20 =	vmul.f32 v22, v3;
	v14 =	vld.idx.msk [tilespmem:v14+s1+$0x0], $0xffff  }
.LBB2_18:
0x24e: {  	v21 =	vld [tilespmem:s25+$0x10];
	s21 =	sadd.s32 $0x4, s21;
	v19 =	vmul.f32 v19, v1  }
0x24f: {  	v22 =	vld [tilespmem:s25+$0xFFFFFFF0];
	p0 =	slt.u32 s21, $0x3FC  }
0x250: {  	v5 =	vor.u32 $0x380, v5;
	v23 =	vld [tilespmem:s25+$0x0]  }
0x251: {  	v18 =	vmul.f32 v18, v2;
	v24 =	vld [tilespmem:s25+$0xFFFFFFE0]  }
0x252: {  	[tilespmem:v16+s30+$0x0] =	vst.idx.add.f32.msk $0xffff, v20  }
0x253: {  	v4 =	vmul.f32 v14, v4;
	v16 =	vshll.u32 v21, $0x3;
	v27 =	vld.idx.msk [tilespmem:v17+s1+$0x0], $0xffff  }
0x254: {  	v17 =	vand.u32 $0x7F, v21;
	v14 =	vshll.u32 v22, $0x3;
	v16 =	vand.u32 $0xFFFFFC00, v16;
	[tilespmem:v15+s30+$0x0] =	vst.idx.add.f32.msk $0xffff, v19  }
0x255: {  	s0 =	sadd.s32 $0x40, s0;
	v15 =	vand.u32 $0xFFFFFC00, v14;
	v19 =	vshll.u32 v23, $0x3;
	v14 =	vor.u32 v17, v16;
	[tilespmem:v5+s30+$0x0] =	vst.idx.add.f32.msk $0xffff, v4  }
0x256: {  	v4 =	vand.u32 $0x7F, v24;
	v5 =	vshll.u32 v24, $0x3;
	v16 =	vand.u32 $0xFFFFFC00, v19;
	v17 =	vld [tilespmem:s0+$0x10]  }
0x257: {  	v21 =	vand.u32 $0x7F, v23;
	v19 =	vand.u32 $0x7F, v22;
	v20 =	vld [tilespmem:s0+$0xFFFFFFE0];
	v5 =	vand.u32 $0xFFFFFC00, v5  }
0x258: {  	v29 =	vor.u32 v19, v15;
	v30 =	vor.u32 v21, v16;
	v28 =	vor.u32 v4, v5;
	v22 =	vld [tilespmem:s0+$0xFFFFFFF0]  }
0x259: {  	v16 =	vor.u32 $0x80, v29;
	v24 =	vor.u32 $0x80, v30;
	v15 =	vor.u32 $0x80, v28;
	v21 =	vld [tilespmem:s0+$0x0]  }
0x25a: {  	s3 =	sadd.s32 $0x40, s3;
	v32 =	vor.u32 $0x100, v29;
	v26 =	vor.u32 $0x100, v30;
	v31 =	vor.u32 $0x100, v28;
	v23 =	vld.idx.msk [tilespmem:v14+s1+$0x0], $0xffff  }
0x25b: {  	v19 =	vor.u32 $0x180, v29;
	v25 =	vor.u32 $0x180, v28;
	v4 =	vld [tilespmem:s3+$0x10];
	v5 =	vshll.u32 v17, $0x3  }
0x25c: {  	v17 =	vand.u32 $0x7F, v17;
	v33 =	vld [tilespmem:s3+$0xFFFFFFE0];
	v34 =	vshll.u32 v20, $0x3;
	v5 =	vand.u32 $0xFFFFFC00, v5  }
0x25d: {  	v35 =	vld.idx.msk [tilespmem:v28+s1+$0x0], $0xffff;
	v34 =	vand.u32 $0xFFFFFC00, v34;
	v36 =	vshll.u32 v22, $0x3;
	v5 =	vor.u32 v17, v5  }
0x25e: {  	v38 =	vor.u32 $0x80, v14;
	v17 =	vld.idx.msk [tilespmem:v29+s1+$0x0], $0xffff;
	v36 =	vand.u32 $0xFFFFFC00, v36;
	v37 =	vshll.u32 v21, $0x3  }
0x25f: {  	v20 =	vand.u32 $0x7F, v20;
	v22 =	vand.u32 $0x7F, v22;
	v39 =	vld.idx.msk [tilespmem:v30+s1+$0x0], $0xffff;
	v37 =	vand.u32 $0xFFFFFC00, v37  }
0x260: {  	v34 =	vor.u32 v20, v34;
	v20 =	vand.u32 $0x7F, v21;
	v40 =	vld [tilespmem:s3+$0xFFFFFFF0];
	v21 =	vmul.f32 v23, v4  }
0x261: {  	v41 =	vor.u32 $0x80, v34;
	v36 =	vor.u32 v22, v36;
	v37 =	vor.u32 v20, v37;
	v42 =	vld [tilespmem:s3+$0x0]  }
0x262: {  	v43 =	vor.u32 $0x100, v34;
	v44 =	vor.u32 $0x80, v36;
	v45 =	vor.u32 $0x80, v37;
	[tilespmem:v5+s30+$0x0] =	vst.idx.add.f32.msk $0xffff, v21  }
0x263: {  	v46 =	vor.u32 $0x100, v37;
	v20 =	vmul.f32 v35, v33;
	v35 =	vor.u32 $0x100, v36;
	v23 =	vld.idx.msk [tilespmem:v38+s1+$0x0], $0xffff  }
0x264: {  	v48 =	vor.u32 $0x180, v30;
	v47 =	vor.u32 $0x180, v36;
	v38 =	vor.u32 $0x180, v34;
	[tilespmem:v13+s30+$0x0] =	vst.idx.add.f32.msk $0xffff, v18  }
0x265: {  	v49 =	vor.u32 $0x200, v28;
	v50 =	vor.u32 $0x180, v37;
	[tilespmem:v34+s30+$0x0] =	vst.idx.add.f32.msk $0xffff, v20;
	v13 =	vmul.f32 v17, v40  }
0x266: {  	v51 =	vor.u32 $0x200, v29;
	v15 =	vld.idx.msk [tilespmem:v15+s1+$0x0], $0xffff;
	v17 =	vmul.f32 v39, v42;
	v39 =	vor.u32 $0x80, v5  }
0x267: {  	v53 =	vor.u32 $0x200, v30;
	v52 =	vor.u32 $0x200, v34;
	[tilespmem:v36+s30+$0x0] =	vst.idx.add.f32.msk $0xffff, v13;
	v13 =	vor.u32 $0x100, v14  }
0x268: {  	v54 =	vor.u32 $0x280, v28;
	v55 =	vor.u32 $0x200, v36;
	v21 =	vor.u32 $0x200, v37;
	[tilespmem:v37+s30+$0x0] =	vst.idx.add.f32.msk $0xffff, v17  }
0x269: {  	v57 =	vor.u32 $0x280, v29;
	v22 =	vor.u32 $0x280, v30;
	v58 =	vmul.f32 v23, v4;
	v56 =	vld.idx.msk [tilespmem:v16+s1+$0x0], $0xffff  }
0x26a: {  	v18 =	vor.u32 $0x280, v36;
	v23 =	vor.u32 $0x280, v34;
	v16 =	vor.u32 $0x280, v37;
	v59 =	vld.idx.msk [tilespmem:v24+s1+$0x0], $0xffff  }
0x26b: {  	v20 =	vor.u32 $0x300, v29;
	v17 =	vor.u32 $0x300, v30;
	v24 =	vor.u32 $0x300, v28;
	[tilespmem:v39+s30+$0x0] =	vst.idx.add.f32.msk $0xffff, v58  }
0x26c: {  	v27 =	vmul.f32 v27, v3;
	v39 =	vmul.f32 v15, v33;
	v15 =	vor.u32 $0x300, v34;
	v58 =	vld.idx.msk [tilespmem:v13+s1+$0x0], $0xffff  }
0x26d: {  	v60 =	vor.u32 $0x300, v37;
	v13 =	vor.u32 $0x300, v36;
	v61 =	vld.idx.msk [tilespmem:v9+s1+$0x0], $0xffff;
	v9 =	vor.u32 $0x380, v28  }
0x26e: {  	v29 =	vor.u32 $0x380, v29;
	v30 =	vor.u32 $0x380, v30;
	v28 =	vor.u32 $0x380, v34;
	[tilespmem:v41+s30+$0x0] =	vst.idx.add.f32.msk $0xffff, v39  }
0x26f: {  	v36 =	vor.u32 $0x380, v36;
	v34 =	vmul.f32 v56, v40;
	v39 =	vor.u32 $0x100, v5;
	v31 =	vld.idx.msk [tilespmem:v31+s1+$0x0], $0xffff  }
0x270: {  	v37 =	vor.u32 $0x380, v37;
	v56 =	vor.u32 $0x180, v14;
	v41 =	vmul.f32 v59, v42;
	[tilespmem:v10+s30+$0x0] =	vst.idx.add.f32.msk $0xffff, v27;
	v10 =	vmovc v60  }
0x271: {  	[tilespmem:v44+s30+$0x0] =	vst.idx.add.f32.msk $0xffff, v34  }
0x272: {  	v27 =	vmul.f32 v58, v4;
	[tilespmem:v45+s30+$0x0] =	vst.idx.add.f32.msk $0xffff, v41  }
0x273: {  	v34 =	vmul.f32 v61, v1;
	v1 =	vmov v33;
	v32 =	vld.idx.msk [tilespmem:v32+s1+$0x0], $0xffff  }
0x274: {  	[tilespmem:v39+s30+$0x0] =	vst.idx.add.f32.msk $0xffff, v27  }
0x275: {  	v27 =	vmul.f32 v31, v1;
	v31 =	vld.idx.msk [tilespmem:v56+s1+$0x0], $0xffff  }
0x276: {  	v26 =	vld.idx.msk [tilespmem:v26+s1+$0x0], $0xffff  }
0x277: {  	[tilespmem:v43+s30+$0x0] =	vst.idx.add.f32.msk $0xffff, v27  }
0x278: {  	v27 =	vor.u32 $0x180, v5;
	v25 =	vld.idx.msk [tilespmem:v25+s1+$0x0], $0xffff  }
0x279: {  	v33 =	vor.u32 $0x200, v14;
	v32 =	vmul.f32 v32, v40;
	v39 =	vld.idx.msk [tilespmem:v11+s1+$0x0], $0xffff;
	v11 =	vmov v29  }
0x27a: {  	v29 =	vld.idx.msk [tilespmem:v12+s1+$0x0], $0xffff;
	v12 =	vmov v30  }
0x27b: {  	v30 =	vmul.f32 v31, v4;
	[tilespmem:v35+s30+$0x0] =	vst.idx.add.f32.msk $0xffff, v32  }
0x27c: {  	v26 =	vmul.f32 v26, v42;
	v19 =	vld.idx.msk [tilespmem:v19+s1+$0x0], $0xffff  }
0x27d: {  	[tilespmem:v27+s30+$0x0] =	vst.idx.add.f32.msk $0xffff, v30  }
0x27e: {  	v25 =	vmul.f32 v25, v1;
	v27 =	vld.idx.msk [tilespmem:v33+s1+$0x0], $0xffff  }
0x27f: {  	[tilespmem:v46+s30+$0x0] =	vst.idx.add.f32.msk $0xffff, v26;
	v26 =	vmul.f32 v39, v2;
	v2 =	vmov v40  }
0x280: {  	v29 =	vmul.f32 v29, v3;
	v3 =	vmov v42;
	v30 =	vld.idx.msk [tilespmem:v48+s1+$0x0], $0xffff  }
0x281: {  	[tilespmem:v38+s30+$0x0] =	vst.idx.add.f32.msk $0xffff, v25;
	v25 =	vor.u32 $0x200, v5  }
0x282: {  	v32 =	vor.u32 $0x280, v14;
	v19 =	vmul.f32 v19, v2;
	v31 =	vld.idx.msk [tilespmem:v49+s1+$0x0], $0xffff  }
0x283: {  	[tilespmem:v6+s30+$0x0] =	vst.idx.add.f32.msk $0xffff, v34;
	v6 =	vmov v28  }
0x284: {  	[tilespmem:v47+s30+$0x0] =	vst.idx.add.f32.msk $0xffff, v19;
	v19 =	vmul.f32 v27, v4  }
0x285: {  	v27 =	vld.idx.msk [tilespmem:v51+s1+$0x0], $0xffff  }
0x286: {  	v28 =	vmul.f32 v30, v3;
	[tilespmem:v25+s30+$0x0] =	vst.idx.add.f32.msk $0xffff, v19  }
0x287: {  	v19 =	vld.idx.msk [tilespmem:v32+s1+$0x0], $0xffff  }
0x288: {  	v25 =	vmul.f32 v31, v1;
	[tilespmem:v50+s30+$0x0] =	vst.idx.add.f32.msk $0xffff, v28  }
0x289: {  	v28 =	vld.idx.msk [tilespmem:v53+s1+$0x0], $0xffff  }
0x28a: {  	[tilespmem:v52+s30+$0x0] =	vst.idx.add.f32.msk $0xffff, v25;
	v25 =	vor.u32 $0x280, v5  }
0x28b: {  	v31 =	vor.u32 $0x300, v14;
	v27 =	vmul.f32 v27, v2;
	v30 =	vld.idx.msk [tilespmem:v54+s1+$0x0], $0xffff  }
0x28c: {  	[tilespmem:v7+s30+$0x0] =	vst.idx.add.f32.msk $0xffff, v26;
	v7 =	vmov v36  }
0x28d: {  	v19 =	vmul.f32 v19, v4;
	[tilespmem:v55+s30+$0x0] =	vst.idx.add.f32.msk $0xffff, v27  }
0x28e: {  	v26 =	vld.idx.msk [tilespmem:v57+s1+$0x0], $0xffff  }
0x28f: {  	v27 =	vmul.f32 v28, v3;
	[tilespmem:v25+s30+$0x0] =	vst.idx.add.f32.msk $0xffff, v19  }
0x290: {  	v25 =	vld.idx.msk [tilespmem:v31+s1+$0x0], $0xffff  }
0x291: {  	v19 =	vmul.f32 v30, v1;
	[tilespmem:v21+s30+$0x0] =	vst.idx.add.f32.msk $0xffff, v27  }
0x292: {  	v21 =	vld.idx.msk [tilespmem:v22+s1+$0x0], $0xffff  }
0x293: {  	v22 =	vor.u32 $0x300, v5;
	[tilespmem:v23+s30+$0x0] =	vst.idx.add.f32.msk $0xffff, v19  }
0x294: {  	v14 =	vor.u32 $0x380, v14;
	v23 =	vmul.f32 v26, v2;
	v19 =	vld.idx.msk [tilespmem:v24+s1+$0x0], $0xffff  }
.Ltmp8:
0x295: {  	[tilespmem:v8+s30+$0x0] =	vst.idx.add.f32.msk $0xffff, v29;
	v8 =	vmov v37;
	(pc) =	sbr.rel @p0 .LBB2_18-.Ltmp8, $4  }
0x296: {  	[tilespmem:v18+s30+$0x0] =	vst.idx.add.f32.msk $0xffff, v23;
	v23 =	vmul.f32 v25, v4  }
0x297: {  	v18 =	vld.idx.msk [tilespmem:v20+s1+$0x0], $0xffff  }
0x298: {  	v20 =	vmul.f32 v21, v3;
	[tilespmem:v22+s30+$0x0] =	vst.idx.add.f32.msk $0xffff, v23  }
0x299: {  	s25 =	sadd.s32 $0x40, s25;
	v14 =	vld.idx.msk [tilespmem:v14+s1+$0x0], $0xffff  }
0x29a: {  	_ =	sdelay $0x3  }
0x29b: {  	[tilespmem:v16+s30+$0x0] =	vst.idx.add.f32.msk $0xffff, v20  }
0x29c: {  	v16 =	vld.idx.msk [tilespmem:v17+s1+$0x0], $0xffff  }
0x29d: {  	v60 =	vmul.f32 v19, v1;
	_ =	sdelay $0x1  }
0x29e: {  	v18 =	vmul.f32 v18, v2;
	[tilespmem:v15+s30+$0x0] =	vst.idx.add.f32.msk $0xffff, v60  }
0x29f: {  	v9 =	vld.idx.msk [tilespmem:v9+s1+$0x0], $0xffff  }
0x2a0: {  	[tilespmem:v13+s30+$0x0] =	vst.idx.add.f32.msk $0xffff, v18;
	v61 =	vmul.f32 v16, v3  }
0x2a1: {  	v62 =	vld.idx.msk [tilespmem:v11+s1+$0x0], $0xffff  }
0x2a2: {  	v5 =	vor.u32 $0x380, v5;
	[tilespmem:v10+s30+$0x0] =	vst.idx.add.f32.msk $0xffff, v61  }
0x2a3: {  	v63 =	vld.idx.msk [tilespmem:v12+s1+$0x0], $0xffff;
	_ =	sdelay $0x1  }
0x2a4: {  	v4 =	vmul.f32 v14, v4  }
0x2a5: {  	v1 =	vmul.f32 v9, v1  }
0x2a6: {  	[tilespmem:v5+s30+$0x0] =	vst.idx.add.f32.msk $0xffff, v4;
	v2 =	vmul.f32 v62, v2  }
0x2a7: {  	[tilespmem:v6+s30+$0x0] =	vst.idx.add.f32.msk $0xffff, v1;
	v3 =	vmul.f32 v63, v3  }
0x2a8: {  	[tilespmem:v7+s30+$0x0] =	vst.idx.add.f32.msk $0xffff, v2  }
0x2a9: {  	s0 =	simm.s32 $0x0;
	[tilespmem:v8+s30+$0x0] =	vst.idx.add.f32.msk $0xffff, v3  }
0x2aa: {  	[tilespmem:s0], [sflag:$0x2] =	stream.linear.gather [hbm4b:s13+s0], $0x8000, $0x38;
	[tilespmem:$0x1F000] =	vst v63  }
0x2ab: {  	_ = 	snop  }
0x2ac: {  	[hbm4b:s14+s0] =	stream.linear.scatter [tilespmem:s30], [sflag:$0x3], $0x8000, $0x38;
	[tilespmem:$0x1F000] =	vst v63  }
0x2ad: {  	_ =	swait.ge [sflag:s28], $0x8000  }
0x2ae: {  	s2 =	sand.u32 $0x70, s0;
	s3 =	sand.u32 $0x7C00, s0;
	[sflag:s28] =	ssyncset.done $0x0  }
0x2af: {  	s3 =	sor.u32 s2, s3;
	[sflag:s28] =	ssyncadd.s32 $0xFFFF8000  }
0x2b0: {  	[tilespmem:s3+$0x8080] =	vst v0  }
0x2b1: {  	[tilespmem:s3+$0x8100] =	vst v0  }
0x2b2: {  	[tilespmem:s3+$0x8180] =	vst v0  }
0x2b3: {  	s21 =	simm.s32 $0x10;
	s25 =	simm.s32 $0x0;
	s26 =	sand.u32 $0x7, s0;
	[tilespmem:s3+$0x8200] =	vst v0  }
.LBB2_20:
0x2b4: {  	p0 =	sne.s32 s21, $0xFF0;
	s2 =	sshll.u32 s26, $0x4;
	[tilespmem:s3+$0x8280] =	vst v0  }
0x2b5: {  	s2 =	sadd.s32 s2, s0;
	[tilespmem:s3+$0x8300] =	vst v0;
	s0 =	sadd.s32 $0x80, s0  }
0x2b6: {  	s4 =	sand.u32 $0x70, s21;
	s26 =	sand.u32 $0x7C00, s0;
	[tilespmem:s3+$0x8000] =	vst v0;
	s2 =	sor.u32 $0x380, s2  }
.Ltmp9:
0x2b7: {  	s3 =	sor.u32 s4, s26;
	[tilespmem:s2+$0x8000] =	vst v0;
	(pc) =	sbr.rel @p0 .LBB2_20-.Ltmp9, $4  }
0x2b8: {  	[tilespmem:s3+$0x8080] =	vst v0  }
0x2b9: {  	[tilespmem:s3+$0x8100] =	vst v0  }
0x2ba: {  	s25 =	sadd.s32 $0x1, s25;
	[tilespmem:s3+$0x8180] =	vst v0  }
0x2bb: {  	s21 =	sadd.s32 $0x10, s21;
	s26 =	sand.u32 $0x7, s25;
	[tilespmem:s3+$0x8200] =	vst v0  }
0x2bc: {  	s2 =	sshll.u32 s26, $0x4;
	[tilespmem:s3+$0x8280] =	vst v0  }
0x2bd: {  	[tilespmem:s3+$0x8300] =	vst v0;
	s0 =	sadd.s32 s2, s0  }
0x2be: {  	[tilespmem:s3+$0x8000] =	vst v0;
	s0 =	sor.u32 $0x380, s0  }
0x2bf: {  	[tilespmem:s0+$0x8000] =	vst v0  }
0x2c0: {  	_ =	swait.ge [sflag:s29], $0x8000  }
0x2c1: {  	[sflag:s29] =	ssyncset.done $0x0  }
0x2c2: {  	s26 =	simm.s32 $0x10020;
	[sflag:s29] =	ssyncadd.s32 $0xFFFF8000  }
0x2c3: {  	v1 =	vld [tilespmem:s26+$0x10];
	_ =	sdelay $0x2  }
0x2c4: {  	v2 =	vld [tilespmem:s26+$0xFFFFFFE0]  }
0x2c5: {  	v4 =	vld [tilespmem:s26+$0xFFFFFFF0]  }
0x2c6: {  	v3 =	vshll.u32 v1, $0x3  }
0x2c7: {  	s0 =	simm.s32 $0x14020;
	v1 =	vand.u32 $0x7F, v1;
	v3 =	vand.u32 $0xFFFFFC00, v3  }
0x2c8: {  	v6 =	vor.u32 v1, v3;
	v1 =	vld [tilespmem:s0+$0x10]  }
0x2c9: {  	v5 =	vshll.u32 v2, $0x3  }
0x2ca: {  	v7 =	vshll.u32 v4, $0x3;
	v2 =	vand.u32 $0x7F, v2;
	v5 =	vand.u32 $0xFFFFFC00, v5;
	v3 =	vld [tilespmem:s26+$0x0]  }
0x2cb: {  	s3 =	simm.s32 $0x18020;
	v9 =	vld [tilespmem:s0+$0xFFFFFFE0];
	v4 =	vand.u32 $0x7F, v4;
	v7 =	vand.u32 $0xFFFFFC00, v7;
	v8 =	vor.u32 v2, v5  }
0x2cc: {  	v7 =	vor.u32 v4, v7;
	v4 =	vld [tilespmem:s3+$0x10]  }
0x2cd: {  	v2 =	vld.idx.msk [tilespmem:v6+s1+$0x0], $0xffff;
	v5 =	vshll.u32 v1, $0x3  }
0x2ce: {  	v10 =	vld [tilespmem:s0+$0xFFFFFFF0];
	v1 =	vand.u32 $0x7F, v1;
	v5 =	vand.u32 $0xFFFFFC00, v5  }
0x2cf: {  	v13 =	vld [tilespmem:s0+$0x0];
	v11 =	vshll.u32 v3, $0x3;
	v5 =	vor.u32 v1, v5  }
0x2d0: {  	v14 =	vor.u32 $0x80, v6;
	v3 =	vand.u32 $0x7F, v3;
	v15 =	vld.idx.msk [tilespmem:v8+s1+$0x0], $0xffff;
	v11 =	vand.u32 $0xFFFFFC00, v11  }
0x2d1: {  	v1 =	vld [tilespmem:s3+$0xFFFFFFE0];
	v12 =	vor.u32 v3, v11;
	v3 =	vshll.u32 v9, $0x3  }
0x2d2: {  	v16 =	vld.idx.msk [tilespmem:v7+s1+$0x0], $0xffff;
	v9 =	vand.u32 $0x7F, v9;
	v3 =	vand.u32 $0xFFFFFC00, v3;
	v17 =	vmul.f32 v2, v4  }
0x2d3: {  	v18 =	vshll.u32 v10, $0x3;
	v11 =	vor.u32 v9, v3;
	v2 =	vld [tilespmem:s3+$0xFFFFFFF0]  }
0x2d4: {  	v10 =	vand.u32 $0x7F, v10;
	v9 =	vor.u32 $0x80, v8;
	v3 =	vand.u32 $0xFFFFFC00, v18;
	[tilespmem:v5+s30+$0x0] =	vst.idx.add.f32.msk $0xffff, v17  }
0x2d5: {  	v20 =	vor.u32 v10, v3;
	v3 =	vshll.u32 v13, $0x3;
	v10 =	vld.idx.msk [tilespmem:v14+s1+$0x0], $0xffff  }
0x2d6: {  	v18 =	vand.u32 $0xFFFFFC00, v3;
	v3 =	vld [tilespmem:s3+$0x0];
	v15 =	vmul.f32 v15, v1;
	v14 =	vor.u32 $0x80, v7  }
0x2d7: {  	v19 =	vor.u32 $0x80, v5;
	v17 =	vld.idx.msk [tilespmem:v12+s1+$0x0], $0xffff  }
0x2d8: {  	v13 =	vand.u32 $0x7F, v13;
	[tilespmem:v11+s30+$0x0] =	vst.idx.add.f32.msk $0xffff, v15;
	v15 =	vmul.f32 v16, v2;
	v16 =	vor.u32 $0x100, v6  }
0x2d9: {  	v21 =	vor.u32 v13, v18;
	v9 =	vld.idx.msk [tilespmem:v9+s1+$0x0], $0xffff  }
0x2da: {  	v13 =	vor.u32 $0x80, v12;
	[tilespmem:v20+s30+$0x0] =	vst.idx.add.f32.msk $0xffff, v15;
	v10 =	vmul.f32 v10, v4  }
0x2db: {  	v15 =	vor.u32 $0x80, v11;
	v14 =	vld.idx.msk [tilespmem:v14+s1+$0x0], $0xffff  }
0x2dc: {  	v18 =	vor.u32 $0x100, v8;
	v17 =	vmul.f32 v17, v3;
	[tilespmem:v19+s30+$0x0] =	vst.idx.add.f32.msk $0xffff, v10  }
0x2dd: {  	v10 =	vor.u32 $0x80, v20;
	v16 =	vld.idx.msk [tilespmem:v16+s1+$0x0], $0xffff  }
0x2de: {  	[tilespmem:v21+s30+$0x0] =	vst.idx.add.f32.msk $0xffff, v17;
	v19 =	vor.u32 $0x100, v7;
	v9 =	vmul.f32 v9, v1  }
0x2df: {  	v17 =	vor.u32 $0x100, v5;
	v13 =	vld.idx.msk [tilespmem:v13+s1+$0x0], $0xffff  }
0x2e0: {  	[tilespmem:v15+s30+$0x0] =	vst.idx.add.f32.msk $0xffff, v9;
	v9 =	vmul.f32 v14, v2;
	v14 =	vor.u32 $0x180, v6  }
0x2e1: {  	v15 =	vor.u32 $0x80, v21;
	v18 =	vld.idx.msk [tilespmem:v18+s1+$0x0], $0xffff  }
0x2e2: {  	v22 =	vor.u32 $0x100, v12;
	[tilespmem:v10+s30+$0x0] =	vst.idx.add.f32.msk $0xffff, v9;
	v9 =	vmul.f32 v16, v4  }
0x2e3: {  	v10 =	vor.u32 $0x100, v11;
	v16 =	vld.idx.msk [tilespmem:v19+s1+$0x0], $0xffff  }
0x2e4: {  	v13 =	vmul.f32 v13, v3;
	v19 =	vor.u32 $0x180, v8;
	[tilespmem:v17+s30+$0x0] =	vst.idx.add.f32.msk $0xffff, v9  }
0x2e5: {  	v9 =	vor.u32 $0x100, v20;
	v14 =	vld.idx.msk [tilespmem:v14+s1+$0x0], $0xffff  }
0x2e6: {  	[tilespmem:v15+s30+$0x0] =	vst.idx.add.f32.msk $0xffff, v13;
	v17 =	vor.u32 $0x180, v7;
	v13 =	vmul.f32 v18, v1  }
0x2e7: {  	v15 =	vld.idx.msk [tilespmem:v22+s1+$0x0], $0xffff;
	v18 =	vor.u32 $0x180, v5  }
0x2e8: {  	[tilespmem:v10+s30+$0x0] =	vst.idx.add.f32.msk $0xffff, v13;
	v13 =	vor.u32 $0x200, v6;
	v10 =	vmul.f32 v16, v2  }
0x2e9: {  	v16 =	vor.u32 $0x100, v21;
	v19 =	vld.idx.msk [tilespmem:v19+s1+$0x0], $0xffff  }
0x2ea: {  	v22 =	vor.u32 $0x180, v12;
	[tilespmem:v9+s30+$0x0] =	vst.idx.add.f32.msk $0xffff, v10;
	v9 =	vmul.f32 v14, v4  }
0x2eb: {  	v10 =	vor.u32 $0x180, v11;
	v14 =	vld.idx.msk [tilespmem:v17+s1+$0x0], $0xffff  }
0x2ec: {  	v15 =	vmul.f32 v15, v3;
	v17 =	vor.u32 $0x200, v8;
	[tilespmem:v18+s30+$0x0] =	vst.idx.add.f32.msk $0xffff, v9  }
0x2ed: {  	v9 =	vor.u32 $0x180, v20;
	v13 =	vld.idx.msk [tilespmem:v13+s1+$0x0], $0xffff  }
0x2ee: {  	v18 =	vor.u32 $0x200, v7;
	v19 =	vmul.f32 v19, v1;
	[tilespmem:v16+s30+$0x0] =	vst.idx.add.f32.msk $0xffff, v15  }
0x2ef: {  	v16 =	vor.u32 $0x200, v5;
	v15 =	vld.idx.msk [tilespmem:v22+s1+$0x0], $0xffff  }
0x2f0: {  	[tilespmem:v10+s30+$0x0] =	vst.idx.add.f32.msk $0xffff, v19;
	v10 =	vmul.f32 v14, v2;
	v14 =	vor.u32 $0x280, v6  }
0x2f1: {  	v19 =	vor.u32 $0x180, v21;
	v17 =	vld.idx.msk [tilespmem:v17+s1+$0x0], $0xffff  }
0x2f2: {  	v22 =	vor.u32 $0x200, v12;
	[tilespmem:v9+s30+$0x0] =	vst.idx.add.f32.msk $0xffff, v10;
	v9 =	vmul.f32 v13, v4  }
0x2f3: {  	v10 =	vor.u32 $0x200, v11;
	v13 =	vld.idx.msk [tilespmem:v18+s1+$0x0], $0xffff  }
0x2f4: {  	v18 =	vor.u32 $0x280, v8;
	v15 =	vmul.f32 v15, v3;
	[tilespmem:v16+s30+$0x0] =	vst.idx.add.f32.msk $0xffff, v9  }
0x2f5: {  	v9 =	vor.u32 $0x200, v20;
	v14 =	vld.idx.msk [tilespmem:v14+s1+$0x0], $0xffff  }
0x2f6: {  	v16 =	vor.u32 $0x280, v7;
	v17 =	vmul.f32 v17, v1;
	[tilespmem:v19+s30+$0x0] =	vst.idx.add.f32.msk $0xffff, v15  }
0x2f7: {  	v19 =	vor.u32 $0x280, v5;
	v15 =	vld.idx.msk [tilespmem:v22+s1+$0x0], $0xffff  }
0x2f8: {  	[tilespmem:v10+s30+$0x0] =	vst.idx.add.f32.msk $0xffff, v17;
	v10 =	vmul.f32 v13, v2;
	v13 =	vor.u32 $0x300, v6  }
0x2f9: {  	v17 =	vor.u32 $0x200, v21;
	v18 =	vld.idx.msk [tilespmem:v18+s1+$0x0], $0xffff  }
0x2fa: {  	v22 =	vor.u32 $0x280, v12;
	[tilespmem:v9+s30+$0x0] =	vst.idx.add.f32.msk $0xffff, v10;
	v9 =	vmul.f32 v14, v4  }
0x2fb: {  	v10 =	vor.u32 $0x280, v11;
	v14 =	vld.idx.msk [tilespmem:v16+s1+$0x0], $0xffff  }
0x2fc: {  	v23 =	vor.u32 $0x300, v8;
	v15 =	vmul.f32 v15, v3;
	[tilespmem:v19+s30+$0x0] =	vst.idx.add.f32.msk $0xffff, v9  }
0x2fd: {  	v9 =	vor.u32 $0x280, v20;
	v13 =	vld.idx.msk [tilespmem:v13+s1+$0x0], $0xffff  }
0x2fe: {  	v24 =	vor.u32 $0x300, v7;
	v16 =	vmul.f32 v18, v1;
	[tilespmem:v17+s30+$0x0] =	vst.idx.add.f32.msk $0xffff, v15  }
0x2ff: {  	v25 =	vor.u32 $0x300, v5;
	v22 =	vld.idx.msk [tilespmem:v22+s1+$0x0], $0xffff  }
0x300: {  	[tilespmem:v10+s30+$0x0] =	vst.idx.add.f32.msk $0xffff, v16;
	v10 =	vmul.f32 v14, v2;
	v14 =	vor.u32 $0x380, v6  }
0x301: {  	v17 =	vor.u32 $0x300, v12;
	v19 =	vld.idx.msk [tilespmem:v23+s1+$0x0], $0xffff  }
0x302: {  	v15 =	vor.u32 $0x300, v11;
	v12 =	vor.u32 $0x380, v12;
	[tilespmem:v9+s30+$0x0] =	vst.idx.add.f32.msk $0xffff, v10;
	v23 =	vmul.f32 v13, v4  }
0x303: {  	v16 =	vor.u32 $0x280, v21;
	v6 =	vor.u32 $0x380, v11;
	v11 =	vor.u32 $0x380, v7;
	v18 =	vld.idx.msk [tilespmem:v24+s1+$0x0], $0xffff  }
0x304: {  	v7 =	vor.u32 $0x380, v20;
	v9 =	vor.u32 $0x380, v8;
	v10 =	vor.u32 $0x300, v21;
	[tilespmem:v25+s30+$0x0] =	vst.idx.add.f32.msk $0xffff, v23  }
0x305: {  	s21 =	simm.s32 $0x0;
	s25 =	simm.s32 $0x10060;
	v8 =	vor.u32 $0x380, v21;
	v13 =	vor.u32 $0x300, v20;
	v20 =	vmul.f32 v22, v3;
	v14 =	vld.idx.msk [tilespmem:v14+s1+$0x0], $0xffff  }
.LBB2_22:
0x306: {  	v21 =	vld [tilespmem:s25+$0x10];
	s21 =	sadd.s32 $0x4, s21;
	v19 =	vmul.f32 v19, v1  }
0x307: {  	v22 =	vld [tilespmem:s25+$0xFFFFFFF0];
	p0 =	slt.u32 s21, $0x3FC  }
0x308: {  	v5 =	vor.u32 $0x380, v5;
	v23 =	vld [tilespmem:s25+$0x0]  }
0x309: {  	v18 =	vmul.f32 v18, v2;
	v24 =	vld [tilespmem:s25+$0xFFFFFFE0]  }
0x30a: {  	[tilespmem:v16+s30+$0x0] =	vst.idx.add.f32.msk $0xffff, v20  }
0x30b: {  	v4 =	vmul.f32 v14, v4;
	v16 =	vshll.u32 v21, $0x3;
	v27 =	vld.idx.msk [tilespmem:v17+s1+$0x0], $0xffff  }
0x30c: {  	v17 =	vand.u32 $0x7F, v21;
	v14 =	vshll.u32 v22, $0x3;
	v16 =	vand.u32 $0xFFFFFC00, v16;
	[tilespmem:v15+s30+$0x0] =	vst.idx.add.f32.msk $0xffff, v19  }
0x30d: {  	s0 =	sadd.s32 $0x40, s0;
	v15 =	vand.u32 $0xFFFFFC00, v14;
	v19 =	vshll.u32 v23, $0x3;
	v14 =	vor.u32 v17, v16;
	[tilespmem:v5+s30+$0x0] =	vst.idx.add.f32.msk $0xffff, v4  }
0x30e: {  	v4 =	vand.u32 $0x7F, v24;
	v5 =	vshll.u32 v24, $0x3;
	v16 =	vand.u32 $0xFFFFFC00, v19;
	v17 =	vld [tilespmem:s0+$0x10]  }
0x30f: {  	v21 =	vand.u32 $0x7F, v23;
	v19 =	vand.u32 $0x7F, v22;
	v20 =	vld [tilespmem:s0+$0xFFFFFFE0];
	v5 =	vand.u32 $0xFFFFFC00, v5  }
0x310: {  	v29 =	vor.u32 v19, v15;
	v30 =	vor.u32 v21, v16;
	v28 =	vor.u32 v4, v5;
	v22 =	vld [tilespmem:s0+$0xFFFFFFF0]  }
0x311: {  	v16 =	vor.u32 $0x80, v29;
	v24 =	vor.u32 $0x80, v30;
	v15 =	vor.u32 $0x80, v28;
	v21 =	vld [tilespmem:s0+$0x0]  }
0x312: {  	s3 =	sadd.s32 $0x40, s3;
	v32 =	vor.u32 $0x100, v29;
	v26 =	vor.u32 $0x100, v30;
	v31 =	vor.u32 $0x100, v28;
	v23 =	vld.idx.msk [tilespmem:v14+s1+$0x0], $0xffff  }
0x313: {  	v19 =	vor.u32 $0x180, v29;
	v25 =	vor.u32 $0x180, v28;
	v4 =	vld [tilespmem:s3+$0x10];
	v5 =	vshll.u32 v17, $0x3  }
0x314: {  	v17 =	vand.u32 $0x7F, v17;
	v33 =	vld [tilespmem:s3+$0xFFFFFFE0];
	v34 =	vshll.u32 v20, $0x3;
	v5 =	vand.u32 $0xFFFFFC00, v5  }
0x315: {  	v35 =	vld.idx.msk [tilespmem:v28+s1+$0x0], $0xffff;
	v34 =	vand.u32 $0xFFFFFC00, v34;
	v36 =	vshll.u32 v22, $0x3;
	v5 =	vor.u32 v17, v5  }
0x316: {  	v38 =	vor.u32 $0x80, v14;
	v17 =	vld.idx.msk [tilespmem:v29+s1+$0x0], $0xffff;
	v36 =	vand.u32 $0xFFFFFC00, v36;
	v37 =	vshll.u32 v21, $0x3  }
0x317: {  	v20 =	vand.u32 $0x7F, v20;
	v22 =	vand.u32 $0x7F, v22;
	v39 =	vld.idx.msk [tilespmem:v30+s1+$0x0], $0xffff;
	v37 =	vand.u32 $0xFFFFFC00, v37  }
0x318: {  	v34 =	vor.u32 v20, v34;
	v20 =	vand.u32 $0x7F, v21;
	v40 =	vld [tilespmem:s3+$0xFFFFFFF0];
	v21 =	vmul.f32 v23, v4  }
0x319: {  	v41 =	vor.u32 $0x80, v34;
	v36 =	vor.u32 v22, v36;
	v37 =	vor.u32 v20, v37;
	v42 =	vld [tilespmem:s3+$0x0]  }
0x31a: {  	v43 =	vor.u32 $0x100, v34;
	v44 =	vor.u32 $0x80, v36;
	v45 =	vor.u32 $0x80, v37;
	[tilespmem:v5+s30+$0x0] =	vst.idx.add.f32.msk $0xffff, v21  }
0x31b: {  	v46 =	vor.u32 $0x100, v37;
	v20 =	vmul.f32 v35, v33;
	v35 =	vor.u32 $0x100, v36;
	v23 =	vld.idx.msk [tilespmem:v38+s1+$0x0], $0xffff  }
0x31c: {  	v48 =	vor.u32 $0x180, v30;
	v47 =	vor.u32 $0x180, v36;
	v38 =	vor.u32 $0x180, v34;
	[tilespmem:v13+s30+$0x0] =	vst.idx.add.f32.msk $0xffff, v18  }
0x31d: {  	v49 =	vor.u32 $0x200, v28;
	v50 =	vor.u32 $0x180, v37;
	[tilespmem:v34+s30+$0x0] =	vst.idx.add.f32.msk $0xffff, v20;
	v13 =	vmul.f32 v17, v40  }
0x31e: {  	v51 =	vor.u32 $0x200, v29;
	v15 =	vld.idx.msk [tilespmem:v15+s1+$0x0], $0xffff;
	v17 =	vmul.f32 v39, v42;
	v39 =	vor.u32 $0x80, v5  }
0x31f: {  	v53 =	vor.u32 $0x200, v30;
	v52 =	vor.u32 $0x200, v34;
	[tilespmem:v36+s30+$0x0] =	vst.idx.add.f32.msk $0xffff, v13;
	v13 =	vor.u32 $0x100, v14  }
0x320: {  	v54 =	vor.u32 $0x280, v28;
	v55 =	vor.u32 $0x200, v36;
	v21 =	vor.u32 $0x200, v37;
	[tilespmem:v37+s30+$0x0] =	vst.idx.add.f32.msk $0xffff, v17  }
0x321: {  	v57 =	vor.u32 $0x280, v29;
	v22 =	vor.u32 $0x280, v30;
	v58 =	vmul.f32 v23, v4;
	v56 =	vld.idx.msk [tilespmem:v16+s1+$0x0], $0xffff  }
0x322: {  	v18 =	vor.u32 $0x280, v36;
	v23 =	vor.u32 $0x280, v34;
	v16 =	vor.u32 $0x280, v37;
	v59 =	vld.idx.msk [tilespmem:v24+s1+$0x0], $0xffff  }
0x323: {  	v20 =	vor.u32 $0x300, v29;
	v17 =	vor.u32 $0x300, v30;
	v24 =	vor.u32 $0x300, v28;
	[tilespmem:v39+s30+$0x0] =	vst.idx.add.f32.msk $0xffff, v58  }
0x324: {  	v27 =	vmul.f32 v27, v3;
	v39 =	vmul.f32 v15, v33;
	v15 =	vor.u32 $0x300, v34;
	v58 =	vld.idx.msk [tilespmem:v13+s1+$0x0], $0xffff  }
0x325: {  	v60 =	vor.u32 $0x300, v37;
	v13 =	vor.u32 $0x300, v36;
	v61 =	vld.idx.msk [tilespmem:v9+s1+$0x0], $0xffff;
	v9 =	vor.u32 $0x380, v28  }
0x326: {  	v29 =	vor.u32 $0x380, v29;
	v30 =	vor.u32 $0x380, v30;
	v28 =	vor.u32 $0x380, v34;
	[tilespmem:v41+s30+$0x0] =	vst.idx.add.f32.msk $0xffff, v39  }
0x327: {  	v36 =	vor.u32 $0x380, v36;
	v34 =	vmul.f32 v56, v40;
	v39 =	vor.u32 $0x100, v5;
	v31 =	vld.idx.msk [tilespmem:v31+s1+$0x0], $0xffff  }
0x328: {  	v37 =	vor.u32 $0x380, v37;
	v56 =	vor.u32 $0x180, v14;
	v41 =	vmul.f32 v59, v42;
	[tilespmem:v10+s30+$0x0] =	vst.idx.add.f32.msk $0xffff, v27;
	v10 =	vmovc v60  }
0x329: {  	[tilespmem:v44+s30+$0x0] =	vst.idx.add.f32.msk $0xffff, v34  }
0x32a: {  	v27 =	vmul.f32 v58, v4;
	[tilespmem:v45+s30+$0x0] =	vst.idx.add.f32.msk $0xffff, v41  }
0x32b: {  	v34 =	vmul.f32 v61, v1;
	v1 =	vmov v33;
	v32 =	vld.idx.msk [tilespmem:v32+s1+$0x0], $0xffff  }
0x32c: {  	[tilespmem:v39+s30+$0x0] =	vst.idx.add.f32.msk $0xffff, v27  }
0x32d: {  	v27 =	vmul.f32 v31, v1;
	v31 =	vld.idx.msk [tilespmem:v56+s1+$0x0], $0xffff  }
0x32e: {  	v26 =	vld.idx.msk [tilespmem:v26+s1+$0x0], $0xffff  }
0x32f: {  	[tilespmem:v43+s30+$0x0] =	vst.idx.add.f32.msk $0xffff, v27  }
0x330: {  	v27 =	vor.u32 $0x180, v5;
	v25 =	vld.idx.msk [tilespmem:v25+s1+$0x0], $0xffff  }
0x331: {  	v33 =	vor.u32 $0x200, v14;
	v32 =	vmul.f32 v32, v40;
	v39 =	vld.idx.msk [tilespmem:v11+s1+$0x0], $0xffff;
	v11 =	vmov v29  }
0x332: {  	v29 =	vld.idx.msk [tilespmem:v12+s1+$0x0], $0xffff;
	v12 =	vmov v30  }
0x333: {  	v30 =	vmul.f32 v31, v4;
	[tilespmem:v35+s30+$0x0] =	vst.idx.add.f32.msk $0xffff, v32  }
0x334: {  	v26 =	vmul.f32 v26, v42;
	v19 =	vld.idx.msk [tilespmem:v19+s1+$0x0], $0xffff  }
0x335: {  	[tilespmem:v27+s30+$0x0] =	vst.idx.add.f32.msk $0xffff, v30  }
0x336: {  	v25 =	vmul.f32 v25, v1;
	v27 =	vld.idx.msk [tilespmem:v33+s1+$0x0], $0xffff  }
0x337: {  	[tilespmem:v46+s30+$0x0] =	vst.idx.add.f32.msk $0xffff, v26;
	v26 =	vmul.f32 v39, v2;
	v2 =	vmov v40  }
0x338: {  	v29 =	vmul.f32 v29, v3;
	v3 =	vmov v42;
	v30 =	vld.idx.msk [tilespmem:v48+s1+$0x0], $0xffff  }
0x339: {  	[tilespmem:v38+s30+$0x0] =	vst.idx.add.f32.msk $0xffff, v25;
	v25 =	vor.u32 $0x200, v5  }
0x33a: {  	v32 =	vor.u32 $0x280, v14;
	v19 =	vmul.f32 v19, v2;
	v31 =	vld.idx.msk [tilespmem:v49+s1+$0x0], $0xffff  }
0x33b: {  	[tilespmem:v6+s30+$0x0] =	vst.idx.add.f32.msk $0xffff, v34;
	v6 =	vmov v28  }
0x33c: {  	[tilespmem:v47+s30+$0x0] =	vst.idx.add.f32.msk $0xffff, v19;
	v19 =	vmul.f32 v27, v4  }
0x33d: {  	v27 =	vld.idx.msk [tilespmem:v51+s1+$0x0], $0xffff  }
0x33e: {  	v28 =	vmul.f32 v30, v3;
	[tilespmem:v25+s30+$0x0] =	vst.idx.add.f32.msk $0xffff, v19  }
0x33f: {  	v19 =	vld.idx.msk [tilespmem:v32+s1+$0x0], $0xffff  }
0x340: {  	v25 =	vmul.f32 v31, v1;
	[tilespmem:v50+s30+$0x0] =	vst.idx.add.f32.msk $0xffff, v28  }
0x341: {  	v28 =	vld.idx.msk [tilespmem:v53+s1+$0x0], $0xffff  }
0x342: {  	[tilespmem:v52+s30+$0x0] =	vst.idx.add.f32.msk $0xffff, v25;
	v25 =	vor.u32 $0x280, v5  }
0x343: {  	v31 =	vor.u32 $0x300, v14;
	v27 =	vmul.f32 v27, v2;
	v30 =	vld.idx.msk [tilespmem:v54+s1+$0x0], $0xffff  }
0x344: {  	[tilespmem:v7+s30+$0x0] =	vst.idx.add.f32.msk $0xffff, v26;
	v7 =	vmov v36  }
0x345: {  	v19 =	vmul.f32 v19, v4;
	[tilespmem:v55+s30+$0x0] =	vst.idx.add.f32.msk $0xffff, v27  }
0x346: {  	v26 =	vld.idx.msk [tilespmem:v57+s1+$0x0], $0xffff  }
0x347: {  	v27 =	vmul.f32 v28, v3;
	[tilespmem:v25+s30+$0x0] =	vst.idx.add.f32.msk $0xffff, v19  }
0x348: {  	v25 =	vld.idx.msk [tilespmem:v31+s1+$0x0], $0xffff  }
0x349: {  	v19 =	vmul.f32 v30, v1;
	[tilespmem:v21+s30+$0x0] =	vst.idx.add.f32.msk $0xffff, v27  }
0x34a: {  	v21 =	vld.idx.msk [tilespmem:v22+s1+$0x0], $0xffff  }
0x34b: {  	v22 =	vor.u32 $0x300, v5;
	[tilespmem:v23+s30+$0x0] =	vst.idx.add.f32.msk $0xffff, v19  }
0x34c: {  	v14 =	vor.u32 $0x380, v14;
	v23 =	vmul.f32 v26, v2;
	v19 =	vld.idx.msk [tilespmem:v24+s1+$0x0], $0xffff  }
.Ltmp10:
0x34d: {  	[tilespmem:v8+s30+$0x0] =	vst.idx.add.f32.msk $0xffff, v29;
	v8 =	vmov v37;
	(pc) =	sbr.rel @p0 .LBB2_22-.Ltmp10, $4  }
0x34e: {  	[tilespmem:v18+s30+$0x0] =	vst.idx.add.f32.msk $0xffff, v23;
	v23 =	vmul.f32 v25, v4  }
0x34f: {  	v18 =	vld.idx.msk [tilespmem:v20+s1+$0x0], $0xffff  }
0x350: {  	v20 =	vmul.f32 v21, v3;
	[tilespmem:v22+s30+$0x0] =	vst.idx.add.f32.msk $0xffff, v23  }
0x351: {  	s25 =	sadd.s32 $0x40, s25;
	v14 =	vld.idx.msk [tilespmem:v14+s1+$0x0], $0xffff  }
0x352: {  	_ =	sdelay $0x3  }
0x353: {  	[tilespmem:v16+s30+$0x0] =	vst.idx.add.f32.msk $0xffff, v20  }
0x354: {  	v16 =	vld.idx.msk [tilespmem:v17+s1+$0x0], $0xffff  }
0x355: {  	v60 =	vmul.f32 v19, v1;
	_ =	sdelay $0x1  }
0x356: {  	v18 =	vmul.f32 v18, v2;
	[tilespmem:v15+s30+$0x0] =	vst.idx.add.f32.msk $0xffff, v60  }
0x357: {  	v9 =	vld.idx.msk [tilespmem:v9+s1+$0x0], $0xffff  }
0x358: {  	[tilespmem:v13+s30+$0x0] =	vst.idx.add.f32.msk $0xffff, v18;
	v61 =	vmul.f32 v16, v3  }
0x359: {  	v62 =	vld.idx.msk [tilespmem:v11+s1+$0x0], $0xffff  }
0x35a: {  	v5 =	vor.u32 $0x380, v5;
	[tilespmem:v10+s30+$0x0] =	vst.idx.add.f32.msk $0xffff, v61  }
0x35b: {  	v63 =	vld.idx.msk [tilespmem:v12+s1+$0x0], $0xffff;
	_ =	sdelay $0x1  }
0x35c: {  	v4 =	vmul.f32 v14, v4  }
0x35d: {  	v1 =	vmul.f32 v9, v1  }
0x35e: {  	[tilespmem:v5+s30+$0x0] =	vst.idx.add.f32.msk $0xffff, v4;
	v2 =	vmul.f32 v62, v2  }
0x35f: {  	s31 =	sadd.s32 $0x1, s31;
	[tilespmem:v6+s30+$0x0] =	vst.idx.add.f32.msk $0xffff, v1;
	v3 =	vmul.f32 v63, v3  }
0x360: {  	p0 =	sne.s32 s31, s16;
	[tilespmem:v7+s30+$0x0] =	vst.idx.add.f32.msk $0xffff, v2  }
.Ltmp11:
0x361: {  	[tilespmem:v8+s30+$0x0] =	vst.idx.add.f32.msk $0xffff, v3;
	(pc) =	sbr.rel @p0 .LBB2_1-.Ltmp11, $4  }
0x362: {  	[hbm4b:s15+s1] =	stream.linear.scatter [tilespmem:s30], [sflag:$0x3], $0x8000, $0x38;
	[tilespmem:$0x1F000] =	vst v63  }
0x363: {  	_ =	swait.ge [sflag:s28], $0x8000  }
0x364: {  	[sflag:s28] =	ssyncset.done $0x0  }
0x365: {  	[sflag:s28] =	ssyncadd.s32 $0xFFFF8000  }
0x366: {  	_ =	sfence.sel $0x180000  }
0x367: {  	[bflag:$0x0] =	sbarrier.arrive $0xFFFF  }
0x368: {  	_ =	strace $0x90000047  }
0x369: {  	s0 =	stileid.u32;
	[bflag:$0x2] =	sbarrier.arrive $0xFFFF  }
0x36a: {  	p0 =	sne.s32 s0, $0x0;
	s0 =	rddreg [dreg:$0x2]  }
0x36b: {  	s0 =	sadd.s32 @!p0 $0x100000, s0  }
0x36c: {  	[sflag:s0] =	ssyncadd.tile.s32 @!p0 $0x1;
	_ =	shalt  }
.Lfunc_end2:
_tile_overlayer_lowered:
.L_overlay_start_2:
0x36d: {  	(tag) =	ssettag $0x2  }
0x36e: {  	s0 =	rddreg [dreg:$0x0];
	s2 =	stileid.u32  }
0x36f: {  	s1 =	rddreg [dreg:$0x1];
	p0 =	sne.s32 s2, $0x0  }
0x370: {  	s3 =	rddreg [dreg:$0x2];
	[bflag:$0x3] =	sbarrier.arrive $0xFFFF;
	s2 =	simm.s32 @!p0 $0x1C03  }
0x371: {  	[timem:s3], [sflag:s2] =	dma.local @!p0 [hbm:s0], s1  }
0x372: {  	s0 =	simm.s32 @!p0 $0x3  }
0x373: {  	_ =	swait.ge @!p0 [sflag:s0], s1  }
0x374: {  	s1 =	ssub.s32 @!p0 $0x0, s1;
	[sflag:s0] =	ssyncset.done @!p0 $0x0  }
0x375: {  	[sflag:s0] =	ssyncadd.s32 @!p0 s1  }
0x376: {  	[bflag:$0x3] =	sbarrier.arrive $0xFFFF  }
0x377: {  	_ =	shalt  }

</sc_bundles>
